<compile_context>
chip_gen: v7x
topology: tpu7x:2x2x1
jax: 0.10.2.dev20260603
libtpu: 0.0.44.dev20260713+nightly
codegen_flags: <defaults>
</compile_context>

<pallas_src>
import functools

import jax
import jax.numpy as jnp
from jax import lax
from jax.experimental import pallas as pl
from jax.experimental.pallas import tpu as pltpu
from jax.experimental.pallas import tpu_sc as plsc

N = 10000
F_IN = 128
HID = 8
HEADS = 8
HH = HEADS * HID
OUT = 16

NP = 10016
E0 = 320000
ET = E0 + N
EP = 344064
NC, NS, L = 2, 16, 16
NW = NC * NS
NPV = NP // L

CA1 = 2048
EQ1 = EP // 4
NCH_A1 = EQ1 // CA1
EH = EP // 2
CB1 = 4096
NCH_B1 = EH // CB1
EQ = EP // 4
CB2 = 2048
NCH_B2 = EQ // CB2
ES2 = EP // NW
CA2 = 1344
NCH_A2 = ES2 // CA2

f32 = jnp.float32
i32 = jnp.int32

_SC_PARAMS = pltpu.CompilerParams(needs_layout_passes=False)


@functools.cache
def _mesh():
    return plsc.VectorSubcoreMesh(core_axis_name="c", subcore_axis_name="s",
                                  num_cores=NC, num_subcores=NS)


def _wid():
    return lax.axis_index("s") * NC + lax.axis_index("c")


def _vmap_loop(ref_ops, n, unroll=4):
    @plsc.parallel_loop(0, n, unroll=unroll)
    def _(i):
        ref_ops(pl.ds(i * L, L))



def _tc1_body(x_ref, w1lo_ref, w1hi_ref, asbd_lo_ref, asbd_hi_ref,
              adbd_lo_ref, adbd_hi_ref,
              xpp_ref, asT_ref, adT_ref, b_ref):
    x = x_ref[...]
    dn = (((1,), (1,)), ((), ()))
    xpTlo = lax.dot_general(w1lo_ref[...], x, dn,
                            preferred_element_type=f32)
    xpThi = lax.dot_general(w1hi_ref[...], x, dn,
                            preferred_element_type=f32)
    lo_w = lax.bitcast_convert_type(xpTlo.astype(jnp.bfloat16),
                                    jnp.uint16).astype(jnp.uint32)
    hi_w = lax.bitcast_convert_type(xpThi.astype(jnp.bfloat16),
                                    jnp.uint16).astype(jnp.uint32)
    xpp_ref[...] = lax.bitcast_convert_type(lo_w | (hi_w << 16), jnp.int32)
    asT = (jnp.dot(asbd_lo_ref[...], xpTlo, preferred_element_type=f32)
           + jnp.dot(asbd_hi_ref[...], xpThi, preferred_element_type=f32))
    adT = (jnp.dot(adbd_lo_ref[...], xpTlo, preferred_element_type=f32)
           + jnp.dot(adbd_hi_ref[...], xpThi, preferred_element_type=f32))
    asT_ref[...] = asT
    adT_ref[...] = adT
    s = (jnp.max(asT, axis=1, keepdims=True)
         + jnp.max(adT, axis=1, keepdims=True))
    b = jnp.maximum(s, 0.2 * s)
    b_ref[...] = jnp.broadcast_to(b, (HEADS, 16))


_tc1 = pl.pallas_call(
    _tc1_body,
    out_shape=[
        jax.ShapeDtypeStruct((HH // 2, NP), i32),
        jax.ShapeDtypeStruct((HEADS, NP), f32),
        jax.ShapeDtypeStruct((HEADS, NP), f32),
        jax.ShapeDtypeStruct((HEADS, 16), f32),
    ],
)


def _tc3_body(o1_ref, dp_ref, b1_ref, w2lo_ref, w2hi_ref, as2wlo_ref,
              as2whi_ref, ad2wlo_ref, ad2whi_ref,
              hpp_ref, s2_ref, d2_ref, b2_ref):
    den = 0.5 * jnp.sum(dp_ref[...], axis=1)
    rden = 1.0 / (den + 1e-16)
    rden64 = jnp.broadcast_to(rden[:, None, :], (HEADS, HID, NP)).reshape(HH, NP)
    hsum = (o1_ref[0] + o1_ref[1]) * rden64 + b1_ref[...]
    h = jnp.where(hsum > 0, hsum, jnp.exp(jnp.minimum(hsum, 0.0)) - 1.0)
    hpTlo = jnp.dot(w2lo_ref[...], h, preferred_element_type=f32)
    hpThi = jnp.dot(w2hi_ref[...], h, preferred_element_type=f32)
    lo_w = lax.bitcast_convert_type(hpTlo.astype(jnp.bfloat16),
                                    jnp.uint16).astype(jnp.uint32)
    hi_w = lax.bitcast_convert_type(hpThi.astype(jnp.bfloat16),
                                    jnp.uint16).astype(jnp.uint32)
    hpp_ref[...] = lax.bitcast_convert_type(lo_w | (hi_w << 16), jnp.int32)
    s2 = (jnp.dot(as2wlo_ref[...], hpTlo, preferred_element_type=f32)
          + jnp.dot(as2whi_ref[...], hpThi, preferred_element_type=f32))
    d2 = (jnp.dot(ad2wlo_ref[...], hpTlo, preferred_element_type=f32)
          + jnp.dot(ad2whi_ref[...], hpThi, preferred_element_type=f32))
    s2_ref[...] = s2
    d2_ref[...] = d2
    t = (jnp.max(s2, axis=1, keepdims=True)
         + jnp.max(d2, axis=1, keepdims=True))
    b2 = jnp.maximum(t, 0.2 * t)
    b2_ref[...] = jnp.broadcast_to(b2, (1, 16))


_tc3 = pl.pallas_call(
    _tc3_body,
    out_shape=[
        jax.ShapeDtypeStruct((OUT // 2, NP), i32),
        jax.ShapeDtypeStruct((1, NP), f32),
        jax.ShapeDtypeStruct((1, NP), f32),
        jax.ShapeDtypeStruct((1, 16), f32),
    ],
)


def _tc5_body(o2_ref, dp_ref, b2_ref, out_ref):
    den = 0.125 * jnp.sum(dp_ref[...], axis=0, keepdims=True)
    rden = 1.0 / (den + 1e-16)
    osum = o2_ref[0] + o2_ref[1] + o2_ref[2] + o2_ref[3]
    out_ref[...] = osum * rden + b2_ref[...]


_tc5 = pl.pallas_call(
    _tc5_body,
    out_shape=[jax.ShapeDtypeStruct((OUT, NP), f32)],
)



def _sc_l1_body(as_hbm, ad_hbm, xp_hbm, src_hbm, dst_hbm, bv_hbm,
                o1_hbm, dp_hbm,
                as_v, ad_v, den_v, bv_v,
                acc0, acc1, acc2, acc3, xp0, xp1,
                src0, src1, dst0, dst1,
                ss0, ss1, sd0, sd1):
    wid = _wid()
    cq = wid % 16
    hf = wid // 16
    h = cq // 2
    q = (cq % 2) * 2 + hf
    accs = (acc0, acc1, acc2, acc3)
    xpps = (xp0, xp1)
    srcs, dsts = (src0, src1), (dst0, dst1)
    sss, sds = (ss0, ss1), (sd0, sd1)
    base = hf * EH

    def start_in(j, b):
        off = pl.multiple_of(base + j * CB1, 8)
        pltpu.async_copy(src_hbm.at[pl.ds(off, CB1)], srcs[b], sss[b])
        pltpu.async_copy(dst_hbm.at[pl.ds(off, CB1)], dsts[b], sds[b])

    def wait_in(b):
        pltpu.make_async_copy(src_hbm.at[pl.ds(0, CB1)], srcs[b], sss[b]).wait()
        pltpu.make_async_copy(dst_hbm.at[pl.ds(0, CB1)], dsts[b], sds[b]).wait()

    start_in(0, 0)

    pltpu.sync_copy(as_hbm.at[h], as_v)
    pltpu.sync_copy(ad_hbm.at[h], ad_v)
    pltpu.sync_copy(bv_hbm, bv_v)
    bh = bv_v[h, :]

    def zero(sl):
        den_v[sl] = jnp.zeros((L,), f32)
    _vmap_loop(zero, NPV)

    for k in range(2):
        pltpu.sync_copy(xp_hbm.at[2 * cq + k], xpps[k])
    for k in range(4):
        def zeroa(sl, a=accs[k]):
            a[sl] = jnp.zeros((L,), f32)
        _vmap_loop(zeroa, NPV)

    def outer(g, _):
        for b in range(2):
            j = 2 * g + b
            wait_in(b)
            if b == 0:
                start_in(j + 1, 1)
            else:
                @pl.when(g < NCH_B1 // 2 - 1)
                def _():
                    start_in(j + 1, 0)

            def inner(sl, b=b):
                si = srcs[b][sl]
                di = dsts[b][sl]
                al = plsc.load_gather(as_v, [si]) + plsc.load_gather(ad_v, [di])
                al = jnp.maximum(al, 0.2 * al)
                e = jnp.exp(al - bh)
                plsc.addupdate_scatter(den_v, [di], e)
                for k in range(2):
                    gi = plsc.load_gather(xpps[k], [si])
                    pb = plsc.bitcast(gi, jnp.bfloat16)
                    lo, hi = plsc.unpack(pb, format=plsc.PackFormat.INTERLEAVED,
                                         preferred_element_type=f32)
                    plsc.addupdate_scatter(accs[2 * k], [di], e * lo)
                    plsc.addupdate_scatter(accs[2 * k + 1], [di], e * hi)
            _vmap_loop(inner, CB1 // L, unroll=4)
        return 0
    lax.fori_loop(0, NCH_B1 // 2, outer, 0)
    for k in range(4):
        pltpu.sync_copy(accs[k], o1_hbm.at[hf, 4 * cq + k])
    pltpu.sync_copy(den_v, dp_hbm.at[h, q])


@functools.cache
def _sc_l1():
  return pl.kernel(
    _sc_l1_body,
    out_type=[
        jax.ShapeDtypeStruct((2, HH, NP), f32),
        jax.ShapeDtypeStruct((HEADS, 4, NP), f32),
    ],
    mesh=_mesh(),
    compiler_params=_SC_PARAMS,
    scratch_types=[
        pltpu.VMEM((NP,), f32),
        pltpu.VMEM((NP,), f32),
        pltpu.VMEM((NP,), f32),
        pltpu.VMEM((HEADS, 16), f32),
        pltpu.VMEM((NP,), f32),
        pltpu.VMEM((NP,), f32),
        pltpu.VMEM((NP,), f32),
        pltpu.VMEM((NP,), f32),
        pltpu.VMEM((NP,), i32),
        pltpu.VMEM((NP,), i32),
        pltpu.VMEM((CB1,), i32),
        pltpu.VMEM((CB1,), i32),
        pltpu.VMEM((CB1,), i32),
        pltpu.VMEM((CB1,), i32),
        pltpu.SemaphoreType.DMA,
        pltpu.SemaphoreType.DMA,
        pltpu.SemaphoreType.DMA,
        pltpu.SemaphoreType.DMA,
    ],
  )


def _sc_l2_body(s2_hbm, d2_hbm, hp_hbm, src_hbm, dst_hbm, bv_hbm,
                o2_hbm, dp_hbm,
                s2_v, d2_v, den_v, bv_v, acc0, acc1, hpp_v,
                src0, src1, dst0, dst1,
                ss0, ss1, sd0, sd1):
    wid = _wid()
    p = wid % 8
    qt = wid // 8
    accs = (acc0, acc1)
    srcs, dsts = (src0, src1), (dst0, dst1)
    sss, sds = (ss0, ss1), (sd0, sd1)
    base = qt * EQ

    def start_in(j, b):
        off = pl.multiple_of(base + j * CB2, 8)
        pltpu.async_copy(src_hbm.at[pl.ds(off, CB2)], srcs[b], sss[b])
        pltpu.async_copy(dst_hbm.at[pl.ds(off, CB2)], dsts[b], sds[b])

    def wait_in(b):
        pltpu.make_async_copy(src_hbm.at[pl.ds(0, CB2)], srcs[b], sss[b]).wait()
        pltpu.make_async_copy(dst_hbm.at[pl.ds(0, CB2)], dsts[b], sds[b]).wait()

    start_in(0, 0)

    pltpu.sync_copy(s2_hbm.at[0], s2_v)
    pltpu.sync_copy(d2_hbm.at[0], d2_v)
    pltpu.sync_copy(hp_hbm.at[p], hpp_v)
    pltpu.sync_copy(bv_hbm, bv_v)
    bh = bv_v[0, :]

    def zero(sl):
        den_v[sl] = jnp.zeros((L,), f32)
        acc0[sl] = jnp.zeros((L,), f32)
        acc1[sl] = jnp.zeros((L,), f32)
    _vmap_loop(zero, NPV)

    def outer(g, _):
        for b in range(2):
            j = 2 * g + b
            wait_in(b)
            if b == 0:
                start_in(j + 1, 1)
            else:
                @pl.when(g < NCH_B2 // 2 - 1)
                def _():
                    start_in(j + 1, 0)

            def inner(sl, b=b):
                si = srcs[b][sl]
                di = dsts[b][sl]
                al = plsc.load_gather(s2_v, [si]) + plsc.load_gather(d2_v, [di])
                al = jnp.maximum(al, 0.2 * al)
                e = jnp.exp(al - bh)
                plsc.addupdate_scatter(den_v, [di], e)
                gi = plsc.load_gather(hpp_v, [si])
                pb = plsc.bitcast(gi, jnp.bfloat16)
                lo, hi = plsc.unpack(pb, format=plsc.PackFormat.INTERLEAVED,
                                     preferred_element_type=f32)
                plsc.addupdate_scatter(acc0, [di], e * lo)
                plsc.addupdate_scatter(acc1, [di], e * hi)
            _vmap_loop(inner, CB2 // L, unroll=4)
        return 0
    lax.fori_loop(0, NCH_B2 // 2, outer, 0)
    pltpu.sync_copy(acc0, o2_hbm.at[qt, 2 * p])
    pltpu.sync_copy(acc1, o2_hbm.at[qt, 2 * p + 1])
    pltpu.sync_copy(den_v, dp_hbm.at[wid])


@functools.cache
def _sc_l2():
  return pl.kernel(
    _sc_l2_body,
    out_type=[
        jax.ShapeDtypeStruct((4, OUT, NP), f32),
        jax.ShapeDtypeStruct((NW, NP), f32),
    ],
    mesh=_mesh(),
    compiler_params=_SC_PARAMS,
    scratch_types=[
        pltpu.VMEM((NP,), f32),
        pltpu.VMEM((NP,), f32),
        pltpu.VMEM((NP,), f32),
        pltpu.VMEM((1, 16), f32),
        pltpu.VMEM((NP,), f32),
        pltpu.VMEM((NP,), f32),
        pltpu.VMEM((NP,), i32),
        pltpu.VMEM((CB2,), i32),
        pltpu.VMEM((CB2,), i32),
        pltpu.VMEM((CB2,), i32),
        pltpu.VMEM((CB2,), i32),
        pltpu.SemaphoreType.DMA,
        pltpu.SemaphoreType.DMA,
        pltpu.SemaphoreType.DMA,
        pltpu.SemaphoreType.DMA,
    ],
  )



def kernel(x, edge_index, W1, att_src1, att_dst1, b1, W2, att_src2, att_dst2, b2):
    x_p = jnp.pad(x, ((0, NP - N), (0, 0)))
    loop = jnp.arange(N, dtype=i32)
    padv = jnp.full((EP - ET,), N, i32)
    src_p = jnp.concatenate([edge_index[0].astype(i32), loop, padv])
    dst_p = jnp.concatenate([edge_index[1].astype(i32), loop, padv])

    eye = jnp.eye(HEADS, dtype=f32)
    asbd = (eye[:, :, None] * att_src1[None, :, :]).reshape(HEADS, HH)
    adbd = (eye[:, :, None] * att_dst1[None, :, :]).reshape(HEADS, HH)

    xpp, asT, adT, b1v = _tc1(x_p, W1[0::2], W1[1::2], asbd[:, 0::2],
                              asbd[:, 1::2], adbd[:, 0::2], adbd[:, 1::2])
    o1, dp1 = _sc_l1()(asT, adT, xpp, src_p, dst_p, b1v)
    hpp, s2, d2, b2v = _tc3(o1, dp1, b1.reshape(HH, 1), W2[0::2], W2[1::2],
                            att_src2[:, 0::2], att_src2[:, 1::2],
                            att_dst2[:, 0::2], att_dst2[:, 1::2])
    o2, dp2 = _sc_l2()(s2, d2, hpp, src_p, dst_p, b2v)
    (outf,) = _tc5(o2, dp2, b2.reshape(OUT, 1))
    return outf[:, :N].T

# --- scband reference (transcript-rebuilt; emitter-appended) ---
"""Pipeline reference for scband-gat-69509750718999 (READ-ONLY COPY).

The authoritative reference and input builder live on the scoring server;
editing this copy changes nothing except your own understanding.
"""

import jax, jax.numpy as jnp
import numpy as np

N = 10000
E = 320000
F_IN = 128
HID = 8
HEADS = 8
OUT = 16

def setup_inputs(seed: int = 0):
    key = jax.random.key(seed)
    ks = jax.random.split(key, 10)
    x = jax.random.normal(ks[0], (N, F_IN), dtype=jnp.float32)
    edge_index = jax.random.randint(ks[1], (2, E), 0, N, dtype=jnp.int32)
    W1 = jax.random.normal(ks[2], (HEADS * HID, F_IN), dtype=jnp.float32) * (1.0 / np.sqrt(F_IN))
    att_src1 = jax.random.normal(ks[3], (HEADS, HID), dtype=jnp.float32) * (1.0 / np.sqrt(HID))
    att_dst1 = jax.random.normal(ks[4], (HEADS, HID), dtype=jnp.float32) * (1.0 / np.sqrt(HID))
    b1 = jnp.zeros((HEADS * HID,), dtype=jnp.float32)
    W2 = jax.random.normal(ks[5], (OUT, HEADS * HID), dtype=jnp.float32) * (1.0 / np.sqrt(HEADS * HID))
    att_src2 = jax.random.normal(ks[6], (1, OUT), dtype=jnp.float32) * (1.0 / np.sqrt(OUT))
    att_dst2 = jax.random.normal(ks[7], (1, OUT), dtype=jnp.float32) * (1.0 / np.sqrt(OUT))
    b2 = jnp.zeros((OUT,), dtype=jnp.float32)
    return {"x": x, "edge_index": edge_index, "W1": W1, "att_src1": att_src1,
            "att_dst1": att_dst1, "b1": b1, "W2": W2, "att_src2": att_src2,
            "att_dst2": att_dst2, "b2": b2}

def _gat_conv(x, src, dst, W, a_src, a_dst, b, heads, ch, concat):
    n = x.shape[0]
    xp = (x @ W.T).reshape(n, heads, ch)
    a_s = (xp * a_src[None, :, :]).sum(-1)
    a_d = (xp * a_dst[None, :, :]).sum(-1)
    alpha = a_s[src] + a_d[dst]
    alpha = jax.nn.leaky_relu(alpha, negative_slope=0.2)
    m = jax.ops.segment_max(alpha, dst, num_segments=n)
    m = jnp.where(jnp.isfinite(m), m, 0.0)
    ea = jnp.exp(alpha - m[dst])
    denom = jax.ops.segment_sum(ea, dst, num_segments=n)
    att = ea / (denom[dst] + 1e-16)
    msg = xp[src] * att[:, :, None]
    out = jax.ops.segment_sum(msg, dst, num_segments=n)
    if concat:
        out = out.reshape(n, heads * ch)
    else:
        out = out.mean(axis=1)
    return out + b

def reference(x, edge_index, W1, att_src1, att_dst1, b1, W2, att_src2, att_dst2, b2):
    # Eval mode: dropout layers are no-ops.
    n = x.shape[0]
    loop = jnp.arange(n, dtype=edge_index.dtype)
    src = jnp.concatenate([edge_index[0], loop])  # add_self_loops=True (GATConv default)
    dst = jnp.concatenate([edge_index[1], loop])
    h = _gat_conv(x, src, dst, W1, att_src1, att_dst1, b1, HEADS, HID, True)
    h = jax.nn.elu(h)
    out = _gat_conv(h, src, dst, W2, att_src2, att_dst2, b2, 1, OUT, False)
    return out

if __name__ == "__main__":
    import jax
    _d = setup_inputs()
    print(jax.jit(kernel)(*tuple(_d.values())))

</pallas_src>

<mosaic_0001>
#map = affine_map<(d0, d1) -> (0, 0)>
#map1 = affine_map<(d0, d1) -> (0)>
#map2 = affine_map<(d0, d1) -> (0, 0, 0)>
module attributes {stable_mosaic.version = 14 : i64} {
  func.func @_sc_l1_body(%arg0: i32, %arg1: i32, %arg2: memref<8x10016xf32, #tpu.memory_space<hbm>>, %arg3: memref<8x10016xf32, #tpu.memory_space<hbm>>, %arg4: memref<32x10016xi32, #tpu.memory_space<hbm>>, %arg5: memref<344064xi32, #tpu.memory_space<hbm>>, %arg6: memref<344064xi32, #tpu.memory_space<hbm>>, %arg7: memref<8x16xf32, #tpu.memory_space<hbm>>, %arg8: memref<2x64x10016xf32, #tpu.memory_space<hbm>>, %arg9: memref<8x4x10016xf32, #tpu.memory_space<hbm>>, %arg10: memref<10016xf32, #tpu.memory_space<vmem>>, %arg11: memref<10016xf32, #tpu.memory_space<vmem>>, %arg12: memref<10016xf32, #tpu.memory_space<vmem>>, %arg13: memref<8x16xf32, #tpu.memory_space<vmem>>, %arg14: memref<10016xf32, #tpu.memory_space<vmem>>, %arg15: memref<10016xf32, #tpu.memory_space<vmem>>, %arg16: memref<10016xf32, #tpu.memory_space<vmem>>, %arg17: memref<10016xf32, #tpu.memory_space<vmem>>, %arg18: memref<10016xi32, #tpu.memory_space<vmem>>, %arg19: memref<10016xi32, #tpu.memory_space<vmem>>, %arg20: memref<4096xi32, #tpu.memory_space<vmem>>, %arg21: memref<4096xi32, #tpu.memory_space<vmem>>, %arg22: memref<4096xi32, #tpu.memory_space<vmem>>, %arg23: memref<4096xi32, #tpu.memory_space<vmem>>, %arg24: memref<!tpu.dma_semaphore, #tpu.memory_space<semaphore_mem>>, %arg25: memref<!tpu.dma_semaphore, #tpu.memory_space<semaphore_mem>>, %arg26: memref<!tpu.dma_semaphore, #tpu.memory_space<semaphore_mem>>, %arg27: memref<!tpu.dma_semaphore, #tpu.memory_space<semaphore_mem>>) attributes {dimension_semantics = [#tpu.dimension_semantics<core_parallel>, #tpu.dimension_semantics<subcore_parallel>], iteration_bounds = array<i64: 2, 16>, scalar_prefetch = 0 : i64, scratch_operands = 18 : i64, tpu.core_type = #tpu.core_type<sc_vector_subcore>, window_params = [{transform_indices = #map}, {transform_indices = #map}, {transform_indices = #map}, {transform_indices = #map1}, {transform_indices = #map1}, {transform_indices = #map}, {transform_indices = #map2}, {transform_indices = #map2}]} {
    %mul3A = arith.constant 2 : i32
    %mul3A_0 = arith.muli %arg1, %mul3A : i32
    %add3A = arith.addi %mul3A_0, %arg0 : i32
    %jit3A = arith.constant 16 : i32
    %eq3A = arith.constant 0 : i32
    %eq3A_1 = arith.cmpi eq, %jit3A, %eq3A : i32
    %jit3A_2 = arith.constant 1 : i32
    %select_n3A = arith.select %eq3A_1, %jit3A_2, %jit3A : i32
    %rem3A = arith.remsi %add3A, %select_n3A : i32
    %ne3A = arith.constant 0 : i32
    %ne3A_3 = arith.cmpi ne, %rem3A, %ne3A : i32
    %lt3A = arith.constant 0 : i32
    %lt3A_4 = arith.cmpi slt, %rem3A, %lt3A : i32
    %lt3A_5 = arith.constant 0 : i32
    %lt3A_6 = arith.cmpi slt, %select_n3A, %lt3A_5 : i32
    %ne3A_7 = arith.xori %lt3A_4, %lt3A_6 : i1
    %and3A = arith.andi %ne3A_7, %ne3A_3 : i1
    %add3A_8 = arith.addi %rem3A, %select_n3A : i32
    %select_n3A_9 = arith.select %and3A, %add3A_8, %rem3A : i32
    %jit3A_10 = arith.constant 16 : i32
    %div3A = arith.divsi %add3A, %jit3A_10 : i32
    %sign3A = arith.constant 0 : i32
    %sign3A_11 = arith.cmpi sgt, %add3A, %sign3A : i32
    %sign3A_12 = arith.extui %sign3A_11 : i1 to i32
    %sign3A_13 = arith.constant 0 : i32
    %sign3A_14 = arith.cmpi slt, %add3A, %sign3A_13 : i32
    %sign3A_15 = arith.extui %sign3A_14 : i1 to i32
    %sign3A_16 = arith.subi %sign3A_12, %sign3A_15 : i32
    %sign3A_17 = arith.constant 0 : i32
    %sign3A_18 = arith.cmpi sgt, %jit3A_10, %sign3A_17 : i32
    %sign3A_19 = arith.extui %sign3A_18 : i1 to i32
    %sign3A_20 = arith.constant 0 : i32
    %sign3A_21 = arith.cmpi slt, %jit3A_10, %sign3A_20 : i32
    %sign3A_22 = arith.extui %sign3A_21 : i1 to i32
    %sign3A_23 = arith.subi %sign3A_19, %sign3A_22 : i32
    %ne3A_24 = arith.cmpi ne, %sign3A_16, %sign3A_23 : i32
    %rem3A_25 = arith.remsi %add3A, %jit3A_10 : i32
    %ne3A_26 = arith.constant 0 : i32
    %ne3A_27 = arith.cmpi ne, %rem3A_25, %ne3A_26 : i32
    %and3A_28 = arith.andi %ne3A_24, %ne3A_27 : i1
    %sub3A = arith.constant 1 : i32
    %sub3A_29 = arith.subi %div3A, %sub3A : i32
    %select_n3A_30 = arith.select %and3A_28, %sub3A_29, %div3A : i32
    %jit3A_31 = arith.constant 2 : i32
    %div3A_32 = arith.divsi %select_n3A_9, %jit3A_31 : i32
    %sign3A_33 = arith.constant 0 : i32
    %sign3A_34 = arith.cmpi sgt, %select_n3A_9, %sign3A_33 : i32
    %sign3A_35 = arith.extui %sign3A_34 : i1 to i32
    %sign3A_36 = arith.constant 0 : i32
    %sign3A_37 = arith.cmpi slt, %select_n3A_9, %sign3A_36 : i32
    %sign3A_38 = arith.extui %sign3A_37 : i1 to i32
    %sign3A_39 = arith.subi %sign3A_35, %sign3A_38 : i32
    %sign3A_40 = arith.constant 0 : i32
    %sign3A_41 = arith.cmpi sgt, %jit3A_31, %sign3A_40 : i32
    %sign3A_42 = arith.extui %sign3A_41 : i1 to i32
    %sign3A_43 = arith.constant 0 : i32
    %sign3A_44 = arith.cmpi slt, %jit3A_31, %sign3A_43 : i32
    %sign3A_45 = arith.extui %sign3A_44 : i1 to i32
    %sign3A_46 = arith.subi %sign3A_42, %sign3A_45 : i32
    %ne3A_47 = arith.cmpi ne, %sign3A_39, %sign3A_46 : i32
    %rem3A_48 = arith.remsi %select_n3A_9, %jit3A_31 : i32
    %ne3A_49 = arith.constant 0 : i32
    %ne3A_50 = arith.cmpi ne, %rem3A_48, %ne3A_49 : i32
    %and3A_51 = arith.andi %ne3A_47, %ne3A_50 : i1
    %sub3A_52 = arith.constant 1 : i32
    %sub3A_53 = arith.subi %div3A_32, %sub3A_52 : i32
    %select_n3A_54 = arith.select %and3A_51, %sub3A_53, %div3A_32 : i32
    %jit3A_55 = arith.constant 2 : i32
    %eq3A_56 = arith.constant 0 : i32
    %eq3A_57 = arith.cmpi eq, %jit3A_55, %eq3A_56 : i32
    %jit3A_58 = arith.constant 1 : i32
    %select_n3A_59 = arith.select %eq3A_57, %jit3A_58, %jit3A_55 : i32
    %rem3A_60 = arith.remsi %select_n3A_9, %select_n3A_59 : i32
    %ne3A_61 = arith.constant 0 : i32
    %ne3A_62 = arith.cmpi ne, %rem3A_60, %ne3A_61 : i32
    %lt3A_63 = arith.constant 0 : i32
    %lt3A_64 = arith.cmpi slt, %rem3A_60, %lt3A_63 : i32
    %lt3A_65 = arith.constant 0 : i32
    %lt3A_66 = arith.cmpi slt, %select_n3A_59, %lt3A_65 : i32
    %ne3A_67 = arith.xori %lt3A_64, %lt3A_66 : i1
    %and3A_68 = arith.andi %ne3A_67, %ne3A_62 : i1
    %add3A_69 = arith.addi %rem3A_60, %select_n3A_59 : i32
    %select_n3A_70 = arith.select %and3A_68, %add3A_69, %rem3A_60 : i32
    %mul3A_71 = arith.constant 2 : i32
    %mul3A_72 = arith.muli %select_n3A_70, %mul3A_71 : i32
    %add3A_73 = arith.addi %mul3A_72, %select_n3A_30 : i32
    %mul3A_74 = arith.constant 172032 : i32
    %mul3A_75 = arith.muli %select_n3A_30, %mul3A_74 : i32
    %add3A_76 = arith.constant 0 : i32
    %add3A_77 = arith.addi %mul3A_75, %add3A_76 : i32
    %multiple_of3A = tpu.assume_multiple %add3A_77, 8 : i32
    %dma_start3A = tpu.memref_slice %arg5[%multiple_of3A] : memref<344064xi32, #tpu.memory_space<hbm>> -> memref<4096xi32, #tpu.memory_space<hbm>>
    %dma_start3A_78 = tpu.memref_slice %arg5[%multiple_of3A] : memref<344064xi32, #tpu.memory_space<hbm>> -> memref<4096xi32, #tpu.memory_space<hbm>>
    tpu.enqueue_dma source(%dma_start3A_78 : memref<4096xi32, #tpu.memory_space<hbm>>) target(%arg20 : memref<4096xi32, #tpu.memory_space<vmem>>) target_semaphore(%arg24 : memref<!tpu.dma_semaphore, #tpu.memory_space<semaphore_mem>>)
    %dma_start3A_79 = tpu.memref_slice %arg6[%multiple_of3A] : memref<344064xi32, #tpu.memory_space<hbm>> -> memref<4096xi32, #tpu.memory_space<hbm>>
    %dma_start3A_80 = tpu.memref_slice %arg6[%multiple_of3A] : memref<344064xi32, #tpu.memory_space<hbm>> -> memref<4096xi32, #tpu.memory_space<hbm>>
    tpu.enqueue_dma source(%dma_start3A_80 : memref<4096xi32, #tpu.memory_space<hbm>>) target(%arg22 : memref<4096xi32, #tpu.memory_space<vmem>>) target_semaphore(%arg26 : memref<!tpu.dma_semaphore, #tpu.memory_space<semaphore_mem>>)
    "tpu.region"() ({
      %run_scoped3A = tpu.sem_alloc : memref<!tpu.dma_semaphore, #tpu.memory_space<semaphore_mem>>
      %dma_start3A_127 = arith.constant 0 : i32
      %dma_start3A_128 = tpu.memref_slice %arg2[%select_n3A_54, %dma_start3A_127] : memref<8x10016xf32, #tpu.memory_space<hbm>> -> memref<1x10016xf32, #tpu.memory_space<hbm>>
      %dma_start3A_129 = tpu.memref_squeeze %dma_start3A_128 : memref<1x10016xf32, #tpu.memory_space<hbm>> -> memref<10016xf32, #tpu.memory_space<hbm>>
      %dma_start3A_130 = arith.constant 0 : i32
      %dma_start3A_131 = tpu.memref_slice %arg2[%select_n3A_54, %dma_start3A_130] : memref<8x10016xf32, #tpu.memory_space<hbm>> -> memref<1x10016xf32, #tpu.memory_space<hbm>>
      %dma_start3A_132 = tpu.memref_squeeze %dma_start3A_131 : memref<1x10016xf32, #tpu.memory_space<hbm>> -> memref<10016xf32, #tpu.memory_space<hbm>>
      tpu.enqueue_dma source(%dma_start3A_132 : memref<10016xf32, #tpu.memory_space<hbm>>) target(%arg10 : memref<10016xf32, #tpu.memory_space<vmem>>) target_semaphore(%run_scoped3A : memref<!tpu.dma_semaphore, #tpu.memory_space<semaphore_mem>>)
      %dma_wait3A = arith.constant 0 : i32
      %dma_wait3A_133 = tpu.memref_slice %arg2[%select_n3A_54, %dma_wait3A] : memref<8x10016xf32, #tpu.memory_space<hbm>> -> memref<1x10016xf32, #tpu.memory_space<hbm>>
      %dma_wait3A_134 = tpu.memref_squeeze %dma_wait3A_133 : memref<1x10016xf32, #tpu.memory_space<hbm>> -> memref<10016xf32, #tpu.memory_space<hbm>>
      %dma_wait3A_135 = arith.constant 0 : i32
      %dma_wait3A_136 = tpu.memref_slice %arg2[%select_n3A_54, %dma_wait3A_135] : memref<8x10016xf32, #tpu.memory_space<hbm>> -> memref<1x10016xf32, #tpu.memory_space<hbm>>
      %dma_wait3A_137 = tpu.memref_squeeze %dma_wait3A_136 : memref<1x10016xf32, #tpu.memory_space<hbm>> -> memref<10016xf32, #tpu.memory_space<hbm>>
      tpu.wait_dma2 semaphore(%run_scoped3A : memref<!tpu.dma_semaphore, #tpu.memory_space<semaphore_mem>>) src(%dma_wait3A_137 : memref<10016xf32, #tpu.memory_space<hbm>>) dst(%arg10 : memref<10016xf32, #tpu.memory_space<vmem>>)
      tpu.yield
    }) : () -> ()
    "tpu.region"() ({
      %run_scoped3A = tpu.sem_alloc : memref<!tpu.dma_semaphore, #tpu.memory_space<semaphore_mem>>
      %dma_start3A_127 = arith.constant 0 : i32
      %dma_start3A_128 = tpu.memref_slice %arg3[%select_n3A_54, %dma_start3A_127] : memref<8x10016xf32, #tpu.memory_space<hbm>> -> memref<1x10016xf32, #tpu.memory_space<hbm>>
      %dma_start3A_129 = tpu.memref_squeeze %dma_start3A_128 : memref<1x10016xf32, #tpu.memory_space<hbm>> -> memref<10016xf32, #tpu.memory_space<hbm>>
      %dma_start3A_130 = arith.constant 0 : i32
      %dma_start3A_131 = tpu.memref_slice %arg3[%select_n3A_54, %dma_start3A_130] : memref<8x10016xf32, #tpu.memory_space<hbm>> -> memref<1x10016xf32, #tpu.memory_space<hbm>>
      %dma_start3A_132 = tpu.memref_squeeze %dma_start3A_131 : memref<1x10016xf32, #tpu.memory_space<hbm>> -> memref<10016xf32, #tpu.memory_space<hbm>>
      tpu.enqueue_dma source(%dma_start3A_132 : memref<10016xf32, #tpu.memory_space<hbm>>) target(%arg11 : memref<10016xf32, #tpu.memory_space<vmem>>) target_semaphore(%run_scoped3A : memref<!tpu.dma_semaphore, #tpu.memory_space<semaphore_mem>>)
      %dma_wait3A = arith.constant 0 : i32
      %dma_wait3A_133 = tpu.memref_slice %arg3[%select_n3A_54, %dma_wait3A] : memref<8x10016xf32, #tpu.memory_space<hbm>> -> memref<1x10016xf32, #tpu.memory_space<hbm>>
      %dma_wait3A_134 = tpu.memref_squeeze %dma_wait3A_133 : memref<1x10016xf32, #tpu.memory_space<hbm>> -> memref<10016xf32, #tpu.memory_space<hbm>>
      %dma_wait3A_135 = arith.constant 0 : i32
      %dma_wait3A_136 = tpu.memref_slice %arg3[%select_n3A_54, %dma_wait3A_135] : memref<8x10016xf32, #tpu.memory_space<hbm>> -> memref<1x10016xf32, #tpu.memory_space<hbm>>
      %dma_wait3A_137 = tpu.memref_squeeze %dma_wait3A_136 : memref<1x10016xf32, #tpu.memory_space<hbm>> -> memref<10016xf32, #tpu.memory_space<hbm>>
      tpu.wait_dma2 semaphore(%run_scoped3A : memref<!tpu.dma_semaphore, #tpu.memory_space<semaphore_mem>>) src(%dma_wait3A_137 : memref<10016xf32, #tpu.memory_space<hbm>>) dst(%arg11 : memref<10016xf32, #tpu.memory_space<vmem>>)
      tpu.yield
    }) : () -> ()
    "tpu.region"() ({
      %run_scoped3A = tpu.sem_alloc : memref<!tpu.dma_semaphore, #tpu.memory_space<semaphore_mem>>
      tpu.enqueue_dma source(%arg7 : memref<8x16xf32, #tpu.memory_space<hbm>>) target(%arg13 : memref<8x16xf32, #tpu.memory_space<vmem>>) target_semaphore(%run_scoped3A : memref<!tpu.dma_semaphore, #tpu.memory_space<semaphore_mem>>)
      tpu.wait_dma2 semaphore(%run_scoped3A : memref<!tpu.dma_semaphore, #tpu.memory_space<semaphore_mem>>) src(%arg7 : memref<8x16xf32, #tpu.memory_space<hbm>>) dst(%arg13 : memref<8x16xf32, #tpu.memory_space<vmem>>)
      tpu.yield
    }) : () -> ()
    %get3A = arith.index_cast %select_n3A_54 : i32 to index
    %get3A_81 = arith.constant 0 : index
    %get3A_82 = tpu.vector_load %arg13[%get3A, %get3A_81] {strides = array<i32>} : memref<8x16xf32, #tpu.memory_space<vmem>>, vector<16xf32>,
    %parallel_loop3A = arith.constant 0 : i32
    %parallel_loop3A_83 = arith.constant 626 : i32
    %parallel_loop3A_84 = arith.constant 1 : i32
    scf.for %parallel_loop3A_127 = %parallel_loop3A to %parallel_loop3A_83 step %parallel_loop3A_84  : i32 {
      %parallel_loop3A_128 = arith.constant 16 : i32
      %parallel_loop3A_129 = arith.muli %parallel_loop3A_127, %parallel_loop3A_128 : i32
      %parallel_loop3A_130 = arith.constant 0.000000e+00 : f32
      %parallel_loop3A_131 = vector.broadcast %parallel_loop3A_130 : f32 to vector<16xf32>
      %parallel_loop3A_132 = arith.index_cast %parallel_loop3A_129 : i32 to index
      %parallel_loop3A_133 = tpu.vector_load %arg12[%parallel_loop3A_132] {strides = array<i32>} : memref<10016xf32, #tpu.memory_space<vmem>>, vector<16xf32>,
      tpu.vector_store %arg12[%parallel_loop3A_132], %parallel_loop3A_131 {strides = array<i32>} : memref<10016xf32, #tpu.memory_space<vmem>>, vector<16xf32>,
    } {sc.loop_unroll_factor = 4 : i64, sc.parallel_access}
    %mul3A_85 = arith.constant 2 : i32
    %mul3A_86 = arith.muli %mul3A_85, %select_n3A_9 : i32
    %add3A_87 = arith.constant 0 : i32
    %add3A_88 = arith.addi %mul3A_86, %add3A_87 : i32
    "tpu.region"() ({
      %run_scoped3A = tpu.sem_alloc : memref<!tpu.dma_semaphore, #tpu.memory_space<semaphore_mem>>
      %dma_start3A_127 = arith.constant 0 : i32
      %dma_start3A_128 = tpu.memref_slice %arg4[%add3A_88, %dma_start3A_127] : memref<32x10016xi32, #tpu.memory_space<hbm>> -> memref<1x10016xi32, #tpu.memory_space<hbm>>
      %dma_start3A_129 = tpu.memref_squeeze %dma_start3A_128 : memref<1x10016xi32, #tpu.memory_space<hbm>> -> memref<10016xi32, #tpu.memory_space<hbm>>
      %dma_start3A_130 = arith.constant 0 : i32
      %dma_start3A_131 = tpu.memref_slice %arg4[%add3A_88, %dma_start3A_130] : memref<32x10016xi32, #tpu.memory_space<hbm>> -> memref<1x10016xi32, #tpu.memory_space<hbm>>
      %dma_start3A_132 = tpu.memref_squeeze %dma_start3A_131 : memref<1x10016xi32, #tpu.memory_space<hbm>> -> memref<10016xi32, #tpu.memory_space<hbm>>
      tpu.enqueue_dma source(%dma_start3A_132 : memref<10016xi32, #tpu.memory_space<hbm>>) target(%arg18 : memref<10016xi32, #tpu.memory_space<vmem>>) target_semaphore(%run_scoped3A : memref<!tpu.dma_semaphore, #tpu.memory_space<semaphore_mem>>)
      %dma_wait3A = arith.constant 0 : i32
      %dma_wait3A_133 = tpu.memref_slice %arg4[%add3A_88, %dma_wait3A] : memref<32x10016xi32, #tpu.memory_space<hbm>> -> memref<1x10016xi32, #tpu.memory_space<hbm>>
      %dma_wait3A_134 = tpu.memref_squeeze %dma_wait3A_133 : memref<1x10016xi32, #tpu.memory_space<hbm>> -> memref<10016xi32, #tpu.memory_space<hbm>>
      %dma_wait3A_135 = arith.constant 0 : i32
      %dma_wait3A_136 = tpu.memref_slice %arg4[%add3A_88, %dma_wait3A_135] : memref<32x10016xi32, #tpu.memory_space<hbm>> -> memref<1x10016xi32, #tpu.memory_space<hbm>>
      %dma_wait3A_137 = tpu.memref_squeeze %dma_wait3A_136 : memref<1x10016xi32, #tpu.memory_space<hbm>> -> memref<10016xi32, #tpu.memory_space<hbm>>
      tpu.wait_dma2 semaphore(%run_scoped3A : memref<!tpu.dma_semaphore, #tpu.memory_space<semaphore_mem>>) src(%dma_wait3A_137 : memref<10016xi32, #tpu.memory_space<hbm>>) dst(%arg18 : memref<10016xi32, #tpu.memory_space<vmem>>)
      tpu.yield
    }) : () -> ()
    %mul3A_89 = arith.constant 2 : i32
    %mul3A_90 = arith.muli %mul3A_89, %select_n3A_9 : i32
    %add3A_91 = arith.constant 1 : i32
    %add3A_92 = arith.addi %mul3A_90, %add3A_91 : i32
    "tpu.region"() ({
      %run_scoped3A = tpu.sem_alloc : memref<!tpu.dma_semaphore, #tpu.memory_space<semaphore_mem>>
      %dma_start3A_127 = arith.constant 0 : i32
      %dma_start3A_128 = tpu.memref_slice %arg4[%add3A_92, %dma_start3A_127] : memref<32x10016xi32, #tpu.memory_space<hbm>> -> memref<1x10016xi32, #tpu.memory_space<hbm>>
      %dma_start3A_129 = tpu.memref_squeeze %dma_start3A_128 : memref<1x10016xi32, #tpu.memory_space<hbm>> -> memref<10016xi32, #tpu.memory_space<hbm>>
      %dma_start3A_130 = arith.constant 0 : i32
      %dma_start3A_131 = tpu.memref_slice %arg4[%add3A_92, %dma_start3A_130] : memref<32x10016xi32, #tpu.memory_space<hbm>> -> memref<1x10016xi32, #tpu.memory_space<hbm>>
      %dma_start3A_132 = tpu.memref_squeeze %dma_start3A_131 : memref<1x10016xi32, #tpu.memory_space<hbm>> -> memref<10016xi32, #tpu.memory_space<hbm>>
      tpu.enqueue_dma source(%dma_start3A_132 : memref<10016xi32, #tpu.memory_space<hbm>>) target(%arg19 : memref<10016xi32, #tpu.memory_space<vmem>>) target_semaphore(%run_scoped3A : memref<!tpu.dma_semaphore, #tpu.memory_space<semaphore_mem>>)
      %dma_wait3A = arith.constant 0 : i32
      %dma_wait3A_133 = tpu.memref_slice %arg4[%add3A_92, %dma_wait3A] : memref<32x10016xi32, #tpu.memory_space<hbm>> -> memref<1x10016xi32, #tpu.memory_space<hbm>>
      %dma_wait3A_134 = tpu.memref_squeeze %dma_wait3A_133 : memref<1x10016xi32, #tpu.memory_space<hbm>> -> memref<10016xi32, #tpu.memory_space<hbm>>
      %dma_wait3A_135 = arith.constant 0 : i32
      %dma_wait3A_136 = tpu.memref_slice %arg4[%add3A_92, %dma_wait3A_135] : memref<32x10016xi32, #tpu.memory_space<hbm>> -> memref<1x10016xi32, #tpu.memory_space<hbm>>
      %dma_wait3A_137 = tpu.memref_squeeze %dma_wait3A_136 : memref<1x10016xi32, #tpu.memory_space<hbm>> -> memref<10016xi32, #tpu.memory_space<hbm>>
      tpu.wait_dma2 semaphore(%run_scoped3A : memref<!tpu.dma_semaphore, #tpu.memory_space<semaphore_mem>>) src(%dma_wait3A_137 : memref<10016xi32, #tpu.memory_space<hbm>>) dst(%arg19 : memref<10016xi32, #tpu.memory_space<vmem>>)
      tpu.yield
    }) : () -> ()
    %parallel_loop3A_93 = arith.constant 0 : i32
    %parallel_loop3A_94 = arith.constant 626 : i32
    %parallel_loop3A_95 = arith.constant 1 : i32
    scf.for %parallel_loop3A_127 = %parallel_loop3A_93 to %parallel_loop3A_94 step %parallel_loop3A_95  : i32 {
      %parallel_loop3A_128 = arith.constant 16 : i32
      %parallel_loop3A_129 = arith.muli %parallel_loop3A_127, %parallel_loop3A_128 : i32
      %parallel_loop3A_130 = arith.constant 0.000000e+00 : f32
      %parallel_loop3A_131 = vector.broadcast %parallel_loop3A_130 : f32 to vector<16xf32>
      %parallel_loop3A_132 = arith.index_cast %parallel_loop3A_129 : i32 to index
      %parallel_loop3A_133 = tpu.vector_load %arg14[%parallel_loop3A_132] {strides = array<i32>} : memref<10016xf32, #tpu.memory_space<vmem>>, vector<16xf32>,
      tpu.vector_store %arg14[%parallel_loop3A_132], %parallel_loop3A_131 {strides = array<i32>} : memref<10016xf32, #tpu.memory_space<vmem>>, vector<16xf32>,
    } {sc.loop_unroll_factor = 4 : i64, sc.parallel_access}
    %parallel_loop3A_96 = arith.constant 0 : i32
    %parallel_loop3A_97 = arith.constant 626 : i32
    %parallel_loop3A_98 = arith.constant 1 : i32
    scf.for %parallel_loop3A_127 = %parallel_loop3A_96 to %parallel_loop3A_97 step %parallel_loop3A_98  : i32 {
      %parallel_loop3A_128 = arith.constant 16 : i32
      %parallel_loop3A_129 = arith.muli %parallel_loop3A_127, %parallel_loop3A_128 : i32
      %parallel_loop3A_130 = arith.constant 0.000000e+00 : f32
      %parallel_loop3A_131 = vector.broadcast %parallel_loop3A_130 : f32 to vector<16xf32>
      %parallel_loop3A_132 = arith.index_cast %parallel_loop3A_129 : i32 to index
      %parallel_loop3A_133 = tpu.vector_load %arg15[%parallel_loop3A_132] {strides = array<i32>} : memref<10016xf32, #tpu.memory_space<vmem>>, vector<16xf32>,
      tpu.vector_store %arg15[%parallel_loop3A_132], %parallel_loop3A_131 {strides = array<i32>} : memref<10016xf32, #tpu.memory_space<vmem>>, vector<16xf32>,
    } {sc.loop_unroll_factor = 4 : i64, sc.parallel_access}
    %parallel_loop3A_99 = arith.constant 0 : i32
    %parallel_loop3A_100 = arith.constant 626 : i32
    %parallel_loop3A_101 = arith.constant 1 : i32
    scf.for %parallel_loop3A_127 = %parallel_loop3A_99 to %parallel_loop3A_100 step %parallel_loop3A_101  : i32 {
      %parallel_loop3A_128 = arith.constant 16 : i32
      %parallel_loop3A_129 = arith.muli %parallel_loop3A_127, %parallel_loop3A_128 : i32
      %parallel_loop3A_130 = arith.constant 0.000000e+00 : f32
      %parallel_loop3A_131 = vector.broadcast %parallel_loop3A_130 : f32 to vector<16xf32>
      %parallel_loop3A_132 = arith.index_cast %parallel_loop3A_129 : i32 to index
      %parallel_loop3A_133 = tpu.vector_load %arg16[%parallel_loop3A_132] {strides = array<i32>} : memref<10016xf32, #tpu.memory_space<vmem>>, vector<16xf32>,
      tpu.vector_store %arg16[%parallel_loop3A_132], %parallel_loop3A_131 {strides = array<i32>} : memref<10016xf32, #tpu.memory_space<vmem>>, vector<16xf32>,
    } {sc.loop_unroll_factor = 4 : i64, sc.parallel_access}
    %parallel_loop3A_102 = arith.constant 0 : i32
    %parallel_loop3A_103 = arith.constant 626 : i32
    %parallel_loop3A_104 = arith.constant 1 : i32
    scf.for %parallel_loop3A_127 = %parallel_loop3A_102 to %parallel_loop3A_103 step %parallel_loop3A_104  : i32 {
      %parallel_loop3A_128 = arith.constant 16 : i32
      %parallel_loop3A_129 = arith.muli %parallel_loop3A_127, %parallel_loop3A_128 : i32
      %parallel_loop3A_130 = arith.constant 0.000000e+00 : f32
      %parallel_loop3A_131 = vector.broadcast %parallel_loop3A_130 : f32 to vector<16xf32>
      %parallel_loop3A_132 = arith.index_cast %parallel_loop3A_129 : i32 to index
      %parallel_loop3A_133 = tpu.vector_load %arg17[%parallel_loop3A_132] {strides = array<i32>} : memref<10016xf32, #tpu.memory_space<vmem>>, vector<16xf32>,
      tpu.vector_store %arg17[%parallel_loop3A_132], %parallel_loop3A_131 {strides = array<i32>} : memref<10016xf32, #tpu.memory_space<vmem>>, vector<16xf32>,
    } {sc.loop_unroll_factor = 4 : i64, sc.parallel_access}
    %scan3A = arith.constant 0 : i32
    %scan3A_105 = arith.constant 0 : i32
    %scan3A_106 = arith.constant 21 : i32
    %scan3A_107 = arith.addi %scan3A_105, %scan3A_106 : i32
    %scan3A_108 = arith.constant 1 : i32
    %scan3A_109 = scf.for %scan3A_127 = %scan3A_105 to %scan3A_107 step %scan3A_108 iter_args(%scan3A_128 = %scan3A) -> (i32)  : i32 {
      %mul3A_129 = arith.constant 2 : i32
      %mul3A_130 = arith.muli %mul3A_129, %scan3A_127 : i32
      %add3A_131 = arith.constant 0 : i32
      %add3A_132 = arith.addi %mul3A_130, %add3A_131 : i32
      %dma_wait3A = arith.constant 0 : i32
      %dma_wait3A_133 = tpu.memref_slice %arg5[%dma_wait3A] : memref<344064xi32, #tpu.memory_space<hbm>> -> memref<4096xi32, #tpu.memory_space<hbm>>
      %dma_wait3A_134 = arith.constant 0 : i32
      %dma_wait3A_135 = tpu.memref_slice %arg5[%dma_wait3A_134] : memref<344064xi32, #tpu.memory_space<hbm>> -> memref<4096xi32, #tpu.memory_space<hbm>>
      tpu.wait_dma2 semaphore(%arg24 : memref<!tpu.dma_semaphore, #tpu.memory_space<semaphore_mem>>) src(%dma_wait3A_135 : memref<4096xi32, #tpu.memory_space<hbm>>) dst(%arg20 : memref<4096xi32, #tpu.memory_space<vmem>>)
      %dma_wait3A_136 = arith.constant 0 : i32
      %dma_wait3A_137 = tpu.memref_slice %arg6[%dma_wait3A_136] : memref<344064xi32, #tpu.memory_space<hbm>> -> memref<4096xi32, #tpu.memory_space<hbm>>
      %dma_wait3A_138 = arith.constant 0 : i32
      %dma_wait3A_139 = tpu.memref_slice %arg6[%dma_wait3A_138] : memref<344064xi32, #tpu.memory_space<hbm>> -> memref<4096xi32, #tpu.memory_space<hbm>>
      tpu.wait_dma2 semaphore(%arg26 : memref<!tpu.dma_semaphore, #tpu.memory_space<semaphore_mem>>) src(%dma_wait3A_139 : memref<4096xi32, #tpu.memory_space<hbm>>) dst(%arg22 : memref<4096xi32, #tpu.memory_space<vmem>>)
      %add3A_140 = arith.constant 1 : i32
      %add3A_141 = arith.addi %add3A_132, %add3A_140 : i32
      %mul3A_142 = arith.constant 4096 : i32
      %mul3A_143 = arith.muli %add3A_141, %mul3A_142 : i32
      %add3A_144 = arith.addi %mul3A_75, %mul3A_143 : i32
      %multiple_of3A_145 = tpu.assume_multiple %add3A_144, 8 : i32
      %dma_start3A_146 = tpu.memref_slice %arg5[%multiple_of3A_145] : memref<344064xi32, #tpu.memory_space<hbm>> -> memref<4096xi32, #tpu.memory_space<hbm>>
      %dma_start3A_147 = tpu.memref_slice %arg5[%multiple_of3A_145] : memref<344064xi32, #tpu.memory_space<hbm>> -> memref<4096xi32, #tpu.memory_space<hbm>>
      tpu.enqueue_dma source(%dma_start3A_147 : memref<4096xi32, #tpu.memory_space<hbm>>) target(%arg21 : memref<4096xi32, #tpu.memory_space<vmem>>) target_semaphore(%arg25 : memref<!tpu.dma_semaphore, #tpu.memory_space<semaphore_mem>>)
      %dma_start3A_148 = tpu.memref_slice %arg6[%multiple_of3A_145] : memref<344064xi32, #tpu.memory_space<hbm>> -> memref<4096xi32, #tpu.memory_space<hbm>>
      %dma_start3A_149 = tpu.memref_slice %arg6[%multiple_of3A_145] : memref<344064xi32, #tpu.memory_space<hbm>> -> memref<4096xi32, #tpu.memory_space<hbm>>
      tpu.enqueue_dma source(%dma_start3A_149 : memref<4096xi32, #tpu.memory_space<hbm>>) target(%arg23 : memref<4096xi32, #tpu.memory_space<vmem>>) target_semaphore(%arg27 : memref<!tpu.dma_semaphore, #tpu.memory_space<semaphore_mem>>)
      %parallel_loop3A_150 = arith.constant 0 : i32
      %parallel_loop3A_151 = arith.constant 256 : i32
      %parallel_loop3A_152 = arith.constant 1 : i32
      scf.for %parallel_loop3A_172 = %parallel_loop3A_150 to %parallel_loop3A_151 step %parallel_loop3A_152  : i32 {
        %parallel_loop3A_173 = arith.constant 16 : i32
        %parallel_loop3A_174 = arith.muli %parallel_loop3A_172, %parallel_loop3A_173 : i32
        %parallel_loop3A_175 = arith.index_cast %parallel_loop3A_174 : i32 to index
        %parallel_loop3A_176 = tpu.vector_load %arg20[%parallel_loop3A_175] {strides = array<i32>} : memref<4096xi32, #tpu.memory_space<vmem>>, vector<16xi32>,
        %parallel_loop3A_177 = arith.index_cast %parallel_loop3A_174 : i32 to index
        %parallel_loop3A_178 = tpu.vector_load %arg22[%parallel_loop3A_177] {strides = array<i32>} : memref<4096xi32, #tpu.memory_space<vmem>>, vector<16xi32>,
        %parallel_loop3A_179 = tpu.vector_load_idx %arg10[%parallel_loop3A_176] : memref<10016xf32, #tpu.memory_space<vmem>>[vector<16xi32>], vector<16xf32>,
        %parallel_loop3A_180 = tpu.vector_load_idx %arg11[%parallel_loop3A_178] : memref<10016xf32, #tpu.memory_space<vmem>>[vector<16xi32>], vector<16xf32>,
        %parallel_loop3A_181 = arith.addf %parallel_loop3A_179, %parallel_loop3A_180 : vector<16xf32>
        %parallel_loop3A_182 = arith.constant 2.000000e-01 : f32
        %parallel_loop3A_183 = vector.broadcast %parallel_loop3A_182 : f32 to vector<16xf32>
        %parallel_loop3A_184 = arith.mulf %parallel_loop3A_183, %parallel_loop3A_181 : vector<16xf32>
        %parallel_loop3A_185 = arith.maximumf %parallel_loop3A_181, %parallel_loop3A_184 : vector<16xf32>
        %parallel_loop3A_186 = arith.subf %parallel_loop3A_185, %get3A_82 : vector<16xf32>
        %parallel_loop3A_187 = math.exp %parallel_loop3A_186 : vector<16xf32>
        tpu.vector_store_idx %arg12[%parallel_loop3A_178], %parallel_loop3A_187 {add = true} : memref<10016xf32, #tpu.memory_space<vmem>>[vector<16xi32>], vector<16xf32>,
        %parallel_loop3A_188 = tpu.vector_load_idx %arg18[%parallel_loop3A_176] : memref<10016xi32, #tpu.memory_space<vmem>>[vector<16xi32>], vector<16xi32>,
        %parallel_loop3A_189 = vector.bitcast %parallel_loop3A_188 : vector<16xi32> to vector<32xbf16>
        %parallel_loop3A_190 = tpu.unpack_subelements %parallel_loop3A_189, 0 {pack_format = #tpu.pack_format<interleaved>} : vector<32xbf16> -> vector<16xf32>
        %parallel_loop3A_191 = tpu.unpack_subelements %parallel_loop3A_189, 1 {pack_format = #tpu.pack_format<interleaved>} : vector<32xbf16> -> vector<16xf32>
        %parallel_loop3A_192 = arith.mulf %parallel_loop3A_187, %parallel_loop3A_190 : vector<16xf32>
        tpu.vector_store_idx %arg14[%parallel_loop3A_178], %parallel_loop3A_192 {add = true} : memref<10016xf32, #tpu.memory_space<vmem>>[vector<16xi32>], vector<16xf32>,
        %parallel_loop3A_193 = arith.mulf %parallel_loop3A_187, %parallel_loop3A_191 : vector<16xf32>
        tpu.vector_store_idx %arg15[%parallel_loop3A_178], %parallel_loop3A_193 {add = true} : memref<10016xf32, #tpu.memory_space<vmem>>[vector<16xi32>], vector<16xf32>,
        %parallel_loop3A_194 = tpu.vector_load_idx %arg19[%parallel_loop3A_176] : memref<10016xi32, #tpu.memory_space<vmem>>[vector<16xi32>], vector<16xi32>,
        %parallel_loop3A_195 = vector.bitcast %parallel_loop3A_194 : vector<16xi32> to vector<32xbf16>
        %parallel_loop3A_196 = tpu.unpack_subelements %parallel_loop3A_195, 0 {pack_format = #tpu.pack_format<interleaved>} : vector<32xbf16> -> vector<16xf32>
        %parallel_loop3A_197 = tpu.unpack_subelements %parallel_loop3A_195, 1 {pack_format = #tpu.pack_format<interleaved>} : vector<32xbf16> -> vector<16xf32>
        %parallel_loop3A_198 = arith.mulf %parallel_loop3A_187, %parallel_loop3A_196 : vector<16xf32>
        tpu.vector_store_idx %arg16[%parallel_loop3A_178], %parallel_loop3A_198 {add = true} : memref<10016xf32, #tpu.memory_space<vmem>>[vector<16xi32>], vector<16xf32>,
        %parallel_loop3A_199 = arith.mulf %parallel_loop3A_187, %parallel_loop3A_197 : vector<16xf32>
        tpu.vector_store_idx %arg17[%parallel_loop3A_178], %parallel_loop3A_199 {add = true} : memref<10016xf32, #tpu.memory_space<vmem>>[vector<16xi32>], vector<16xf32>,
      } {sc.loop_unroll_factor = 4 : i64, sc.parallel_access}
      %mul3A_153 = arith.constant 2 : i32
      %mul3A_154 = arith.muli %mul3A_153, %scan3A_127 : i32
      %add3A_155 = arith.constant 1 : i32
      %add3A_156 = arith.addi %mul3A_154, %add3A_155 : i32
      %dma_wait3A_157 = arith.constant 0 : i32
      %dma_wait3A_158 = tpu.memref_slice %arg5[%dma_wait3A_157] : memref<344064xi32, #tpu.memory_space<hbm>> -> memref<4096xi32, #tpu.memory_space<hbm>>
      %dma_wait3A_159 = arith.constant 0 : i32
      %dma_wait3A_160 = tpu.memref_slice %arg5[%dma_wait3A_159] : memref<344064xi32, #tpu.memory_space<hbm>> -> memref<4096xi32, #tpu.memory_space<hbm>>
      tpu.wait_dma2 semaphore(%arg25 : memref<!tpu.dma_semaphore, #tpu.memory_space<semaphore_mem>>) src(%dma_wait3A_160 : memref<4096xi32, #tpu.memory_space<hbm>>) dst(%arg21 : memref<4096xi32, #tpu.memory_space<vmem>>)
      %dma_wait3A_161 = arith.constant 0 : i32
      %dma_wait3A_162 = tpu.memref_slice %arg6[%dma_wait3A_161] : memref<344064xi32, #tpu.memory_space<hbm>> -> memref<4096xi32, #tpu.memory_space<hbm>>
      %dma_wait3A_163 = arith.constant 0 : i32
      %dma_wait3A_164 = tpu.memref_slice %arg6[%dma_wait3A_163] : memref<344064xi32, #tpu.memory_space<hbm>> -> memref<4096xi32, #tpu.memory_space<hbm>>
      tpu.wait_dma2 semaphore(%arg27 : memref<!tpu.dma_semaphore, #tpu.memory_space<semaphore_mem>>) src(%dma_wait3A_164 : memref<4096xi32, #tpu.memory_space<hbm>>) dst(%arg23 : memref<4096xi32, #tpu.memory_space<vmem>>)
      %lt3A_165 = arith.constant 20 : i32
      %lt3A_166 = arith.cmpi slt, %scan3A_127, %lt3A_165 : i32
      %convert_element_type3A = arith.extui %lt3A_166 : i1 to i32
      %cond3A = arith.constant 0 : i32
      %cond3A_167 = arith.cmpi ne, %convert_element_type3A, %cond3A : i32
      scf.if %cond3A_167 {
        %add3A_172 = arith.constant 1 : i32
        %add3A_173 = arith.addi %add3A_156, %add3A_172 : i32
        %mul3A_174 = arith.constant 4096 : i32
        %mul3A_175 = arith.muli %add3A_173, %mul3A_174 : i32
        %add3A_176 = arith.addi %mul3A_75, %mul3A_175 : i32
        %multiple_of3A_177 = tpu.assume_multiple %add3A_176, 8 : i32
        %dma_start3A_178 = tpu.memref_slice %arg5[%multiple_of3A_177] : memref<344064xi32, #tpu.memory_space<hbm>> -> memref<4096xi32, #tpu.memory_space<hbm>>
        %dma_start3A_179 = tpu.memref_slice %arg5[%multiple_of3A_177] : memref<344064xi32, #tpu.memory_space<hbm>> -> memref<4096xi32, #tpu.memory_space<hbm>>
        tpu.enqueue_dma source(%dma_start3A_179 : memref<4096xi32, #tpu.memory_space<hbm>>) target(%arg20 : memref<4096xi32, #tpu.memory_space<vmem>>) target_semaphore(%arg24 : memref<!tpu.dma_semaphore, #tpu.memory_space<semaphore_mem>>)
        %dma_start3A_180 = tpu.memref_slice %arg6[%multiple_of3A_177] : memref<344064xi32, #tpu.memory_space<hbm>> -> memref<4096xi32, #tpu.memory_space<hbm>>
        %dma_start3A_181 = tpu.memref_slice %arg6[%multiple_of3A_177] : memref<344064xi32, #tpu.memory_space<hbm>> -> memref<4096xi32, #tpu.memory_space<hbm>>
        tpu.enqueue_dma source(%dma_start3A_181 : memref<4096xi32, #tpu.memory_space<hbm>>) target(%arg22 : memref<4096xi32, #tpu.memory_space<vmem>>) target_semaphore(%arg26 : memref<!tpu.dma_semaphore, #tpu.memory_space<semaphore_mem>>)
      } else {
      }
      %parallel_loop3A_168 = arith.constant 0 : i32
      %parallel_loop3A_169 = arith.constant 256 : i32
      %parallel_loop3A_170 = arith.constant 1 : i32
      scf.for %parallel_loop3A_172 = %parallel_loop3A_168 to %parallel_loop3A_169 step %parallel_loop3A_170  : i32 {
        %parallel_loop3A_173 = arith.constant 16 : i32
        %parallel_loop3A_174 = arith.muli %parallel_loop3A_172, %parallel_loop3A_173 : i32
        %parallel_loop3A_175 = arith.index_cast %parallel_loop3A_174 : i32 to index
        %parallel_loop3A_176 = tpu.vector_load %arg21[%parallel_loop3A_175] {strides = array<i32>} : memref<4096xi32, #tpu.memory_space<vmem>>, vector<16xi32>,
        %parallel_loop3A_177 = arith.index_cast %parallel_loop3A_174 : i32 to index
        %parallel_loop3A_178 = tpu.vector_load %arg23[%parallel_loop3A_177] {strides = array<i32>} : memref<4096xi32, #tpu.memory_space<vmem>>, vector<16xi32>,
        %parallel_loop3A_179 = tpu.vector_load_idx %arg10[%parallel_loop3A_176] : memref<10016xf32, #tpu.memory_space<vmem>>[vector<16xi32>], vector<16xf32>,
        %parallel_loop3A_180 = tpu.vector_load_idx %arg11[%parallel_loop3A_178] : memref<10016xf32, #tpu.memory_space<vmem>>[vector<16xi32>], vector<16xf32>,
        %parallel_loop3A_181 = arith.addf %parallel_loop3A_179, %parallel_loop3A_180 : vector<16xf32>
        %parallel_loop3A_182 = arith.constant 2.000000e-01 : f32
        %parallel_loop3A_183 = vector.broadcast %parallel_loop3A_182 : f32 to vector<16xf32>
        %parallel_loop3A_184 = arith.mulf %parallel_loop3A_183, %parallel_loop3A_181 : vector<16xf32>
        %parallel_loop3A_185 = arith.maximumf %parallel_loop3A_181, %parallel_loop3A_184 : vector<16xf32>
        %parallel_loop3A_186 = arith.subf %parallel_loop3A_185, %get3A_82 : vector<16xf32>
        %parallel_loop3A_187 = math.exp %parallel_loop3A_186 : vector<16xf32>
        tpu.vector_store_idx %arg12[%parallel_loop3A_178], %parallel_loop3A_187 {add = true} : memref<10016xf32, #tpu.memory_space<vmem>>[vector<16xi32>], vector<16xf32>,
        %parallel_loop3A_188 = tpu.vector_load_idx %arg18[%parallel_loop3A_176] : memref<10016xi32, #tpu.memory_space<vmem>>[vector<16xi32>], vector<16xi32>,
        %parallel_loop3A_189 = vector.bitcast %parallel_loop3A_188 : vector<16xi32> to vector<32xbf16>
        %parallel_loop3A_190 = tpu.unpack_subelements %parallel_loop3A_189, 0 {pack_format = #tpu.pack_format<interleaved>} : vector<32xbf16> -> vector<16xf32>
        %parallel_loop3A_191 = tpu.unpack_subelements %parallel_loop3A_189, 1 {pack_format = #tpu.pack_format<interleaved>} : vector<32xbf16> -> vector<16xf32>
        %parallel_loop3A_192 = arith.mulf %parallel_loop3A_187, %parallel_loop3A_190 : vector<16xf32>
        tpu.vector_store_idx %arg14[%parallel_loop3A_178], %parallel_loop3A_192 {add = true} : memref<10016xf32, #tpu.memory_space<vmem>>[vector<16xi32>], vector<16xf32>,
        %parallel_loop3A_193 = arith.mulf %parallel_loop3A_187, %parallel_loop3A_191 : vector<16xf32>
        tpu.vector_store_idx %arg15[%parallel_loop3A_178], %parallel_loop3A_193 {add = true} : memref<10016xf32, #tpu.memory_space<vmem>>[vector<16xi32>], vector<16xf32>,
        %parallel_loop3A_194 = tpu.vector_load_idx %arg19[%parallel_loop3A_176] : memref<10016xi32, #tpu.memory_space<vmem>>[vector<16xi32>], vector<16xi32>,
        %parallel_loop3A_195 = vector.bitcast %parallel_loop3A_194 : vector<16xi32> to vector<32xbf16>
        %parallel_loop3A_196 = tpu.unpack_subelements %parallel_loop3A_195, 0 {pack_format = #tpu.pack_format<interleaved>} : vector<32xbf16> -> vector<16xf32>
        %parallel_loop3A_197 = tpu.unpack_subelements %parallel_loop3A_195, 1 {pack_format = #tpu.pack_format<interleaved>} : vector<32xbf16> -> vector<16xf32>
        %parallel_loop3A_198 = arith.mulf %parallel_loop3A_187, %parallel_loop3A_196 : vector<16xf32>
        tpu.vector_store_idx %arg16[%parallel_loop3A_178], %parallel_loop3A_198 {add = true} : memref<10016xf32, #tpu.memory_space<vmem>>[vector<16xi32>], vector<16xf32>,
        %parallel_loop3A_199 = arith.mulf %parallel_loop3A_187, %parallel_loop3A_197 : vector<16xf32>
        tpu.vector_store_idx %arg17[%parallel_loop3A_178], %parallel_loop3A_199 {add = true} : memref<10016xf32, #tpu.memory_space<vmem>>[vector<16xi32>], vector<16xf32>,
      } {sc.loop_unroll_factor = 4 : i64, sc.parallel_access}
      %scan3A_171 = arith.constant 0 : i32
      scf.yield %scan3A_171 : i32
    }
    %scan3A_110 = arith.constant 21 : i32
    %mul3A_111 = arith.constant 4 : i32
    %mul3A_112 = arith.muli %mul3A_111, %select_n3A_9 : i32
    %add3A_113 = arith.constant 0 : i32
    %add3A_114 = arith.addi %mul3A_112, %add3A_113 : i32
    "tpu.region"() ({
      %run_scoped3A = tpu.sem_alloc : memref<!tpu.dma_semaphore, #tpu.memory_space<semaphore_mem>>
      %dma_start3A_127 = arith.constant 0 : i32
      %dma_start3A_128 = tpu.memref_slice %arg8[%select_n3A_30, %add3A_114, %dma_start3A_127] : memref<2x64x10016xf32, #tpu.memory_space<hbm>> -> memref<1x1x10016xf32, #tpu.memory_space<hbm>>
      %dma_start3A_129 = tpu.memref_squeeze %dma_start3A_128 : memref<1x1x10016xf32, #tpu.memory_space<hbm>> -> memref<10016xf32, #tpu.memory_space<hbm>>
      %dma_start3A_130 = arith.constant 0 : i32
      %dma_start3A_131 = tpu.memref_slice %arg8[%select_n3A_30, %add3A_114, %dma_start3A_130] : memref<2x64x10016xf32, #tpu.memory_space<hbm>> -> memref<1x1x10016xf32, #tpu.memory_space<hbm>>
      %dma_start3A_132 = tpu.memref_squeeze %dma_start3A_131 : memref<1x1x10016xf32, #tpu.memory_space<hbm>> -> memref<10016xf32, #tpu.memory_space<hbm>>
      tpu.enqueue_dma source(%arg14 : memref<10016xf32, #tpu.memory_space<vmem>>) target(%dma_start3A_132 : memref<10016xf32, #tpu.memory_space<hbm>>) target_semaphore(%run_scoped3A : memref<!tpu.dma_semaphore, #tpu.memory_space<semaphore_mem>>)
      %dma_wait3A = arith.constant 0 : i32
      %dma_wait3A_133 = tpu.memref_slice %arg8[%select_n3A_30, %add3A_114, %dma_wait3A] : memref<2x64x10016xf32, #tpu.memory_space<hbm>> -> memref<1x1x10016xf32, #tpu.memory_space<hbm>>
      %dma_wait3A_134 = tpu.memref_squeeze %dma_wait3A_133 : memref<1x1x10016xf32, #tpu.memory_space<hbm>> -> memref<10016xf32, #tpu.memory_space<hbm>>
      %dma_wait3A_135 = arith.constant 0 : i32
      %dma_wait3A_136 = tpu.memref_slice %arg8[%select_n3A_30, %add3A_114, %dma_wait3A_135] : memref<2x64x10016xf32, #tpu.memory_space<hbm>> -> memref<1x1x10016xf32, #tpu.memory_space<hbm>>
      %dma_wait3A_137 = tpu.memref_squeeze %dma_wait3A_136 : memref<1x1x10016xf32, #tpu.memory_space<hbm>> -> memref<10016xf32, #tpu.memory_space<hbm>>
      tpu.wait_dma2 semaphore(%run_scoped3A : memref<!tpu.dma_semaphore, #tpu.memory_space<semaphore_mem>>) src(%arg14 : memref<10016xf32, #tpu.memory_space<vmem>>) dst(%dma_wait3A_137 : memref<10016xf32, #tpu.memory_space<hbm>>)
      tpu.yield
    }) : () -> ()
    %mul3A_115 = arith.constant 4 : i32
    %mul3A_116 = arith.muli %mul3A_115, %select_n3A_9 : i32
    %add3A_117 = arith.constant 1 : i32
    %add3A_118 = arith.addi %mul3A_116, %add3A_117 : i32
    "tpu.region"() ({
      %run_scoped3A = tpu.sem_alloc : memref<!tpu.dma_semaphore, #tpu.memory_space<semaphore_mem>>
      %dma_start3A_127 = arith.constant 0 : i32
      %dma_start3A_128 = tpu.memref_slice %arg8[%select_n3A_30, %add3A_118, %dma_start3A_127] : memref<2x64x10016xf32, #tpu.memory_space<hbm>> -> memref<1x1x10016xf32, #tpu.memory_space<hbm>>
      %dma_start3A_129 = tpu.memref_squeeze %dma_start3A_128 : memref<1x1x10016xf32, #tpu.memory_space<hbm>> -> memref<10016xf32, #tpu.memory_space<hbm>>
      %dma_start3A_130 = arith.constant 0 : i32
      %dma_start3A_131 = tpu.memref_slice %arg8[%select_n3A_30, %add3A_118, %dma_start3A_130] : memref<2x64x10016xf32, #tpu.memory_space<hbm>> -> memref<1x1x10016xf32, #tpu.memory_space<hbm>>
      %dma_start3A_132 = tpu.memref_squeeze %dma_start3A_131 : memref<1x1x10016xf32, #tpu.memory_space<hbm>> -> memref<10016xf32, #tpu.memory_space<hbm>>
      tpu.enqueue_dma source(%arg15 : memref<10016xf32, #tpu.memory_space<vmem>>) target(%dma_start3A_132 : memref<10016xf32, #tpu.memory_space<hbm>>) target_semaphore(%run_scoped3A : memref<!tpu.dma_semaphore, #tpu.memory_space<semaphore_mem>>)
      %dma_wait3A = arith.constant 0 : i32
      %dma_wait3A_133 = tpu.memref_slice %arg8[%select_n3A_30, %add3A_118, %dma_wait3A] : memref<2x64x10016xf32, #tpu.memory_space<hbm>> -> memref<1x1x10016xf32, #tpu.memory_space<hbm>>
      %dma_wait3A_134 = tpu.memref_squeeze %dma_wait3A_133 : memref<1x1x10016xf32, #tpu.memory_space<hbm>> -> memref<10016xf32, #tpu.memory_space<hbm>>
      %dma_wait3A_135 = arith.constant 0 : i32
      %dma_wait3A_136 = tpu.memref_slice %arg8[%select_n3A_30, %add3A_118, %dma_wait3A_135] : memref<2x64x10016xf32, #tpu.memory_space<hbm>> -> memref<1x1x10016xf32, #tpu.memory_space<hbm>>
      %dma_wait3A_137 = tpu.memref_squeeze %dma_wait3A_136 : memref<1x1x10016xf32, #tpu.memory_space<hbm>> -> memref<10016xf32, #tpu.memory_space<hbm>>
      tpu.wait_dma2 semaphore(%run_scoped3A : memref<!tpu.dma_semaphore, #tpu.memory_space<semaphore_mem>>) src(%arg15 : memref<10016xf32, #tpu.memory_space<vmem>>) dst(%dma_wait3A_137 : memref<10016xf32, #tpu.memory_space<hbm>>)
      tpu.yield
    }) : () -> ()
    %mul3A_119 = arith.constant 4 : i32
    %mul3A_120 = arith.muli %mul3A_119, %select_n3A_9 : i32
    %add3A_121 = arith.constant 2 : i32
    %add3A_122 = arith.addi %mul3A_120, %add3A_121 : i32
    "tpu.region"() ({
      %run_scoped3A = tpu.sem_alloc : memref<!tpu.dma_semaphore, #tpu.memory_space<semaphore_mem>>
      %dma_start3A_127 = arith.constant 0 : i32
      %dma_start3A_128 = tpu.memref_slice %arg8[%select_n3A_30, %add3A_122, %dma_start3A_127] : memref<2x64x10016xf32, #tpu.memory_space<hbm>> -> memref<1x1x10016xf32, #tpu.memory_space<hbm>>
      %dma_start3A_129 = tpu.memref_squeeze %dma_start3A_128 : memref<1x1x10016xf32, #tpu.memory_space<hbm>> -> memref<10016xf32, #tpu.memory_space<hbm>>
      %dma_start3A_130 = arith.constant 0 : i32
      %dma_start3A_131 = tpu.memref_slice %arg8[%select_n3A_30, %add3A_122, %dma_start3A_130] : memref<2x64x10016xf32, #tpu.memory_space<hbm>> -> memref<1x1x10016xf32, #tpu.memory_space<hbm>>
      %dma_start3A_132 = tpu.memref_squeeze %dma_start3A_131 : memref<1x1x10016xf32, #tpu.memory_space<hbm>> -> memref<10016xf32, #tpu.memory_space<hbm>>
      tpu.enqueue_dma source(%arg16 : memref<10016xf32, #tpu.memory_space<vmem>>) target(%dma_start3A_132 : memref<10016xf32, #tpu.memory_space<hbm>>) target_semaphore(%run_scoped3A : memref<!tpu.dma_semaphore, #tpu.memory_space<semaphore_mem>>)
      %dma_wait3A = arith.constant 0 : i32
      %dma_wait3A_133 = tpu.memref_slice %arg8[%select_n3A_30, %add3A_122, %dma_wait3A] : memref<2x64x10016xf32, #tpu.memory_space<hbm>> -> memref<1x1x10016xf32, #tpu.memory_space<hbm>>
      %dma_wait3A_134 = tpu.memref_squeeze %dma_wait3A_133 : memref<1x1x10016xf32, #tpu.memory_space<hbm>> -> memref<10016xf32, #tpu.memory_space<hbm>>
      %dma_wait3A_135 = arith.constant 0 : i32
      %dma_wait3A_136 = tpu.memref_slice %arg8[%select_n3A_30, %add3A_122, %dma_wait3A_135] : memref<2x64x10016xf32, #tpu.memory_space<hbm>> -> memref<1x1x10016xf32, #tpu.memory_space<hbm>>
      %dma_wait3A_137 = tpu.memref_squeeze %dma_wait3A_136 : memref<1x1x10016xf32, #tpu.memory_space<hbm>> -> memref<10016xf32, #tpu.memory_space<hbm>>
      tpu.wait_dma2 semaphore(%run_scoped3A : memref<!tpu.dma_semaphore, #tpu.memory_space<semaphore_mem>>) src(%arg16 : memref<10016xf32, #tpu.memory_space<vmem>>) dst(%dma_wait3A_137 : memref<10016xf32, #tpu.memory_space<hbm>>)
      tpu.yield
    }) : () -> ()
    %mul3A_123 = arith.constant 4 : i32
    %mul3A_124 = arith.muli %mul3A_123, %select_n3A_9 : i32
    %add3A_125 = arith.constant 3 : i32
    %add3A_126 = arith.addi %mul3A_124, %add3A_125 : i32
    "tpu.region"() ({
      %run_scoped3A = tpu.sem_alloc : memref<!tpu.dma_semaphore, #tpu.memory_space<semaphore_mem>>
      %dma_start3A_127 = arith.constant 0 : i32
      %dma_start3A_128 = tpu.memref_slice %arg8[%select_n3A_30, %add3A_126, %dma_start3A_127] : memref<2x64x10016xf32, #tpu.memory_space<hbm>> -> memref<1x1x10016xf32, #tpu.memory_space<hbm>>
      %dma_start3A_129 = tpu.memref_squeeze %dma_start3A_128 : memref<1x1x10016xf32, #tpu.memory_space<hbm>> -> memref<10016xf32, #tpu.memory_space<hbm>>
      %dma_start3A_130 = arith.constant 0 : i32
      %dma_start3A_131 = tpu.memref_slice %arg8[%select_n3A_30, %add3A_126, %dma_start3A_130] : memref<2x64x10016xf32, #tpu.memory_space<hbm>> -> memref<1x1x10016xf32, #tpu.memory_space<hbm>>
      %dma_start3A_132 = tpu.memref_squeeze %dma_start3A_131 : memref<1x1x10016xf32, #tpu.memory_space<hbm>> -> memref<10016xf32, #tpu.memory_space<hbm>>
      tpu.enqueue_dma source(%arg17 : memref<10016xf32, #tpu.memory_space<vmem>>) target(%dma_start3A_132 : memref<10016xf32, #tpu.memory_space<hbm>>) target_semaphore(%run_scoped3A : memref<!tpu.dma_semaphore, #tpu.memory_space<semaphore_mem>>)
      %dma_wait3A = arith.constant 0 : i32
      %dma_wait3A_133 = tpu.memref_slice %arg8[%select_n3A_30, %add3A_126, %dma_wait3A] : memref<2x64x10016xf32, #tpu.memory_space<hbm>> -> memref<1x1x10016xf32, #tpu.memory_space<hbm>>
      %dma_wait3A_134 = tpu.memref_squeeze %dma_wait3A_133 : memref<1x1x10016xf32, #tpu.memory_space<hbm>> -> memref<10016xf32, #tpu.memory_space<hbm>>
      %dma_wait3A_135 = arith.constant 0 : i32
      %dma_wait3A_136 = tpu.memref_slice %arg8[%select_n3A_30, %add3A_126, %dma_wait3A_135] : memref<2x64x10016xf32, #tpu.memory_space<hbm>> -> memref<1x1x10016xf32, #tpu.memory_space<hbm>>
      %dma_wait3A_137 = tpu.memref_squeeze %dma_wait3A_136 : memref<1x1x10016xf32, #tpu.memory_space<hbm>> -> memref<10016xf32, #tpu.memory_space<hbm>>
      tpu.wait_dma2 semaphore(%run_scoped3A : memref<!tpu.dma_semaphore, #tpu.memory_space<semaphore_mem>>) src(%arg17 : memref<10016xf32, #tpu.memory_space<vmem>>) dst(%dma_wait3A_137 : memref<10016xf32, #tpu.memory_space<hbm>>)
      tpu.yield
    }) : () -> ()
    "tpu.region"() ({
      %run_scoped3A = tpu.sem_alloc : memref<!tpu.dma_semaphore, #tpu.memory_space<semaphore_mem>>
      %dma_start3A_127 = arith.constant 0 : i32
      %dma_start3A_128 = tpu.memref_slice %arg9[%select_n3A_54, %add3A_73, %dma_start3A_127] : memref<8x4x10016xf32, #tpu.memory_space<hbm>> -> memref<1x1x10016xf32, #tpu.memory_space<hbm>>
      %dma_start3A_129 = tpu.memref_squeeze %dma_start3A_128 : memref<1x1x10016xf32, #tpu.memory_space<hbm>> -> memref<10016xf32, #tpu.memory_space<hbm>>
      %dma_start3A_130 = arith.constant 0 : i32
      %dma_start3A_131 = tpu.memref_slice %arg9[%select_n3A_54, %add3A_73, %dma_start3A_130] : memref<8x4x10016xf32, #tpu.memory_space<hbm>> -> memref<1x1x10016xf32, #tpu.memory_space<hbm>>
      %dma_start3A_132 = tpu.memref_squeeze %dma_start3A_131 : memref<1x1x10016xf32, #tpu.memory_space<hbm>> -> memref<10016xf32, #tpu.memory_space<hbm>>
      tpu.enqueue_dma source(%arg12 : memref<10016xf32, #tpu.memory_space<vmem>>) target(%dma_start3A_132 : memref<10016xf32, #tpu.memory_space<hbm>>) target_semaphore(%run_scoped3A : memref<!tpu.dma_semaphore, #tpu.memory_space<semaphore_mem>>)
      %dma_wait3A = arith.constant 0 : i32
      %dma_wait3A_133 = tpu.memref_slice %arg9[%select_n3A_54, %add3A_73, %dma_wait3A] : memref<8x4x10016xf32, #tpu.memory_space<hbm>> -> memref<1x1x10016xf32, #tpu.memory_space<hbm>>
      %dma_wait3A_134 = tpu.memref_squeeze %dma_wait3A_133 : memref<1x1x10016xf32, #tpu.memory_space<hbm>> -> memref<10016xf32, #tpu.memory_space<hbm>>
      %dma_wait3A_135 = arith.constant 0 : i32
      %dma_wait3A_136 = tpu.memref_slice %arg9[%select_n3A_54, %add3A_73, %dma_wait3A_135] : memref<8x4x10016xf32, #tpu.memory_space<hbm>> -> memref<1x1x10016xf32, #tpu.memory_space<hbm>>
      %dma_wait3A_137 = tpu.memref_squeeze %dma_wait3A_136 : memref<1x1x10016xf32, #tpu.memory_space<hbm>> -> memref<10016xf32, #tpu.memory_space<hbm>>
      tpu.wait_dma2 semaphore(%run_scoped3A : memref<!tpu.dma_semaphore, #tpu.memory_space<semaphore_mem>>) src(%arg12 : memref<10016xf32, #tpu.memory_space<vmem>>) dst(%dma_wait3A_137 : memref<10016xf32, #tpu.memory_space<hbm>>)
      tpu.yield
    }) : () -> ()
    return
  }
}

#map = affine_map<(d0, d1) -> (0, 0)>
#map1 = affine_map<(d0, d1) -> (0)>
#map2 = affine_map<(d0, d1) -> (0, 0, 0)>
module attributes {stable_mosaic.version = 14 : i64} {
  func.func @_sc_l2_body(%arg0: i32, %arg1: i32, %arg2: memref<1x10016xf32, #tpu.memory_space<hbm>>, %arg3: memref<1x10016xf32, #tpu.memory_space<hbm>>, %arg4: memref<8x10016xi32, #tpu.memory_space<hbm>>, %arg5: memref<344064xi32, #tpu.memory_space<hbm>>, %arg6: memref<344064xi32, #tpu.memory_space<hbm>>, %arg7: memref<1x16xf32, #tpu.memory_space<hbm>>, %arg8: memref<4x16x10016xf32, #tpu.memory_space<hbm>>, %arg9: memref<32x10016xf32, #tpu.memory_space<hbm>>, %arg10: memref<10016xf32, #tpu.memory_space<vmem>>, %arg11: memref<10016xf32, #tpu.memory_space<vmem>>, %arg12: memref<10016xf32, #tpu.memory_space<vmem>>, %arg13: memref<1x16xf32, #tpu.memory_space<vmem>>, %arg14: memref<10016xf32, #tpu.memory_space<vmem>>, %arg15: memref<10016xf32, #tpu.memory_space<vmem>>, %arg16: memref<10016xi32, #tpu.memory_space<vmem>>, %arg17: memref<2048xi32, #tpu.memory_space<vmem>>, %arg18: memref<2048xi32, #tpu.memory_space<vmem>>, %arg19: memref<2048xi32, #tpu.memory_space<vmem>>, %arg20: memref<2048xi32, #tpu.memory_space<vmem>>, %arg21: memref<!tpu.dma_semaphore, #tpu.memory_space<semaphore_mem>>, %arg22: memref<!tpu.dma_semaphore, #tpu.memory_space<semaphore_mem>>, %arg23: memref<!tpu.dma_semaphore, #tpu.memory_space<semaphore_mem>>, %arg24: memref<!tpu.dma_semaphore, #tpu.memory_space<semaphore_mem>>) attributes {dimension_semantics = [#tpu.dimension_semantics<core_parallel>, #tpu.dimension_semantics<subcore_parallel>], iteration_bounds = array<i64: 2, 16>, scalar_prefetch = 0 : i64, scratch_operands = 15 : i64, tpu.core_type = #tpu.core_type<sc_vector_subcore>, window_params = [{transform_indices = #map}, {transform_indices = #map}, {transform_indices = #map}, {transform_indices = #map1}, {transform_indices = #map1}, {transform_indices = #map}, {transform_indices = #map2}, {transform_indices = #map}]} {
    %mul3A = arith.constant 2 : i32
    %mul3A_0 = arith.muli %arg1, %mul3A : i32
    %add3A = arith.addi %mul3A_0, %arg0 : i32
    %jit3A = arith.constant 8 : i32
    %eq3A = arith.constant 0 : i32
    %eq3A_1 = arith.cmpi eq, %jit3A, %eq3A : i32
    %jit3A_2 = arith.constant 1 : i32
    %select_n3A = arith.select %eq3A_1, %jit3A_2, %jit3A : i32
    %rem3A = arith.remsi %add3A, %select_n3A : i32
    %ne3A = arith.constant 0 : i32
    %ne3A_3 = arith.cmpi ne, %rem3A, %ne3A : i32
    %lt3A = arith.constant 0 : i32
    %lt3A_4 = arith.cmpi slt, %rem3A, %lt3A : i32
    %lt3A_5 = arith.constant 0 : i32
    %lt3A_6 = arith.cmpi slt, %select_n3A, %lt3A_5 : i32
    %ne3A_7 = arith.xori %lt3A_4, %lt3A_6 : i1
    %and3A = arith.andi %ne3A_7, %ne3A_3 : i1
    %add3A_8 = arith.addi %rem3A, %select_n3A : i32
    %select_n3A_9 = arith.select %and3A, %add3A_8, %rem3A : i32
    %jit3A_10 = arith.constant 8 : i32
    %div3A = arith.divsi %add3A, %jit3A_10 : i32
    %sign3A = arith.constant 0 : i32
    %sign3A_11 = arith.cmpi sgt, %add3A, %sign3A : i32
    %sign3A_12 = arith.extui %sign3A_11 : i1 to i32
    %sign3A_13 = arith.constant 0 : i32
    %sign3A_14 = arith.cmpi slt, %add3A, %sign3A_13 : i32
    %sign3A_15 = arith.extui %sign3A_14 : i1 to i32
    %sign3A_16 = arith.subi %sign3A_12, %sign3A_15 : i32
    %sign3A_17 = arith.constant 0 : i32
    %sign3A_18 = arith.cmpi sgt, %jit3A_10, %sign3A_17 : i32
    %sign3A_19 = arith.extui %sign3A_18 : i1 to i32
    %sign3A_20 = arith.constant 0 : i32
    %sign3A_21 = arith.cmpi slt, %jit3A_10, %sign3A_20 : i32
    %sign3A_22 = arith.extui %sign3A_21 : i1 to i32
    %sign3A_23 = arith.subi %sign3A_19, %sign3A_22 : i32
    %ne3A_24 = arith.cmpi ne, %sign3A_16, %sign3A_23 : i32
    %rem3A_25 = arith.remsi %add3A, %jit3A_10 : i32
    %ne3A_26 = arith.constant 0 : i32
    %ne3A_27 = arith.cmpi ne, %rem3A_25, %ne3A_26 : i32
    %and3A_28 = arith.andi %ne3A_24, %ne3A_27 : i1
    %sub3A = arith.constant 1 : i32
    %sub3A_29 = arith.subi %div3A, %sub3A : i32
    %select_n3A_30 = arith.select %and3A_28, %sub3A_29, %div3A : i32
    %mul3A_31 = arith.constant 86016 : i32
    %mul3A_32 = arith.muli %select_n3A_30, %mul3A_31 : i32
    %add3A_33 = arith.constant 0 : i32
    %add3A_34 = arith.addi %mul3A_32, %add3A_33 : i32
    %multiple_of3A = tpu.assume_multiple %add3A_34, 8 : i32
    %dma_start3A = tpu.memref_slice %arg5[%multiple_of3A] : memref<344064xi32, #tpu.memory_space<hbm>> -> memref<2048xi32, #tpu.memory_space<hbm>>
    %dma_start3A_35 = tpu.memref_slice %arg5[%multiple_of3A] : memref<344064xi32, #tpu.memory_space<hbm>> -> memref<2048xi32, #tpu.memory_space<hbm>>
    tpu.enqueue_dma source(%dma_start3A_35 : memref<2048xi32, #tpu.memory_space<hbm>>) target(%arg17 : memref<2048xi32, #tpu.memory_space<vmem>>) target_semaphore(%arg21 : memref<!tpu.dma_semaphore, #tpu.memory_space<semaphore_mem>>)
    %dma_start3A_36 = tpu.memref_slice %arg6[%multiple_of3A] : memref<344064xi32, #tpu.memory_space<hbm>> -> memref<2048xi32, #tpu.memory_space<hbm>>
    %dma_start3A_37 = tpu.memref_slice %arg6[%multiple_of3A] : memref<344064xi32, #tpu.memory_space<hbm>> -> memref<2048xi32, #tpu.memory_space<hbm>>
    tpu.enqueue_dma source(%dma_start3A_37 : memref<2048xi32, #tpu.memory_space<hbm>>) target(%arg19 : memref<2048xi32, #tpu.memory_space<vmem>>) target_semaphore(%arg23 : memref<!tpu.dma_semaphore, #tpu.memory_space<semaphore_mem>>)
    %run_scoped3A = arith.constant 0 : i32
    "tpu.region"() ({
      %run_scoped3A_56 = tpu.sem_alloc : memref<!tpu.dma_semaphore, #tpu.memory_space<semaphore_mem>>
      %dma_start3A_57 = arith.constant 0 : i32
      %dma_start3A_58 = tpu.memref_slice %arg2[%run_scoped3A, %dma_start3A_57] : memref<1x10016xf32, #tpu.memory_space<hbm>> -> memref<1x10016xf32, #tpu.memory_space<hbm>>
      %dma_start3A_59 = tpu.memref_squeeze %dma_start3A_58 : memref<1x10016xf32, #tpu.memory_space<hbm>> -> memref<10016xf32, #tpu.memory_space<hbm>>
      %dma_start3A_60 = arith.constant 0 : i32
      %dma_start3A_61 = tpu.memref_slice %arg2[%run_scoped3A, %dma_start3A_60] : memref<1x10016xf32, #tpu.memory_space<hbm>> -> memref<1x10016xf32, #tpu.memory_space<hbm>>
      %dma_start3A_62 = tpu.memref_squeeze %dma_start3A_61 : memref<1x10016xf32, #tpu.memory_space<hbm>> -> memref<10016xf32, #tpu.memory_space<hbm>>
      tpu.enqueue_dma source(%dma_start3A_62 : memref<10016xf32, #tpu.memory_space<hbm>>) target(%arg10 : memref<10016xf32, #tpu.memory_space<vmem>>) target_semaphore(%run_scoped3A_56 : memref<!tpu.dma_semaphore, #tpu.memory_space<semaphore_mem>>)
      %dma_wait3A = arith.constant 0 : i32
      %dma_wait3A_63 = tpu.memref_slice %arg2[%run_scoped3A, %dma_wait3A] : memref<1x10016xf32, #tpu.memory_space<hbm>> -> memref<1x10016xf32, #tpu.memory_space<hbm>>
      %dma_wait3A_64 = tpu.memref_squeeze %dma_wait3A_63 : memref<1x10016xf32, #tpu.memory_space<hbm>> -> memref<10016xf32, #tpu.memory_space<hbm>>
      %dma_wait3A_65 = arith.constant 0 : i32
      %dma_wait3A_66 = tpu.memref_slice %arg2[%run_scoped3A, %dma_wait3A_65] : memref<1x10016xf32, #tpu.memory_space<hbm>> -> memref<1x10016xf32, #tpu.memory_space<hbm>>
      %dma_wait3A_67 = tpu.memref_squeeze %dma_wait3A_66 : memref<1x10016xf32, #tpu.memory_space<hbm>> -> memref<10016xf32, #tpu.memory_space<hbm>>
      tpu.wait_dma2 semaphore(%run_scoped3A_56 : memref<!tpu.dma_semaphore, #tpu.memory_space<semaphore_mem>>) src(%dma_wait3A_67 : memref<10016xf32, #tpu.memory_space<hbm>>) dst(%arg10 : memref<10016xf32, #tpu.memory_space<vmem>>)
      tpu.yield
    }) : () -> ()
    %run_scoped3A_38 = arith.constant 0 : i32
    "tpu.region"() ({
      %run_scoped3A_56 = tpu.sem_alloc : memref<!tpu.dma_semaphore, #tpu.memory_space<semaphore_mem>>
      %dma_start3A_57 = arith.constant 0 : i32
      %dma_start3A_58 = tpu.memref_slice %arg3[%run_scoped3A_38, %dma_start3A_57] : memref<1x10016xf32, #tpu.memory_space<hbm>> -> memref<1x10016xf32, #tpu.memory_space<hbm>>
      %dma_start3A_59 = tpu.memref_squeeze %dma_start3A_58 : memref<1x10016xf32, #tpu.memory_space<hbm>> -> memref<10016xf32, #tpu.memory_space<hbm>>
      %dma_start3A_60 = arith.constant 0 : i32
      %dma_start3A_61 = tpu.memref_slice %arg3[%run_scoped3A_38, %dma_start3A_60] : memref<1x10016xf32, #tpu.memory_space<hbm>> -> memref<1x10016xf32, #tpu.memory_space<hbm>>
      %dma_start3A_62 = tpu.memref_squeeze %dma_start3A_61 : memref<1x10016xf32, #tpu.memory_space<hbm>> -> memref<10016xf32, #tpu.memory_space<hbm>>
      tpu.enqueue_dma source(%dma_start3A_62 : memref<10016xf32, #tpu.memory_space<hbm>>) target(%arg11 : memref<10016xf32, #tpu.memory_space<vmem>>) target_semaphore(%run_scoped3A_56 : memref<!tpu.dma_semaphore, #tpu.memory_space<semaphore_mem>>)
      %dma_wait3A = arith.constant 0 : i32
      %dma_wait3A_63 = tpu.memref_slice %arg3[%run_scoped3A_38, %dma_wait3A] : memref<1x10016xf32, #tpu.memory_space<hbm>> -> memref<1x10016xf32, #tpu.memory_space<hbm>>
      %dma_wait3A_64 = tpu.memref_squeeze %dma_wait3A_63 : memref<1x10016xf32, #tpu.memory_space<hbm>> -> memref<10016xf32, #tpu.memory_space<hbm>>
      %dma_wait3A_65 = arith.constant 0 : i32
      %dma_wait3A_66 = tpu.memref_slice %arg3[%run_scoped3A_38, %dma_wait3A_65] : memref<1x10016xf32, #tpu.memory_space<hbm>> -> memref<1x10016xf32, #tpu.memory_space<hbm>>
      %dma_wait3A_67 = tpu.memref_squeeze %dma_wait3A_66 : memref<1x10016xf32, #tpu.memory_space<hbm>> -> memref<10016xf32, #tpu.memory_space<hbm>>
      tpu.wait_dma2 semaphore(%run_scoped3A_56 : memref<!tpu.dma_semaphore, #tpu.memory_space<semaphore_mem>>) src(%dma_wait3A_67 : memref<10016xf32, #tpu.memory_space<hbm>>) dst(%arg11 : memref<10016xf32, #tpu.memory_space<vmem>>)
      tpu.yield
    }) : () -> ()
    "tpu.region"() ({
      %run_scoped3A_56 = tpu.sem_alloc : memref<!tpu.dma_semaphore, #tpu.memory_space<semaphore_mem>>
      %dma_start3A_57 = arith.constant 0 : i32
      %dma_start3A_58 = tpu.memref_slice %arg4[%select_n3A_9, %dma_start3A_57] : memref<8x10016xi32, #tpu.memory_space<hbm>> -> memref<1x10016xi32, #tpu.memory_space<hbm>>
      %dma_start3A_59 = tpu.memref_squeeze %dma_start3A_58 : memref<1x10016xi32, #tpu.memory_space<hbm>> -> memref<10016xi32, #tpu.memory_space<hbm>>
      %dma_start3A_60 = arith.constant 0 : i32
      %dma_start3A_61 = tpu.memref_slice %arg4[%select_n3A_9, %dma_start3A_60] : memref<8x10016xi32, #tpu.memory_space<hbm>> -> memref<1x10016xi32, #tpu.memory_space<hbm>>
      %dma_start3A_62 = tpu.memref_squeeze %dma_start3A_61 : memref<1x10016xi32, #tpu.memory_space<hbm>> -> memref<10016xi32, #tpu.memory_space<hbm>>
      tpu.enqueue_dma source(%dma_start3A_62 : memref<10016xi32, #tpu.memory_space<hbm>>) target(%arg16 : memref<10016xi32, #tpu.memory_space<vmem>>) target_semaphore(%run_scoped3A_56 : memref<!tpu.dma_semaphore, #tpu.memory_space<semaphore_mem>>)
      %dma_wait3A = arith.constant 0 : i32
      %dma_wait3A_63 = tpu.memref_slice %arg4[%select_n3A_9, %dma_wait3A] : memref<8x10016xi32, #tpu.memory_space<hbm>> -> memref<1x10016xi32, #tpu.memory_space<hbm>>
      %dma_wait3A_64 = tpu.memref_squeeze %dma_wait3A_63 : memref<1x10016xi32, #tpu.memory_space<hbm>> -> memref<10016xi32, #tpu.memory_space<hbm>>
      %dma_wait3A_65 = arith.constant 0 : i32
      %dma_wait3A_66 = tpu.memref_slice %arg4[%select_n3A_9, %dma_wait3A_65] : memref<8x10016xi32, #tpu.memory_space<hbm>> -> memref<1x10016xi32, #tpu.memory_space<hbm>>
      %dma_wait3A_67 = tpu.memref_squeeze %dma_wait3A_66 : memref<1x10016xi32, #tpu.memory_space<hbm>> -> memref<10016xi32, #tpu.memory_space<hbm>>
      tpu.wait_dma2 semaphore(%run_scoped3A_56 : memref<!tpu.dma_semaphore, #tpu.memory_space<semaphore_mem>>) src(%dma_wait3A_67 : memref<10016xi32, #tpu.memory_space<hbm>>) dst(%arg16 : memref<10016xi32, #tpu.memory_space<vmem>>)
      tpu.yield
    }) : () -> ()
    "tpu.region"() ({
      %run_scoped3A_56 = tpu.sem_alloc : memref<!tpu.dma_semaphore, #tpu.memory_space<semaphore_mem>>
      tpu.enqueue_dma source(%arg7 : memref<1x16xf32, #tpu.memory_space<hbm>>) target(%arg13 : memref<1x16xf32, #tpu.memory_space<vmem>>) target_semaphore(%run_scoped3A_56 : memref<!tpu.dma_semaphore, #tpu.memory_space<semaphore_mem>>)
      tpu.wait_dma2 semaphore(%run_scoped3A_56 : memref<!tpu.dma_semaphore, #tpu.memory_space<semaphore_mem>>) src(%arg7 : memref<1x16xf32, #tpu.memory_space<hbm>>) dst(%arg13 : memref<1x16xf32, #tpu.memory_space<vmem>>)
      tpu.yield
    }) : () -> ()
    %get3A = arith.constant 0 : i32
    %get3A_39 = arith.index_cast %get3A : i32 to index
    %get3A_40 = arith.constant 0 : index
    %get3A_41 = tpu.vector_load %arg13[%get3A_39, %get3A_40] {strides = array<i32>} : memref<1x16xf32, #tpu.memory_space<vmem>>, vector<16xf32>,
    %parallel_loop3A = arith.constant 0 : i32
    %parallel_loop3A_42 = arith.constant 626 : i32
    %parallel_loop3A_43 = arith.constant 1 : i32
    scf.for %parallel_loop3A_56 = %parallel_loop3A to %parallel_loop3A_42 step %parallel_loop3A_43  : i32 {
      %parallel_loop3A_57 = arith.constant 16 : i32
      %parallel_loop3A_58 = arith.muli %parallel_loop3A_56, %parallel_loop3A_57 : i32
      %parallel_loop3A_59 = arith.constant 0.000000e+00 : f32
      %parallel_loop3A_60 = vector.broadcast %parallel_loop3A_59 : f32 to vector<16xf32>
      %parallel_loop3A_61 = arith.index_cast %parallel_loop3A_58 : i32 to index
      %parallel_loop3A_62 = tpu.vector_load %arg12[%parallel_loop3A_61] {strides = array<i32>} : memref<10016xf32, #tpu.memory_space<vmem>>, vector<16xf32>,
      tpu.vector_store %arg12[%parallel_loop3A_61], %parallel_loop3A_60 {strides = array<i32>} : memref<10016xf32, #tpu.memory_space<vmem>>, vector<16xf32>,
      %parallel_loop3A_63 = arith.constant 0.000000e+00 : f32
      %parallel_loop3A_64 = vector.broadcast %parallel_loop3A_63 : f32 to vector<16xf32>
      %parallel_loop3A_65 = arith.index_cast %parallel_loop3A_58 : i32 to index
      %parallel_loop3A_66 = tpu.vector_load %arg14[%parallel_loop3A_65] {strides = array<i32>} : memref<10016xf32, #tpu.memory_space<vmem>>, vector<16xf32>,
      tpu.vector_store %arg14[%parallel_loop3A_65], %parallel_loop3A_64 {strides = array<i32>} : memref<10016xf32, #tpu.memory_space<vmem>>, vector<16xf32>,
      %parallel_loop3A_67 = arith.constant 0.000000e+00 : f32
      %parallel_loop3A_68 = vector.broadcast %parallel_loop3A_67 : f32 to vector<16xf32>
      %parallel_loop3A_69 = arith.index_cast %parallel_loop3A_58 : i32 to index
      %parallel_loop3A_70 = tpu.vector_load %arg15[%parallel_loop3A_69] {strides = array<i32>} : memref<10016xf32, #tpu.memory_space<vmem>>, vector<16xf32>,
      tpu.vector_store %arg15[%parallel_loop3A_69], %parallel_loop3A_68 {strides = array<i32>} : memref<10016xf32, #tpu.memory_space<vmem>>, vector<16xf32>,
    } {sc.loop_unroll_factor = 4 : i64, sc.parallel_access}
    %scan3A = arith.constant 0 : i32
    %scan3A_44 = arith.constant 0 : i32
    %scan3A_45 = arith.constant 21 : i32
    %scan3A_46 = arith.addi %scan3A_44, %scan3A_45 : i32
    %scan3A_47 = arith.constant 1 : i32
    %scan3A_48 = scf.for %scan3A_56 = %scan3A_44 to %scan3A_46 step %scan3A_47 iter_args(%scan3A_57 = %scan3A) -> (i32)  : i32 {
      %mul3A_58 = arith.constant 2 : i32
      %mul3A_59 = arith.muli %mul3A_58, %scan3A_56 : i32
      %add3A_60 = arith.constant 0 : i32
      %add3A_61 = arith.addi %mul3A_59, %add3A_60 : i32
      %dma_wait3A = arith.constant 0 : i32
      %dma_wait3A_62 = tpu.memref_slice %arg5[%dma_wait3A] : memref<344064xi32, #tpu.memory_space<hbm>> -> memref<2048xi32, #tpu.memory_space<hbm>>
      %dma_wait3A_63 = arith.constant 0 : i32
      %dma_wait3A_64 = tpu.memref_slice %arg5[%dma_wait3A_63] : memref<344064xi32, #tpu.memory_space<hbm>> -> memref<2048xi32, #tpu.memory_space<hbm>>
      tpu.wait_dma2 semaphore(%arg21 : memref<!tpu.dma_semaphore, #tpu.memory_space<semaphore_mem>>) src(%dma_wait3A_64 : memref<2048xi32, #tpu.memory_space<hbm>>) dst(%arg17 : memref<2048xi32, #tpu.memory_space<vmem>>)
      %dma_wait3A_65 = arith.constant 0 : i32
      %dma_wait3A_66 = tpu.memref_slice %arg6[%dma_wait3A_65] : memref<344064xi32, #tpu.memory_space<hbm>> -> memref<2048xi32, #tpu.memory_space<hbm>>
      %dma_wait3A_67 = arith.constant 0 : i32
      %dma_wait3A_68 = tpu.memref_slice %arg6[%dma_wait3A_67] : memref<344064xi32, #tpu.memory_space<hbm>> -> memref<2048xi32, #tpu.memory_space<hbm>>
      tpu.wait_dma2 semaphore(%arg23 : memref<!tpu.dma_semaphore, #tpu.memory_space<semaphore_mem>>) src(%dma_wait3A_68 : memref<2048xi32, #tpu.memory_space<hbm>>) dst(%arg19 : memref<2048xi32, #tpu.memory_space<vmem>>)
      %add3A_69 = arith.constant 1 : i32
      %add3A_70 = arith.addi %add3A_61, %add3A_69 : i32
      %mul3A_71 = arith.constant 2048 : i32
      %mul3A_72 = arith.muli %add3A_70, %mul3A_71 : i32
      %add3A_73 = arith.addi %mul3A_32, %mul3A_72 : i32
      %multiple_of3A_74 = tpu.assume_multiple %add3A_73, 8 : i32
      %dma_start3A_75 = tpu.memref_slice %arg5[%multiple_of3A_74] : memref<344064xi32, #tpu.memory_space<hbm>> -> memref<2048xi32, #tpu.memory_space<hbm>>
      %dma_start3A_76 = tpu.memref_slice %arg5[%multiple_of3A_74] : memref<344064xi32, #tpu.memory_space<hbm>> -> memref<2048xi32, #tpu.memory_space<hbm>>
      tpu.enqueue_dma source(%dma_start3A_76 : memref<2048xi32, #tpu.memory_space<hbm>>) target(%arg18 : memref<2048xi32, #tpu.memory_space<vmem>>) target_semaphore(%arg22 : memref<!tpu.dma_semaphore, #tpu.memory_space<semaphore_mem>>)
      %dma_start3A_77 = tpu.memref_slice %arg6[%multiple_of3A_74] : memref<344064xi32, #tpu.memory_space<hbm>> -> memref<2048xi32, #tpu.memory_space<hbm>>
      %dma_start3A_78 = tpu.memref_slice %arg6[%multiple_of3A_74] : memref<344064xi32, #tpu.memory_space<hbm>> -> memref<2048xi32, #tpu.memory_space<hbm>>
      tpu.enqueue_dma source(%dma_start3A_78 : memref<2048xi32, #tpu.memory_space<hbm>>) target(%arg20 : memref<2048xi32, #tpu.memory_space<vmem>>) target_semaphore(%arg24 : memref<!tpu.dma_semaphore, #tpu.memory_space<semaphore_mem>>)
      %parallel_loop3A_79 = arith.constant 0 : i32
      %parallel_loop3A_80 = arith.constant 128 : i32
      %parallel_loop3A_81 = arith.constant 1 : i32
      scf.for %parallel_loop3A_101 = %parallel_loop3A_79 to %parallel_loop3A_80 step %parallel_loop3A_81  : i32 {
        %parallel_loop3A_102 = arith.constant 16 : i32
        %parallel_loop3A_103 = arith.muli %parallel_loop3A_101, %parallel_loop3A_102 : i32
        %parallel_loop3A_104 = arith.index_cast %parallel_loop3A_103 : i32 to index
        %parallel_loop3A_105 = tpu.vector_load %arg17[%parallel_loop3A_104] {strides = array<i32>} : memref<2048xi32, #tpu.memory_space<vmem>>, vector<16xi32>,
        %parallel_loop3A_106 = arith.index_cast %parallel_loop3A_103 : i32 to index
        %parallel_loop3A_107 = tpu.vector_load %arg19[%parallel_loop3A_106] {strides = array<i32>} : memref<2048xi32, #tpu.memory_space<vmem>>, vector<16xi32>,
        %parallel_loop3A_108 = tpu.vector_load_idx %arg10[%parallel_loop3A_105] : memref<10016xf32, #tpu.memory_space<vmem>>[vector<16xi32>], vector<16xf32>,
        %parallel_loop3A_109 = tpu.vector_load_idx %arg11[%parallel_loop3A_107] : memref<10016xf32, #tpu.memory_space<vmem>>[vector<16xi32>], vector<16xf32>,
        %parallel_loop3A_110 = arith.addf %parallel_loop3A_108, %parallel_loop3A_109 : vector<16xf32>
        %parallel_loop3A_111 = arith.constant 2.000000e-01 : f32
        %parallel_loop3A_112 = vector.broadcast %parallel_loop3A_111 : f32 to vector<16xf32>
        %parallel_loop3A_113 = arith.mulf %parallel_loop3A_112, %parallel_loop3A_110 : vector<16xf32>
        %parallel_loop3A_114 = arith.maximumf %parallel_loop3A_110, %parallel_loop3A_113 : vector<16xf32>
        %parallel_loop3A_115 = arith.subf %parallel_loop3A_114, %get3A_41 : vector<16xf32>
        %parallel_loop3A_116 = math.exp %parallel_loop3A_115 : vector<16xf32>
        tpu.vector_store_idx %arg12[%parallel_loop3A_107], %parallel_loop3A_116 {add = true} : memref<10016xf32, #tpu.memory_space<vmem>>[vector<16xi32>], vector<16xf32>,
        %parallel_loop3A_117 = tpu.vector_load_idx %arg16[%parallel_loop3A_105] : memref<10016xi32, #tpu.memory_space<vmem>>[vector<16xi32>], vector<16xi32>,
        %parallel_loop3A_118 = vector.bitcast %parallel_loop3A_117 : vector<16xi32> to vector<32xbf16>
        %parallel_loop3A_119 = tpu.unpack_subelements %parallel_loop3A_118, 0 {pack_format = #tpu.pack_format<interleaved>} : vector<32xbf16> -> vector<16xf32>
        %parallel_loop3A_120 = tpu.unpack_subelements %parallel_loop3A_118, 1 {pack_format = #tpu.pack_format<interleaved>} : vector<32xbf16> -> vector<16xf32>
        %parallel_loop3A_121 = arith.mulf %parallel_loop3A_116, %parallel_loop3A_119 : vector<16xf32>
        tpu.vector_store_idx %arg14[%parallel_loop3A_107], %parallel_loop3A_121 {add = true} : memref<10016xf32, #tpu.memory_space<vmem>>[vector<16xi32>], vector<16xf32>,
        %parallel_loop3A_122 = arith.mulf %parallel_loop3A_116, %parallel_loop3A_120 : vector<16xf32>
        tpu.vector_store_idx %arg15[%parallel_loop3A_107], %parallel_loop3A_122 {add = true} : memref<10016xf32, #tpu.memory_space<vmem>>[vector<16xi32>], vector<16xf32>,
      } {sc.loop_unroll_factor = 4 : i64, sc.parallel_access}
      %mul3A_82 = arith.constant 2 : i32
      %mul3A_83 = arith.muli %mul3A_82, %scan3A_56 : i32
      %add3A_84 = arith.constant 1 : i32
      %add3A_85 = arith.addi %mul3A_83, %add3A_84 : i32
      %dma_wait3A_86 = arith.constant 0 : i32
      %dma_wait3A_87 = tpu.memref_slice %arg5[%dma_wait3A_86] : memref<344064xi32, #tpu.memory_space<hbm>> -> memref<2048xi32, #tpu.memory_space<hbm>>
      %dma_wait3A_88 = arith.constant 0 : i32
      %dma_wait3A_89 = tpu.memref_slice %arg5[%dma_wait3A_88] : memref<344064xi32, #tpu.memory_space<hbm>> -> memref<2048xi32, #tpu.memory_space<hbm>>
      tpu.wait_dma2 semaphore(%arg22 : memref<!tpu.dma_semaphore, #tpu.memory_space<semaphore_mem>>) src(%dma_wait3A_89 : memref<2048xi32, #tpu.memory_space<hbm>>) dst(%arg18 : memref<2048xi32, #tpu.memory_space<vmem>>)
      %dma_wait3A_90 = arith.constant 0 : i32
      %dma_wait3A_91 = tpu.memref_slice %arg6[%dma_wait3A_90] : memref<344064xi32, #tpu.memory_space<hbm>> -> memref<2048xi32, #tpu.memory_space<hbm>>
      %dma_wait3A_92 = arith.constant 0 : i32
      %dma_wait3A_93 = tpu.memref_slice %arg6[%dma_wait3A_92] : memref<344064xi32, #tpu.memory_space<hbm>> -> memref<2048xi32, #tpu.memory_space<hbm>>
      tpu.wait_dma2 semaphore(%arg24 : memref<!tpu.dma_semaphore, #tpu.memory_space<semaphore_mem>>) src(%dma_wait3A_93 : memref<2048xi32, #tpu.memory_space<hbm>>) dst(%arg20 : memref<2048xi32, #tpu.memory_space<vmem>>)
      %lt3A_94 = arith.constant 20 : i32
      %lt3A_95 = arith.cmpi slt, %scan3A_56, %lt3A_94 : i32
      %convert_element_type3A = arith.extui %lt3A_95 : i1 to i32
      %cond3A = arith.constant 0 : i32
      %cond3A_96 = arith.cmpi ne, %convert_element_type3A, %cond3A : i32
      scf.if %cond3A_96 {
        %add3A_101 = arith.constant 1 : i32
        %add3A_102 = arith.addi %add3A_85, %add3A_101 : i32
        %mul3A_103 = arith.constant 2048 : i32
        %mul3A_104 = arith.muli %add3A_102, %mul3A_103 : i32
        %add3A_105 = arith.addi %mul3A_32, %mul3A_104 : i32
        %multiple_of3A_106 = tpu.assume_multiple %add3A_105, 8 : i32
        %dma_start3A_107 = tpu.memref_slice %arg5[%multiple_of3A_106] : memref<344064xi32, #tpu.memory_space<hbm>> -> memref<2048xi32, #tpu.memory_space<hbm>>
        %dma_start3A_108 = tpu.memref_slice %arg5[%multiple_of3A_106] : memref<344064xi32, #tpu.memory_space<hbm>> -> memref<2048xi32, #tpu.memory_space<hbm>>
        tpu.enqueue_dma source(%dma_start3A_108 : memref<2048xi32, #tpu.memory_space<hbm>>) target(%arg17 : memref<2048xi32, #tpu.memory_space<vmem>>) target_semaphore(%arg21 : memref<!tpu.dma_semaphore, #tpu.memory_space<semaphore_mem>>)
        %dma_start3A_109 = tpu.memref_slice %arg6[%multiple_of3A_106] : memref<344064xi32, #tpu.memory_space<hbm>> -> memref<2048xi32, #tpu.memory_space<hbm>>
        %dma_start3A_110 = tpu.memref_slice %arg6[%multiple_of3A_106] : memref<344064xi32, #tpu.memory_space<hbm>> -> memref<2048xi32, #tpu.memory_space<hbm>>
        tpu.enqueue_dma source(%dma_start3A_110 : memref<2048xi32, #tpu.memory_space<hbm>>) target(%arg19 : memref<2048xi32, #tpu.memory_space<vmem>>) target_semaphore(%arg23 : memref<!tpu.dma_semaphore, #tpu.memory_space<semaphore_mem>>)
      } else {
      }
      %parallel_loop3A_97 = arith.constant 0 : i32
      %parallel_loop3A_98 = arith.constant 128 : i32
      %parallel_loop3A_99 = arith.constant 1 : i32
      scf.for %parallel_loop3A_101 = %parallel_loop3A_97 to %parallel_loop3A_98 step %parallel_loop3A_99  : i32 {
        %parallel_loop3A_102 = arith.constant 16 : i32
        %parallel_loop3A_103 = arith.muli %parallel_loop3A_101, %parallel_loop3A_102 : i32
        %parallel_loop3A_104 = arith.index_cast %parallel_loop3A_103 : i32 to index
        %parallel_loop3A_105 = tpu.vector_load %arg18[%parallel_loop3A_104] {strides = array<i32>} : memref<2048xi32, #tpu.memory_space<vmem>>, vector<16xi32>,
        %parallel_loop3A_106 = arith.index_cast %parallel_loop3A_103 : i32 to index
        %parallel_loop3A_107 = tpu.vector_load %arg20[%parallel_loop3A_106] {strides = array<i32>} : memref<2048xi32, #tpu.memory_space<vmem>>, vector<16xi32>,
        %parallel_loop3A_108 = tpu.vector_load_idx %arg10[%parallel_loop3A_105] : memref<10016xf32, #tpu.memory_space<vmem>>[vector<16xi32>], vector<16xf32>,
        %parallel_loop3A_109 = tpu.vector_load_idx %arg11[%parallel_loop3A_107] : memref<10016xf32, #tpu.memory_space<vmem>>[vector<16xi32>], vector<16xf32>,
        %parallel_loop3A_110 = arith.addf %parallel_loop3A_108, %parallel_loop3A_109 : vector<16xf32>
        %parallel_loop3A_111 = arith.constant 2.000000e-01 : f32
        %parallel_loop3A_112 = vector.broadcast %parallel_loop3A_111 : f32 to vector<16xf32>
        %parallel_loop3A_113 = arith.mulf %parallel_loop3A_112, %parallel_loop3A_110 : vector<16xf32>
        %parallel_loop3A_114 = arith.maximumf %parallel_loop3A_110, %parallel_loop3A_113 : vector<16xf32>
        %parallel_loop3A_115 = arith.subf %parallel_loop3A_114, %get3A_41 : vector<16xf32>
        %parallel_loop3A_116 = math.exp %parallel_loop3A_115 : vector<16xf32>
        tpu.vector_store_idx %arg12[%parallel_loop3A_107], %parallel_loop3A_116 {add = true} : memref<10016xf32, #tpu.memory_space<vmem>>[vector<16xi32>], vector<16xf32>,
        %parallel_loop3A_117 = tpu.vector_load_idx %arg16[%parallel_loop3A_105] : memref<10016xi32, #tpu.memory_space<vmem>>[vector<16xi32>], vector<16xi32>,
        %parallel_loop3A_118 = vector.bitcast %parallel_loop3A_117 : vector<16xi32> to vector<32xbf16>
        %parallel_loop3A_119 = tpu.unpack_subelements %parallel_loop3A_118, 0 {pack_format = #tpu.pack_format<interleaved>} : vector<32xbf16> -> vector<16xf32>
        %parallel_loop3A_120 = tpu.unpack_subelements %parallel_loop3A_118, 1 {pack_format = #tpu.pack_format<interleaved>} : vector<32xbf16> -> vector<16xf32>
        %parallel_loop3A_121 = arith.mulf %parallel_loop3A_116, %parallel_loop3A_119 : vector<16xf32>
        tpu.vector_store_idx %arg14[%parallel_loop3A_107], %parallel_loop3A_121 {add = true} : memref<10016xf32, #tpu.memory_space<vmem>>[vector<16xi32>], vector<16xf32>,
        %parallel_loop3A_122 = arith.mulf %parallel_loop3A_116, %parallel_loop3A_120 : vector<16xf32>
        tpu.vector_store_idx %arg15[%parallel_loop3A_107], %parallel_loop3A_122 {add = true} : memref<10016xf32, #tpu.memory_space<vmem>>[vector<16xi32>], vector<16xf32>,
      } {sc.loop_unroll_factor = 4 : i64, sc.parallel_access}
      %scan3A_100 = arith.constant 0 : i32
      scf.yield %scan3A_100 : i32
    }
    %scan3A_49 = arith.constant 21 : i32
    %mul3A_50 = arith.constant 2 : i32
    %mul3A_51 = arith.muli %mul3A_50, %select_n3A_9 : i32
    "tpu.region"() ({
      %run_scoped3A_56 = tpu.sem_alloc : memref<!tpu.dma_semaphore, #tpu.memory_space<semaphore_mem>>
      %dma_start3A_57 = arith.constant 0 : i32
      %dma_start3A_58 = tpu.memref_slice %arg8[%select_n3A_30, %mul3A_51, %dma_start3A_57] : memref<4x16x10016xf32, #tpu.memory_space<hbm>> -> memref<1x1x10016xf32, #tpu.memory_space<hbm>>
      %dma_start3A_59 = tpu.memref_squeeze %dma_start3A_58 : memref<1x1x10016xf32, #tpu.memory_space<hbm>> -> memref<10016xf32, #tpu.memory_space<hbm>>
      %dma_start3A_60 = arith.constant 0 : i32
      %dma_start3A_61 = tpu.memref_slice %arg8[%select_n3A_30, %mul3A_51, %dma_start3A_60] : memref<4x16x10016xf32, #tpu.memory_space<hbm>> -> memref<1x1x10016xf32, #tpu.memory_space<hbm>>
      %dma_start3A_62 = tpu.memref_squeeze %dma_start3A_61 : memref<1x1x10016xf32, #tpu.memory_space<hbm>> -> memref<10016xf32, #tpu.memory_space<hbm>>
      tpu.enqueue_dma source(%arg14 : memref<10016xf32, #tpu.memory_space<vmem>>) target(%dma_start3A_62 : memref<10016xf32, #tpu.memory_space<hbm>>) target_semaphore(%run_scoped3A_56 : memref<!tpu.dma_semaphore, #tpu.memory_space<semaphore_mem>>)
      %dma_wait3A = arith.constant 0 : i32
      %dma_wait3A_63 = tpu.memref_slice %arg8[%select_n3A_30, %mul3A_51, %dma_wait3A] : memref<4x16x10016xf32, #tpu.memory_space<hbm>> -> memref<1x1x10016xf32, #tpu.memory_space<hbm>>
      %dma_wait3A_64 = tpu.memref_squeeze %dma_wait3A_63 : memref<1x1x10016xf32, #tpu.memory_space<hbm>> -> memref<10016xf32, #tpu.memory_space<hbm>>
      %dma_wait3A_65 = arith.constant 0 : i32
      %dma_wait3A_66 = tpu.memref_slice %arg8[%select_n3A_30, %mul3A_51, %dma_wait3A_65] : memref<4x16x10016xf32, #tpu.memory_space<hbm>> -> memref<1x1x10016xf32, #tpu.memory_space<hbm>>
      %dma_wait3A_67 = tpu.memref_squeeze %dma_wait3A_66 : memref<1x1x10016xf32, #tpu.memory_space<hbm>> -> memref<10016xf32, #tpu.memory_space<hbm>>
      tpu.wait_dma2 semaphore(%run_scoped3A_56 : memref<!tpu.dma_semaphore, #tpu.memory_space<semaphore_mem>>) src(%arg14 : memref<10016xf32, #tpu.memory_space<vmem>>) dst(%dma_wait3A_67 : memref<10016xf32, #tpu.memory_space<hbm>>)
      tpu.yield
    }) : () -> ()
    %mul3A_52 = arith.constant 2 : i32
    %mul3A_53 = arith.muli %mul3A_52, %select_n3A_9 : i32
    %add3A_54 = arith.constant 1 : i32
    %add3A_55 = arith.addi %mul3A_53, %add3A_54 : i32
    "tpu.region"() ({
      %run_scoped3A_56 = tpu.sem_alloc : memref<!tpu.dma_semaphore, #tpu.memory_space<semaphore_mem>>
      %dma_start3A_57 = arith.constant 0 : i32
      %dma_start3A_58 = tpu.memref_slice %arg8[%select_n3A_30, %add3A_55, %dma_start3A_57] : memref<4x16x10016xf32, #tpu.memory_space<hbm>> -> memref<1x1x10016xf32, #tpu.memory_space<hbm>>
      %dma_start3A_59 = tpu.memref_squeeze %dma_start3A_58 : memref<1x1x10016xf32, #tpu.memory_space<hbm>> -> memref<10016xf32, #tpu.memory_space<hbm>>
      %dma_start3A_60 = arith.constant 0 : i32
      %dma_start3A_61 = tpu.memref_slice %arg8[%select_n3A_30, %add3A_55, %dma_start3A_60] : memref<4x16x10016xf32, #tpu.memory_space<hbm>> -> memref<1x1x10016xf32, #tpu.memory_space<hbm>>
      %dma_start3A_62 = tpu.memref_squeeze %dma_start3A_61 : memref<1x1x10016xf32, #tpu.memory_space<hbm>> -> memref<10016xf32, #tpu.memory_space<hbm>>
      tpu.enqueue_dma source(%arg15 : memref<10016xf32, #tpu.memory_space<vmem>>) target(%dma_start3A_62 : memref<10016xf32, #tpu.memory_space<hbm>>) target_semaphore(%run_scoped3A_56 : memref<!tpu.dma_semaphore, #tpu.memory_space<semaphore_mem>>)
      %dma_wait3A = arith.constant 0 : i32
      %dma_wait3A_63 = tpu.memref_slice %arg8[%select_n3A_30, %add3A_55, %dma_wait3A] : memref<4x16x10016xf32, #tpu.memory_space<hbm>> -> memref<1x1x10016xf32, #tpu.memory_space<hbm>>
      %dma_wait3A_64 = tpu.memref_squeeze %dma_wait3A_63 : memref<1x1x10016xf32, #tpu.memory_space<hbm>> -> memref<10016xf32, #tpu.memory_space<hbm>>
      %dma_wait3A_65 = arith.constant 0 : i32
      %dma_wait3A_66 = tpu.memref_slice %arg8[%select_n3A_30, %add3A_55, %dma_wait3A_65] : memref<4x16x10016xf32, #tpu.memory_space<hbm>> -> memref<1x1x10016xf32, #tpu.memory_space<hbm>>
      %dma_wait3A_67 = tpu.memref_squeeze %dma_wait3A_66 : memref<1x1x10016xf32, #tpu.memory_space<hbm>> -> memref<10016xf32, #tpu.memory_space<hbm>>
      tpu.wait_dma2 semaphore(%run_scoped3A_56 : memref<!tpu.dma_semaphore, #tpu.memory_space<semaphore_mem>>) src(%arg15 : memref<10016xf32, #tpu.memory_space<vmem>>) dst(%dma_wait3A_67 : memref<10016xf32, #tpu.memory_space<hbm>>)
      tpu.yield
    }) : () -> ()
    "tpu.region"() ({
      %run_scoped3A_56 = tpu.sem_alloc : memref<!tpu.dma_semaphore, #tpu.memory_space<semaphore_mem>>
      %dma_start3A_57 = arith.constant 0 : i32
      %dma_start3A_58 = tpu.memref_slice %arg9[%add3A, %dma_start3A_57] : memref<32x10016xf32, #tpu.memory_space<hbm>> -> memref<1x10016xf32, #tpu.memory_space<hbm>>
      %dma_start3A_59 = tpu.memref_squeeze %dma_start3A_58 : memref<1x10016xf32, #tpu.memory_space<hbm>> -> memref<10016xf32, #tpu.memory_space<hbm>>
      %dma_start3A_60 = arith.constant 0 : i32
      %dma_start3A_61 = tpu.memref_slice %arg9[%add3A, %dma_start3A_60] : memref<32x10016xf32, #tpu.memory_space<hbm>> -> memref<1x10016xf32, #tpu.memory_space<hbm>>
      %dma_start3A_62 = tpu.memref_squeeze %dma_start3A_61 : memref<1x10016xf32, #tpu.memory_space<hbm>> -> memref<10016xf32, #tpu.memory_space<hbm>>
      tpu.enqueue_dma source(%arg12 : memref<10016xf32, #tpu.memory_space<vmem>>) target(%dma_start3A_62 : memref<10016xf32, #tpu.memory_space<hbm>>) target_semaphore(%run_scoped3A_56 : memref<!tpu.dma_semaphore, #tpu.memory_space<semaphore_mem>>)
      %dma_wait3A = arith.constant 0 : i32
      %dma_wait3A_63 = tpu.memref_slice %arg9[%add3A, %dma_wait3A] : memref<32x10016xf32, #tpu.memory_space<hbm>> -> memref<1x10016xf32, #tpu.memory_space<hbm>>
      %dma_wait3A_64 = tpu.memref_squeeze %dma_wait3A_63 : memref<1x10016xf32, #tpu.memory_space<hbm>> -> memref<10016xf32, #tpu.memory_space<hbm>>
      %dma_wait3A_65 = arith.constant 0 : i32
      %dma_wait3A_66 = tpu.memref_slice %arg9[%add3A, %dma_wait3A_65] : memref<32x10016xf32, #tpu.memory_space<hbm>> -> memref<1x10016xf32, #tpu.memory_space<hbm>>
      %dma_wait3A_67 = tpu.memref_squeeze %dma_wait3A_66 : memref<1x10016xf32, #tpu.memory_space<hbm>> -> memref<10016xf32, #tpu.memory_space<hbm>>
      tpu.wait_dma2 semaphore(%run_scoped3A_56 : memref<!tpu.dma_semaphore, #tpu.memory_space<semaphore_mem>>) src(%arg12 : memref<10016xf32, #tpu.memory_space<vmem>>) dst(%dma_wait3A_67 : memref<10016xf32, #tpu.memory_space<hbm>>)
      tpu.yield
    }) : () -> ()
    return
  }
}

module attributes {stable_mosaic.version = 14 : i64} {
  func.func @_tc1_body(%arg0: memref<10016x128xf32, #tpu.memory_space<vmem>>, %arg1: memref<32x128xf32, #tpu.memory_space<vmem>>, %arg2: memref<32x128xf32, #tpu.memory_space<vmem>>, %arg3: memref<8x32xf32, #tpu.memory_space<vmem>>, %arg4: memref<8x32xf32, #tpu.memory_space<vmem>>, %arg5: memref<8x32xf32, #tpu.memory_space<vmem>>, %arg6: memref<8x32xf32, #tpu.memory_space<vmem>>, %arg7: memref<32x10016xi32, #tpu.memory_space<vmem>>, %arg8: memref<8x10016xf32, #tpu.memory_space<vmem>>, %arg9: memref<8x10016xf32, #tpu.memory_space<vmem>>, %arg10: memref<8x16xf32, #tpu.memory_space<vmem>>) attributes {dimension_semantics = [], scalar_prefetch = 0 : i64, scratch_operands = 0 : i64, tpu.core_type = #tpu.core_type<tc>} {
    %get3A = arith.constant 0 : index
    %get3A_0 = arith.constant 0 : index
    %get3A_1 = vector.load %arg0[%get3A, %get3A_0] : memref<10016x128xf32, #tpu.memory_space<vmem>>, vector<10016x128xf32>
    %get3A_2 = arith.constant 0 : index
    %get3A_3 = arith.constant 0 : index
    %get3A_4 = vector.load %arg1[%get3A_2, %get3A_3] : memref<32x128xf32, #tpu.memory_space<vmem>>, vector<32x128xf32>
    %dot_general3A = arith.constant dense<0.000000e+00> : vector<32x10016xf32>
    %dot_general3A_5 = tpu.matmul %get3A_4, %get3A_1, %dot_general3A {dimension_numbers = #tpu.dot_dimension_numbers<[1], [1], [0], [0], [0, 0, 1, 0], [], []>, transpose_lhs_hint = false} : vector<32x128xf32>, vector<10016x128xf32>, vector<32x10016xf32> -> vector<32x10016xf32>
    %get3A_6 = arith.constant 0 : index
    %get3A_7 = arith.constant 0 : index
    %get3A_8 = vector.load %arg2[%get3A_6, %get3A_7] : memref<32x128xf32, #tpu.memory_space<vmem>>, vector<32x128xf32>
    %dot_general3A_9 = arith.constant dense<0.000000e+00> : vector<32x10016xf32>
    %dot_general3A_10 = tpu.matmul %get3A_8, %get3A_1, %dot_general3A_9 {dimension_numbers = #tpu.dot_dimension_numbers<[1], [1], [0], [0], [0, 0, 1, 0], [], []>, transpose_lhs_hint = false} : vector<32x128xf32>, vector<10016x128xf32>, vector<32x10016xf32> -> vector<32x10016xf32>
    %convert_element_type3A = arith.truncf %dot_general3A_5 : vector<32x10016xf32> to vector<32x10016xbf16>
    %bitcast_convert_type3A = tpu.bitcast %convert_element_type3A : vector<32x10016xbf16> -> vector<32x10016xi16>
    %convert_element_type3A_11 = arith.extui %bitcast_convert_type3A : vector<32x10016xi16> to vector<32x10016xi32>
    %convert_element_type3A_12 = arith.truncf %dot_general3A_10 : vector<32x10016xf32> to vector<32x10016xbf16>
    %bitcast_convert_type3A_13 = tpu.bitcast %convert_element_type3A_12 : vector<32x10016xbf16> -> vector<32x10016xi16>
    %convert_element_type3A_14 = arith.extui %bitcast_convert_type3A_13 : vector<32x10016xi16> to vector<32x10016xi32>
    %shift_left3A = arith.constant 16 : i32
    %shift_left3A_15 = vector.broadcast %shift_left3A : i32 to vector<32x10016xi32>
    %shift_left3A_16 = arith.shli %convert_element_type3A_14, %shift_left3A_15 : vector<32x10016xi32>
    %or3A = arith.ori %convert_element_type3A_11, %shift_left3A_16 : vector<32x10016xi32>
    %bitcast_convert_type3A_17 = tpu.bitcast %or3A : vector<32x10016xi32> -> vector<32x10016xi32>
    %swap3A = arith.constant 0 : index
    %swap3A_18 = arith.constant 0 : index
    %swap3A_19 = vector.load %arg7[%swap3A, %swap3A_18] : memref<32x10016xi32, #tpu.memory_space<vmem>>, vector<32x10016xi32>
    tpu.vector_store %arg7[%swap3A, %swap3A_18], %bitcast_convert_type3A_17 {strides = array<i32>} : memref<32x10016xi32, #tpu.memory_space<vmem>>, vector<32x10016xi32>,
    %get3A_20 = arith.constant 0 : index
    %get3A_21 = arith.constant 0 : index
    %get3A_22 = vector.load %arg3[%get3A_20, %get3A_21] : memref<8x32xf32, #tpu.memory_space<vmem>>, vector<8x32xf32>
    %dot_general3A_23 = arith.constant dense<0.000000e+00> : vector<8x10016xf32>
    %dot_general3A_24 = tpu.matmul %get3A_22, %dot_general3A_5, %dot_general3A_23 {dimension_numbers = #tpu.dot_dimension_numbers<[1], [0], [0], [1], [0, 0, 1, 1], [], []>, transpose_lhs_hint = false} : vector<8x32xf32>, vector<32x10016xf32>, vector<8x10016xf32> -> vector<8x10016xf32>
    %get3A_25 = arith.constant 0 : index
    %get3A_26 = arith.constant 0 : index
    %get3A_27 = vector.load %arg4[%get3A_25, %get3A_26] : memref<8x32xf32, #tpu.memory_space<vmem>>, vector<8x32xf32>
    %dot_general3A_28 = arith.constant dense<0.000000e+00> : vector<8x10016xf32>
    %dot_general3A_29 = tpu.matmul %get3A_27, %dot_general3A_10, %dot_general3A_28 {dimension_numbers = #tpu.dot_dimension_numbers<[1], [0], [0], [1], [0, 0, 1, 1], [], []>, transpose_lhs_hint = false} : vector<8x32xf32>, vector<32x10016xf32>, vector<8x10016xf32> -> vector<8x10016xf32>
    %add3A = arith.addf %dot_general3A_24, %dot_general3A_29 : vector<8x10016xf32>
    %get3A_30 = arith.constant 0 : index
    %get3A_31 = arith.constant 0 : index
    %get3A_32 = vector.load %arg5[%get3A_30, %get3A_31] : memref<8x32xf32, #tpu.memory_space<vmem>>, vector<8x32xf32>
    %dot_general3A_33 = arith.constant dense<0.000000e+00> : vector<8x10016xf32>
    %dot_general3A_34 = tpu.matmul %get3A_32, %dot_general3A_5, %dot_general3A_33 {dimension_numbers = #tpu.dot_dimension_numbers<[1], [0], [0], [1], [0, 0, 1, 1], [], []>, transpose_lhs_hint = false} : vector<8x32xf32>, vector<32x10016xf32>, vector<8x10016xf32> -> vector<8x10016xf32>
    %get3A_35 = arith.constant 0 : index
    %get3A_36 = arith.constant 0 : index
    %get3A_37 = vector.load %arg6[%get3A_35, %get3A_36] : memref<8x32xf32, #tpu.memory_space<vmem>>, vector<8x32xf32>
    %dot_general3A_38 = arith.constant dense<0.000000e+00> : vector<8x10016xf32>
    %dot_general3A_39 = tpu.matmul %get3A_37, %dot_general3A_10, %dot_general3A_38 {dimension_numbers = #tpu.dot_dimension_numbers<[1], [0], [0], [1], [0, 0, 1, 1], [], []>, transpose_lhs_hint = false} : vector<8x32xf32>, vector<32x10016xf32>, vector<8x10016xf32> -> vector<8x10016xf32>
    %add3A_40 = arith.addf %dot_general3A_34, %dot_general3A_39 : vector<8x10016xf32>
    %swap3A_41 = arith.constant 0 : index
    %swap3A_42 = arith.constant 0 : index
    %swap3A_43 = vector.load %arg8[%swap3A_41, %swap3A_42] : memref<8x10016xf32, #tpu.memory_space<vmem>>, vector<8x10016xf32>
    tpu.vector_store %arg8[%swap3A_41, %swap3A_42], %add3A {strides = array<i32>} : memref<8x10016xf32, #tpu.memory_space<vmem>>, vector<8x10016xf32>,
    %swap3A_44 = arith.constant 0 : index
    %swap3A_45 = arith.constant 0 : index
    %swap3A_46 = vector.load %arg9[%swap3A_44, %swap3A_45] : memref<8x10016xf32, #tpu.memory_space<vmem>>, vector<8x10016xf32>
    tpu.vector_store %arg9[%swap3A_44, %swap3A_45], %add3A_40 {strides = array<i32>} : memref<8x10016xf32, #tpu.memory_space<vmem>>, vector<8x10016xf32>,
    %reduce_max3A = arith.constant dense<0xFF800000> : vector<8xf32>
    %reduce_max3A_47 = vector.multi_reduction <maximumf>, %add3A, %reduce_max3A [1] : vector<8x10016xf32> to vector<8xf32>
    %broadcast_in_dim3A = vector.shape_cast %reduce_max3A_47 : vector<8xf32> to vector<8x1xf32>
    %reduce_max3A_48 = arith.constant dense<0xFF800000> : vector<8xf32>
    %reduce_max3A_49 = vector.multi_reduction <maximumf>, %add3A_40, %reduce_max3A_48 [1] : vector<8x10016xf32> to vector<8xf32>
    %broadcast_in_dim3A_50 = vector.shape_cast %reduce_max3A_49 : vector<8xf32> to vector<8x1xf32>
    %add3A_51 = arith.addf %broadcast_in_dim3A, %broadcast_in_dim3A_50 : vector<8x1xf32>
    %mul3A = arith.constant 2.000000e-01 : f32
    %mul3A_52 = vector.broadcast %mul3A : f32 to vector<8x1xf32>
    %mul3A_53 = arith.mulf %mul3A_52, %add3A_51 : vector<8x1xf32>
    %max3A = arith.maximumf %add3A_51, %mul3A_53 : vector<8x1xf32>
    %broadcast_in_dim3A_54 = vector.shape_cast %max3A : vector<8x1xf32> to vector<8x1xf32>
    %broadcast_in_dim3A_55 = vector.broadcast %broadcast_in_dim3A_54 : vector<8x1xf32> to vector<8x16xf32>
    %swap3A_56 = arith.constant 0 : index
    %swap3A_57 = arith.constant 0 : index
    %swap3A_58 = vector.load %arg10[%swap3A_56, %swap3A_57] : memref<8x16xf32, #tpu.memory_space<vmem>>, vector<8x16xf32>
    tpu.vector_store %arg10[%swap3A_56, %swap3A_57], %broadcast_in_dim3A_55 {strides = array<i32>} : memref<8x16xf32, #tpu.memory_space<vmem>>, vector<8x16xf32>,
    return
  }
}

module attributes {stable_mosaic.version = 14 : i64} {
  func.func @_tc5_body(%arg0: memref<4x16x10016xf32, #tpu.memory_space<vmem>>, %arg1: memref<32x10016xf32, #tpu.memory_space<vmem>>, %arg2: memref<16x1xf32, #tpu.memory_space<vmem>>, %arg3: memref<16x10016xf32, #tpu.memory_space<vmem>>) attributes {dimension_semantics = [], scalar_prefetch = 0 : i64, scratch_operands = 0 : i64, tpu.core_type = #tpu.core_type<tc>} {
    %get3A = arith.constant 0 : index
    %get3A_0 = arith.constant 0 : index
    %get3A_1 = vector.load %arg1[%get3A, %get3A_0] : memref<32x10016xf32, #tpu.memory_space<vmem>>, vector<32x10016xf32>
    %reduce_sum3A = arith.constant dense<0.000000e+00> : vector<10016xf32>
    %reduce_sum3A_2 = vector.multi_reduction <add>, %get3A_1, %reduce_sum3A [0] : vector<32x10016xf32> to vector<10016xf32>
    %broadcast_in_dim3A = vector.shape_cast %reduce_sum3A_2 : vector<10016xf32> to vector<1x10016xf32>
    %mul3A = arith.constant 1.250000e-01 : f32
    %mul3A_3 = vector.broadcast %mul3A : f32 to vector<1x10016xf32>
    %mul3A_4 = arith.mulf %mul3A_3, %broadcast_in_dim3A : vector<1x10016xf32>
    %add3A = arith.constant 1.000000e-16 : f32
    %add3A_5 = vector.broadcast %add3A : f32 to vector<1x10016xf32>
    %add3A_6 = arith.addf %mul3A_4, %add3A_5 : vector<1x10016xf32>
    %div3A = arith.constant 1.000000e+00 : f32
    %div3A_7 = vector.broadcast %div3A : f32 to vector<1x10016xf32>
    %div3A_8 = arith.divf %div3A_7, %add3A_6 : vector<1x10016xf32>
    %get3A_9 = arith.constant 0 : index
    %get3A_10 = arith.constant 0 : index
    %get3A_11 = arith.constant 0 : index
    %get3A_12 = vector.load %arg0[%get3A_9, %get3A_10, %get3A_11] : memref<4x16x10016xf32, #tpu.memory_space<vmem>>, vector<1x16x10016xf32>
    %get3A_13 = vector.shape_cast %get3A_12 : vector<1x16x10016xf32> to vector<16x10016xf32>
    %get3A_14 = arith.constant 1 : index
    %get3A_15 = arith.constant 0 : index
    %get3A_16 = arith.constant 0 : index
    %get3A_17 = vector.load %arg0[%get3A_14, %get3A_15, %get3A_16] : memref<4x16x10016xf32, #tpu.memory_space<vmem>>, vector<1x16x10016xf32>
    %get3A_18 = vector.shape_cast %get3A_17 : vector<1x16x10016xf32> to vector<16x10016xf32>
    %add3A_19 = arith.addf %get3A_13, %get3A_18 : vector<16x10016xf32>
    %get3A_20 = arith.constant 2 : index
    %get3A_21 = arith.constant 0 : index
    %get3A_22 = arith.constant 0 : index
    %get3A_23 = vector.load %arg0[%get3A_20, %get3A_21, %get3A_22] : memref<4x16x10016xf32, #tpu.memory_space<vmem>>, vector<1x16x10016xf32>
    %get3A_24 = vector.shape_cast %get3A_23 : vector<1x16x10016xf32> to vector<16x10016xf32>
    %add3A_25 = arith.addf %add3A_19, %get3A_24 : vector<16x10016xf32>
    %get3A_26 = arith.constant 3 : index
    %get3A_27 = arith.constant 0 : index
    %get3A_28 = arith.constant 0 : index
    %get3A_29 = vector.load %arg0[%get3A_26, %get3A_27, %get3A_28] : memref<4x16x10016xf32, #tpu.memory_space<vmem>>, vector<1x16x10016xf32>
    %get3A_30 = vector.shape_cast %get3A_29 : vector<1x16x10016xf32> to vector<16x10016xf32>
    %add3A_31 = arith.addf %add3A_25, %get3A_30 : vector<16x10016xf32>
    %mul3A_32 = vector.broadcast %div3A_8 : vector<1x10016xf32> to vector<16x10016xf32>
    %mul3A_33 = arith.mulf %add3A_31, %mul3A_32 : vector<16x10016xf32>
    %get3A_34 = arith.constant 0 : index
    %get3A_35 = arith.constant 0 : index
    %get3A_36 = vector.load %arg2[%get3A_34, %get3A_35] : memref<16x1xf32, #tpu.memory_space<vmem>>, vector<16x1xf32>
    %add3A_37 = vector.broadcast %get3A_36 : vector<16x1xf32> to vector<16x10016xf32>
    %add3A_38 = arith.addf %mul3A_33, %add3A_37 : vector<16x10016xf32>
    %swap3A = arith.constant 0 : index
    %swap3A_39 = arith.constant 0 : index
    %swap3A_40 = vector.load %arg3[%swap3A, %swap3A_39] : memref<16x10016xf32, #tpu.memory_space<vmem>>, vector<16x10016xf32>
    tpu.vector_store %arg3[%swap3A, %swap3A_39], %add3A_38 {strides = array<i32>} : memref<16x10016xf32, #tpu.memory_space<vmem>>, vector<16x10016xf32>,
    return
  }
}

module attributes {stable_mosaic.version = 14 : i64} {
  func.func @_tc3_body(%arg0: memref<2x64x10016xf32, #tpu.memory_space<vmem>>, %arg1: memref<8x4x10016xf32, #tpu.memory_space<vmem>>, %arg2: memref<64x1xf32, #tpu.memory_space<vmem>>, %arg3: memref<8x64xf32, #tpu.memory_space<vmem>>, %arg4: memref<8x64xf32, #tpu.memory_space<vmem>>, %arg5: memref<1x8xf32, #tpu.memory_space<vmem>>, %arg6: memref<1x8xf32, #tpu.memory_space<vmem>>, %arg7: memref<1x8xf32, #tpu.memory_space<vmem>>, %arg8: memref<1x8xf32, #tpu.memory_space<vmem>>, %arg9: memref<8x10016xi32, #tpu.memory_space<vmem>>, %arg10: memref<1x10016xf32, #tpu.memory_space<vmem>>, %arg11: memref<1x10016xf32, #tpu.memory_space<vmem>>, %arg12: memref<1x16xf32, #tpu.memory_space<vmem>>) attributes {dimension_semantics = [], scalar_prefetch = 0 : i64, scratch_operands = 0 : i64, tpu.core_type = #tpu.core_type<tc>} {
    %get3A = arith.constant 0 : index
    %get3A_0 = arith.constant 0 : index
    %get3A_1 = arith.constant 0 : index
    %get3A_2 = vector.load %arg1[%get3A, %get3A_0, %get3A_1] : memref<8x4x10016xf32, #tpu.memory_space<vmem>>, vector<8x4x10016xf32>
    %reduce_sum3A = arith.constant dense<0.000000e+00> : vector<8x10016xf32>
    %reduce_sum3A_3 = vector.multi_reduction <add>, %get3A_2, %reduce_sum3A [1] : vector<8x4x10016xf32> to vector<8x10016xf32>
    %mul3A = arith.constant 5.000000e-01 : f32
    %mul3A_4 = vector.broadcast %mul3A : f32 to vector<8x10016xf32>
    %mul3A_5 = arith.mulf %mul3A_4, %reduce_sum3A_3 : vector<8x10016xf32>
    %add3A = arith.constant 1.000000e-16 : f32
    %add3A_6 = vector.broadcast %add3A : f32 to vector<8x10016xf32>
    %add3A_7 = arith.addf %mul3A_5, %add3A_6 : vector<8x10016xf32>
    %div3A = arith.constant 1.000000e+00 : f32
    %div3A_8 = vector.broadcast %div3A : f32 to vector<8x10016xf32>
    %div3A_9 = arith.divf %div3A_8, %add3A_7 : vector<8x10016xf32>
    %broadcast_in_dim3A = vector.shape_cast %div3A_9 : vector<8x10016xf32> to vector<8x1x10016xf32>
    %broadcast_in_dim3A_10 = vector.shape_cast %broadcast_in_dim3A : vector<8x1x10016xf32> to vector<8x1x10016xf32>
    %broadcast_in_dim3A_11 = vector.broadcast %broadcast_in_dim3A_10 : vector<8x1x10016xf32> to vector<8x8x10016xf32>
    %reshape3A = vector.shape_cast %broadcast_in_dim3A_11 : vector<8x8x10016xf32> to vector<64x10016xf32>
    %get3A_12 = arith.constant 0 : index
    %get3A_13 = arith.constant 0 : index
    %get3A_14 = arith.constant 0 : index
    %get3A_15 = vector.load %arg0[%get3A_12, %get3A_13, %get3A_14] : memref<2x64x10016xf32, #tpu.memory_space<vmem>>, vector<1x64x10016xf32>
    %get3A_16 = vector.shape_cast %get3A_15 : vector<1x64x10016xf32> to vector<64x10016xf32>
    %get3A_17 = arith.constant 1 : index
    %get3A_18 = arith.constant 0 : index
    %get3A_19 = arith.constant 0 : index
    %get3A_20 = vector.load %arg0[%get3A_17, %get3A_18, %get3A_19] : memref<2x64x10016xf32, #tpu.memory_space<vmem>>, vector<1x64x10016xf32>
    %get3A_21 = vector.shape_cast %get3A_20 : vector<1x64x10016xf32> to vector<64x10016xf32>
    %add3A_22 = arith.addf %get3A_16, %get3A_21 : vector<64x10016xf32>
    %mul3A_23 = arith.mulf %add3A_22, %reshape3A : vector<64x10016xf32>
    %get3A_24 = arith.constant 0 : index
    %get3A_25 = arith.constant 0 : index
    %get3A_26 = vector.load %arg2[%get3A_24, %get3A_25] : memref<64x1xf32, #tpu.memory_space<vmem>>, vector<64x1xf32>
    %add3A_27 = vector.broadcast %get3A_26 : vector<64x1xf32> to vector<64x10016xf32>
    %add3A_28 = arith.addf %mul3A_23, %add3A_27 : vector<64x10016xf32>
    %gt3A = arith.constant 0.000000e+00 : f32
    %gt3A_29 = vector.broadcast %gt3A : f32 to vector<64x10016xf32>
    %gt3A_30 = arith.cmpf ogt, %add3A_28, %gt3A_29 : vector<64x10016xf32>
    %min3A = arith.constant 0.000000e+00 : f32
    %min3A_31 = vector.broadcast %min3A : f32 to vector<64x10016xf32>
    %min3A_32 = arith.minimumf %add3A_28, %min3A_31 : vector<64x10016xf32>
    %exp3A = math.exp %min3A_32 : vector<64x10016xf32>
    %sub3A = arith.constant 1.000000e+00 : f32
    %sub3A_33 = vector.broadcast %sub3A : f32 to vector<64x10016xf32>
    %sub3A_34 = arith.subf %exp3A, %sub3A_33 : vector<64x10016xf32>
    %select_n3A = arith.select %gt3A_30, %add3A_28, %sub3A_34 : vector<64x10016xi1>, vector<64x10016xf32>
    %get3A_35 = arith.constant 0 : index
    %get3A_36 = arith.constant 0 : index
    %get3A_37 = vector.load %arg3[%get3A_35, %get3A_36] : memref<8x64xf32, #tpu.memory_space<vmem>>, vector<8x64xf32>
    %dot_general3A = arith.constant dense<0.000000e+00> : vector<8x10016xf32>
    %dot_general3A_38 = tpu.matmul %get3A_37, %select_n3A, %dot_general3A {dimension_numbers = #tpu.dot_dimension_numbers<[1], [0], [0], [1], [0, 0, 1, 1], [], []>, transpose_lhs_hint = false} : vector<8x64xf32>, vector<64x10016xf32>, vector<8x10016xf32> -> vector<8x10016xf32>
    %get3A_39 = arith.constant 0 : index
    %get3A_40 = arith.constant 0 : index
    %get3A_41 = vector.load %arg4[%get3A_39, %get3A_40] : memref<8x64xf32, #tpu.memory_space<vmem>>, vector<8x64xf32>
    %dot_general3A_42 = arith.constant dense<0.000000e+00> : vector<8x10016xf32>
    %dot_general3A_43 = tpu.matmul %get3A_41, %select_n3A, %dot_general3A_42 {dimension_numbers = #tpu.dot_dimension_numbers<[1], [0], [0], [1], [0, 0, 1, 1], [], []>, transpose_lhs_hint = false} : vector<8x64xf32>, vector<64x10016xf32>, vector<8x10016xf32> -> vector<8x10016xf32>
    %convert_element_type3A = arith.truncf %dot_general3A_38 : vector<8x10016xf32> to vector<8x10016xbf16>
    %bitcast_convert_type3A = tpu.bitcast %convert_element_type3A : vector<8x10016xbf16> -> vector<8x10016xi16>
    %convert_element_type3A_44 = arith.extui %bitcast_convert_type3A : vector<8x10016xi16> to vector<8x10016xi32>
    %convert_element_type3A_45 = arith.truncf %dot_general3A_43 : vector<8x10016xf32> to vector<8x10016xbf16>
    %bitcast_convert_type3A_46 = tpu.bitcast %convert_element_type3A_45 : vector<8x10016xbf16> -> vector<8x10016xi16>
    %convert_element_type3A_47 = arith.extui %bitcast_convert_type3A_46 : vector<8x10016xi16> to vector<8x10016xi32>
    %shift_left3A = arith.constant 16 : i32
    %shift_left3A_48 = vector.broadcast %shift_left3A : i32 to vector<8x10016xi32>
    %shift_left3A_49 = arith.shli %convert_element_type3A_47, %shift_left3A_48 : vector<8x10016xi32>
    %or3A = arith.ori %convert_element_type3A_44, %shift_left3A_49 : vector<8x10016xi32>
    %bitcast_convert_type3A_50 = tpu.bitcast %or3A : vector<8x10016xi32> -> vector<8x10016xi32>
    %swap3A = arith.constant 0 : index
    %swap3A_51 = arith.constant 0 : index
    %swap3A_52 = vector.load %arg9[%swap3A, %swap3A_51] : memref<8x10016xi32, #tpu.memory_space<vmem>>, vector<8x10016xi32>
    tpu.vector_store %arg9[%swap3A, %swap3A_51], %bitcast_convert_type3A_50 {strides = array<i32>} : memref<8x10016xi32, #tpu.memory_space<vmem>>, vector<8x10016xi32>,
    %get3A_53 = arith.constant 0 : index
    %get3A_54 = arith.constant 0 : index
    %get3A_55 = vector.load %arg5[%get3A_53, %get3A_54] : memref<1x8xf32, #tpu.memory_space<vmem>>, vector<1x8xf32>
    %dot_general3A_56 = arith.constant dense<0.000000e+00> : vector<1x10016xf32>
    %dot_general3A_57 = tpu.matmul %get3A_55, %dot_general3A_38, %dot_general3A_56 {dimension_numbers = #tpu.dot_dimension_numbers<[1], [0], [0], [1], [0, 0, 1, 1], [], []>, transpose_lhs_hint = false} : vector<1x8xf32>, vector<8x10016xf32>, vector<1x10016xf32> -> vector<1x10016xf32>
    %get3A_58 = arith.constant 0 : index
    %get3A_59 = arith.constant 0 : index
    %get3A_60 = vector.load %arg6[%get3A_58, %get3A_59] : memref<1x8xf32, #tpu.memory_space<vmem>>, vector<1x8xf32>
    %dot_general3A_61 = arith.constant dense<0.000000e+00> : vector<1x10016xf32>
    %dot_general3A_62 = tpu.matmul %get3A_60, %dot_general3A_43, %dot_general3A_61 {dimension_numbers = #tpu.dot_dimension_numbers<[1], [0], [0], [1], [0, 0, 1, 1], [], []>, transpose_lhs_hint = false} : vector<1x8xf32>, vector<8x10016xf32>, vector<1x10016xf32> -> vector<1x10016xf32>
    %add3A_63 = arith.addf %dot_general3A_57, %dot_general3A_62 : vector<1x10016xf32>
    %get3A_64 = arith.constant 0 : index
    %get3A_65 = arith.constant 0 : index
    %get3A_66 = vector.load %arg7[%get3A_64, %get3A_65] : memref<1x8xf32, #tpu.memory_space<vmem>>, vector<1x8xf32>
    %dot_general3A_67 = arith.constant dense<0.000000e+00> : vector<1x10016xf32>
    %dot_general3A_68 = tpu.matmul %get3A_66, %dot_general3A_38, %dot_general3A_67 {dimension_numbers = #tpu.dot_dimension_numbers<[1], [0], [0], [1], [0, 0, 1, 1], [], []>, transpose_lhs_hint = false} : vector<1x8xf32>, vector<8x10016xf32>, vector<1x10016xf32> -> vector<1x10016xf32>
    %get3A_69 = arith.constant 0 : index
    %get3A_70 = arith.constant 0 : index
    %get3A_71 = vector.load %arg8[%get3A_69, %get3A_70] : memref<1x8xf32, #tpu.memory_space<vmem>>, vector<1x8xf32>
    %dot_general3A_72 = arith.constant dense<0.000000e+00> : vector<1x10016xf32>
    %dot_general3A_73 = tpu.matmul %get3A_71, %dot_general3A_43, %dot_general3A_72 {dimension_numbers = #tpu.dot_dimension_numbers<[1], [0], [0], [1], [0, 0, 1, 1], [], []>, transpose_lhs_hint = false} : vector<1x8xf32>, vector<8x10016xf32>, vector<1x10016xf32> -> vector<1x10016xf32>
    %add3A_74 = arith.addf %dot_general3A_68, %dot_general3A_73 : vector<1x10016xf32>
    %swap3A_75 = arith.constant 0 : index
    %swap3A_76 = arith.constant 0 : index
    %swap3A_77 = vector.load %arg10[%swap3A_75, %swap3A_76] : memref<1x10016xf32, #tpu.memory_space<vmem>>, vector<1x10016xf32>
    tpu.vector_store %arg10[%swap3A_75, %swap3A_76], %add3A_63 {strides = array<i32>} : memref<1x10016xf32, #tpu.memory_space<vmem>>, vector<1x10016xf32>,
    %swap3A_78 = arith.constant 0 : index
    %swap3A_79 = arith.constant 0 : index
    %swap3A_80 = vector.load %arg11[%swap3A_78, %swap3A_79] : memref<1x10016xf32, #tpu.memory_space<vmem>>, vector<1x10016xf32>
    tpu.vector_store %arg11[%swap3A_78, %swap3A_79], %add3A_74 {strides = array<i32>} : memref<1x10016xf32, #tpu.memory_space<vmem>>, vector<1x10016xf32>,
    %reduce_max3A = arith.constant dense<0xFF800000> : vector<1xf32>
    %reduce_max3A_81 = vector.multi_reduction <maximumf>, %add3A_63, %reduce_max3A [1] : vector<1x10016xf32> to vector<1xf32>
    %broadcast_in_dim3A_82 = vector.shape_cast %reduce_max3A_81 : vector<1xf32> to vector<1x1xf32>
    %reduce_max3A_83 = arith.constant dense<0xFF800000> : vector<1xf32>
    %reduce_max3A_84 = vector.multi_reduction <maximumf>, %add3A_74, %reduce_max3A_83 [1] : vector<1x10016xf32> to vector<1xf32>
    %broadcast_in_dim3A_85 = vector.shape_cast %reduce_max3A_84 : vector<1xf32> to vector<1x1xf32>
    %add3A_86 = arith.addf %broadcast_in_dim3A_82, %broadcast_in_dim3A_85 : vector<1x1xf32>
    %mul3A_87 = arith.constant 2.000000e-01 : f32
    %mul3A_88 = vector.broadcast %mul3A_87 : f32 to vector<1x1xf32>
    %mul3A_89 = arith.mulf %mul3A_88, %add3A_86 : vector<1x1xf32>
    %max3A = arith.maximumf %add3A_86, %mul3A_89 : vector<1x1xf32>
    %broadcast_in_dim3A_90 = vector.shape_cast %max3A : vector<1x1xf32> to vector<1x1xf32>
    %broadcast_in_dim3A_91 = vector.broadcast %broadcast_in_dim3A_90 : vector<1x1xf32> to vector<1x16xf32>
    %swap3A_92 = arith.constant 0 : index
    %swap3A_93 = arith.constant 0 : index
    %swap3A_94 = vector.load %arg12[%swap3A_92, %swap3A_93] : memref<1x16xf32, #tpu.memory_space<vmem>>, vector<1x16xf32>
    tpu.vector_store %arg12[%swap3A_92, %swap3A_93], %broadcast_in_dim3A_91 {strides = array<i32>} : memref<1x16xf32, #tpu.memory_space<vmem>>, vector<1x16xf32>,
    return
  }
}

</mosaic_0001>

<sc_bundles>
// kernel: kernel.10.cloned.1.call-start
scs
__scs_entry_jumppad:
0x0: {  	(pc) =	sbr.rel $0x88, $3  }
0x1: {  	(tag) =	ssettag $0x0;
	lr =	simm.s32 $0x1  }
0x2: {  	[smem:$0x3F97] =	sst lr;
	_ =	strace $0xD0000000  }
0x3: {  	_ = 	snop  }
0x4: {  	_ = 	snop  }
0x5: {  	_ = 	snop  }
0x6: {  	_ = 	snop  }
0x7: {  	_ = 	snop  }
__scs_overlays_trampoline_lowered:
0x8: {  	[smem:$0x3FA6] =	sst s0  }
0x9: {  	[smem:$0x3FA7] =	sst s1  }
0xa: {  	[smem:$0x3FA8] =	sst s2  }
0xb: {  	[smem:$0x3FA9] =	sst s3  }
0xc: {  	[smem:$0x3FAA] =	sst s4  }
0xd: {  	[smem:$0x3FAB] =	sst s5  }
0xe: {  	[smem:$0x3FAC] =	sst s6  }
0xf: {  	[smem:$0x3FAD] =	sst s7  }
0x10: {  	[smem:$0x3FAE] =	sst s8  }
0x11: {  	[smem:$0x3FAF] =	sst s9;
	s0 =	simm.s32 @!p0 $0x0  }
0x12: {  	s1 =	sld [smem:$0x3F95];
	s0 =	simm.s32 @p0 $0x1  }
0x13: {  	[smem:$0x3FB0] =	sst s0;
	s0 =	simm.s32 @!p1 $0x0  }
0x14: {  	s2 =	sld [smem:$0x3F94];
	s0 =	simm.s32 @p1 $0x1  }
0x15: {  	[smem:$0x3FB1] =	sst s0;
	s0 =	simm.s32 @!p2 $0x0  }
0x16: {  	s3 =	sld [smem:$0x3FDB];
	s0 =	simm.s32 @p2 $0x1  }
0x17: {  	s4 =	simm.s32 $0x1BF5;
	[smem:$0x3FB3] =	sst s0  }
0x18: {  	s0 =	sld [smem:$0x3F96];
	_ =	swait.ge [sflag:s4], $0x0  }
0x19: {  	s7 =	sld [smem:$0x3F97]  }
0x1a: {  	s8 =	sadd.s32 $0xFFFFE003, lr  }
0x1b: {  	s9 =	sadd.s32 $0xFFFFFEF7, lr;
	s5 =	simm.s32 $0xFFFFFFFF;
	p2 =	slt.u32 s8, $0xFFFFF086  }
0x1c: {  	p1 =	slt.u32 s9, $0xF7A;
	s5 =	simm.s32 @!p2 $0x0  }
0x1d: {  	s5 =	simm.s32 @p1 $0x1;
	p0 =	seq.s32 s7, s2  }
0x1e: {  	s7 =	smul.u32 @!p0 $0xF7A, s2;
	p2 =	seq.s32 @!p0 s5, $0x0  }
0x1f: {  	s9 =	smul.u32 $0xF7A, s1;
	s8 =	simm.s32 @!p0 $0x1BF5;
	p2 =	por !p2, p0  }
0x20: {  	[sflag:s8] =	ssyncset.s32 @!p0 $0xFFFFF086;
	s6 =	sadd.s32 @!p0 s3, s7;
	s7 =	simm.s32 @!p0 $0x108  }
0x21: {  	s3 =	sadd.s32 s3, s9;
	s6 =	sadd.s32 @!p0 $0x88, s6;
	s7 =	simm.s32 @p2 $0x1082  }
0x22: {  	[simem:s7], [sflag:s8] =	dma.local @!p0 [hbm:s6], $0xF7A  }
0x23: {  	s9 =	sor.u32 $0xD0000000, s2;
	s6 =	simm.s32 $0x108;
	_ =	swait.ge @!p0 [sflag:s8], $0x0  }
0x24: {  	s3 =	sadd.s32 $0x88, s3;
	s6 =	simm.s32 @!p1 $0x1082;
	[sflag:s4] =	ssyncset.s32 $0xFFFFF086  }
0x25: {  	[simem:s6], [sflag:s4] =	dma.local [hbm:s3], $0xF7A  }
0x26: {  	[smem:$0x3F97] =	sst s1;
	(tag) =	ssettag s2;
	_ =	strace s9  }
0x27: {  	s1 =	sld [smem:$0x3FA7]  }
0x28: {  	s2 =	sld [smem:$0x3FA8]  }
0x29: {  	s4 =	sld [smem:$0x3FAA]  }
0x2a: {  	p0 =	seq.s32 s5, $0x0;
	s5 =	sld [smem:$0x3FAB]  }
0x2b: {  	s6 =	sld [smem:$0x3FAC]  }
0x2c: {  	s7 =	sld [smem:$0x3FAD]  }
0x2d: {  	s3 =	simm.s32 $0x108;
	s8 =	sld [smem:$0x3FAE]  }
0x2e: {  	s3 =	simm.s32 @!p0 $0x1082;
	s9 =	sld [smem:$0x3FAF]  }
0x2f: {  	lr =	sadd.s32 s0, s3;
	s0 =	sld [smem:$0x3FA6]  }
0x30: {  	s3 =	sld [smem:$0x3FA9]  }
0x31: {  	[smem:$0x3FB2] =	sst s10  }
0x32: {  	s10 =	sld [smem:$0x3FB0];
	_ =	sdelay $0x3  }
0x33: {  	p0 =	seq.s32 s10, $0x1;
	s10 =	sld [smem:$0x3FB2];
	_ =	sdelay $0x3  }
0x34: {  	[smem:$0x3FB2] =	sst s10  }
0x35: {  	s10 =	sld [smem:$0x3FB1];
	_ =	sdelay $0x3  }
0x36: {  	p1 =	seq.s32 s10, $0x1;
	s10 =	sld [smem:$0x3FB2];
	_ =	sdelay $0x3  }
0x37: {  	[smem:$0x3FB2] =	sst s10  }
0x38: {  	s10 =	sld [smem:$0x3FB3]  }
0x39: {  	_ = 	snop;
	(pc) =	sbr.ind lr, $3  }
0x3a: {  	_ = 	snop  }
0x3b: {  	_ = 	snop  }
0x3c: {  	p2 =	seq.s32 s10, $0x1;
	s10 =	sld [smem:$0x3FB2]  }
0x3d: {  	_ =	shalt  }
0x3e: {  	_ =	shalt  }
0x3f: {  	_ =	shalt  }
0x40: {  	_ =	shalt  }
0x41: {  	_ =	shalt  }
0x42: {  	_ =	shalt  }
0x43: {  	_ =	shalt  }
0x44: {  	_ =	shalt  }
0x45: {  	_ =	shalt  }
0x46: {  	_ =	shalt  }
0x47: {  	_ =	shalt  }
0x48: {  	_ =	shalt  }
0x49: {  	_ =	shalt  }
0x4a: {  	_ =	shalt  }
0x4b: {  	_ =	shalt  }
0x4c: {  	_ =	shalt  }
0x4d: {  	_ =	shalt  }
0x4e: {  	_ =	shalt  }
0x4f: {  	_ =	shalt  }
0x50: {  	_ =	shalt  }
0x51: {  	_ =	shalt  }
0x52: {  	_ =	shalt  }
0x53: {  	_ =	shalt  }
0x54: {  	_ =	shalt  }
0x55: {  	_ =	shalt  }
0x56: {  	_ =	shalt  }
0x57: {  	_ =	shalt  }
0x58: {  	_ =	shalt  }
0x59: {  	_ =	shalt  }
0x5a: {  	_ =	shalt  }
0x5b: {  	_ =	shalt  }
0x5c: {  	_ =	shalt  }
0x5d: {  	_ =	shalt  }
0x5e: {  	_ =	shalt  }
0x5f: {  	_ =	shalt  }
0x60: {  	_ =	shalt  }
0x61: {  	_ =	shalt  }
0x62: {  	_ =	shalt  }
0x63: {  	_ =	shalt  }
0x64: {  	_ =	shalt  }
0x65: {  	_ =	shalt  }
0x66: {  	_ =	shalt  }
0x67: {  	_ =	shalt  }
0x68: {  	_ =	shalt  }
0x69: {  	_ =	shalt  }
0x6a: {  	_ =	shalt  }
0x6b: {  	_ =	shalt  }
0x6c: {  	_ =	shalt  }
0x6d: {  	_ =	shalt  }
0x6e: {  	_ =	shalt  }
0x6f: {  	_ =	shalt  }
0x70: {  	_ =	shalt  }
0x71: {  	_ =	shalt  }
0x72: {  	_ =	shalt  }
0x73: {  	_ =	shalt  }
0x74: {  	_ =	shalt  }
0x75: {  	_ =	shalt  }
0x76: {  	_ =	shalt  }
0x77: {  	_ =	shalt  }
0x78: {  	_ =	shalt  }
0x79: {  	_ =	shalt  }
0x7a: {  	_ =	shalt  }
0x7b: {  	_ =	shalt  }
0x7c: {  	_ =	shalt  }
0x7d: {  	_ =	shalt  }
0x7e: {  	_ =	shalt  }
0x7f: {  	_ =	shalt  }
0x80: {  	_ =	shalt  }
0x81: {  	_ =	shalt  }
0x82: {  	_ =	shalt  }
0x83: {  	_ =	shalt  }
0x84: {  	_ =	shalt  }
0x85: {  	_ =	shalt  }
0x86: {  	_ =	shalt  }
0x87: {  	_ =	shalt  }
.Lfunc_end0:
.L_simem_size_0:
called_computation.1_lowered:
.L_overlay_start_0:
0x88: {  	s2 =	sld [smem:$0x3FD9]  }
0x89: {  	s3 =	sld [smem:$0x3FFE];
	_ =	sdelay $0x1  }
0x8a: {  	s1 =	srdreg.scid  }
0x8b: {  	s0 =	sand.u32 $0x1, s1  }
0x8c: {  	s17 =	sshll.u32 s0, $0xA;
	s2 =	sadd.s32 s3, s2  }
0x8d: {  	s2 =	sadd.s32 s2, s17  }
0x8e: {  	[smem:$0x3FBE] =	sst s2  }
0x8f: {  	_ = 	snop  }
0x90: {  	s2 =	sld [smem:$0x3FD0];
	(tm) =	ssettm $0x1  }
0x91: {  	s18 =	sld [smem:$0x3FFB];
	_ =	sdelay $0x3  }
0x92: {  	_ =	strace s18  }
0x93: {  	s3 =	sld [smem:$0x3FFC];
	_ =	sdelay $0x3  }
0x94: {  	_ =	strace s3  }
0x95: {  	s3 =	sld [smem:$0x3FFD];
	_ =	sdelay $0x3  }
0x96: {  	_ =	strace s3  }
0x97: {  	_ =	strace $0x8FFFFFFF  }
0x98: {  	s19 =	sld [smem:$0x3FDB];
	_ =	sdelay $0x1  }
0x99: {  	s4 =	simm.s32 $_scs_section_size  }
0x9a: {  	s5 =	simm.s32 $_size__tile_overlayer_lowered;
	s6 =	simm.s32 $_tile_overlayer_lowered  }
0x9b: {  	s22 =	simm.s32 $0x1BFF;
	s21 =	sshll.u32 s6, $0x1;
	s3 =	sadd.s32 s4, s19  }
0x9c: {  	s7 =	simm.s32 $0x0;
	s20 =	sshll.u32 s5, $0x1;
	s5 =	sadd.s32 s21, s3  }
0x9d: {  	[timem:s7], [sflag:s22] =	dma.local [hbm:s5], s20  }
0x9e: {  	_ =	swait.ge [sflag:s22], s20  }
0x9f: {  	s4 =	ssub.s32 $0x0, s20;
	[sflag:s22] =	ssyncset.done $0x0  }
0xa0: {  	[sflag:s22] =	ssyncadd.s32 s4;
	_ =	sdelay $0x1  }
0xa1: {  	s23 =	simm.s32 $0x1B8B  }
0xa2: {  	_ =	swait.ge [sflag:s23], $0x1  }
0xa3: {  	[sflag:s23] =	ssyncset.done $0x0  }
0xa4: {  	s25 =	simm.s32 $0x1B8E;
	s24 =	sld [smem:$0x3FFE];
	[sflag:s23] =	ssyncadd.s32 $0xFFFFFFFF  }
0xa5: {  	s26 =	simm.s32 $execute0_lowered;
	[smem:$0x3FD2] =	sst s25  }
0xa6: {  	s5 =	sshll.u32 s26, $0x1;
	_ =	strace $0x80000049;
	[dreg:$0x1] =	wrdreg $0xFFFFFFFF  }
0xa7: {  	s28 =	simm.s32 $_size_execute0_lowered;
	s3 =	sadd.s32 s3, s5;
	[dreg:$0x0] =	wrdreg $0x0  }
0xa8: {  	s5 =	sshll.u32 s28, $0x1;
	[dreg:$0x2] =	wrdreg s3  }
0xa9: {  	[dreg:$0x3] =	wrdreg s5  }
0xaa: {  	[dreg:$0x4] =	wrdreg $0xC0  }
0xab: {  	_ =	task [dreg:s7], $0x5FFFF  }
0xac: {  	[dreg:$0x1] =	wrdreg $0xFFFFFFFF  }
0xad: {  	[dreg:$0x0] =	wrdreg $0x60  }
0xae: {  	[dreg:$0x2] =	wrdreg s24  }
0xaf: {  	[dreg:$0x3] =	wrdreg s2  }
0xb0: {  	[dreg:$0x4] =	wrdreg $0x9  }
0xb1: {  	_ =	task.clear_ibuf [dreg:s7], $0x5FFFF;
	_ =	strace $0x90000049  }
0xb2: {  	s29 =	simm.s32 $0x9;
	_ =	strace $0x8000004B  }
0xb3: {  	_ =	swait.ge [sflag:s29], $0x1  }
0xb4: {  	[sflag:s29] =	ssyncadd.s32 $0xFFFFFFFF  }
0xb5: {  	_ =	strace $0x9000004B  }
0xb6: {  	_ =	sfence  }
0xb7: {  	s30 =	sld [smem:$0x0];
	_ =	sdelay $0x2  }
0xb8: {  	s31 =	sshll.u32 s1, $0xD;
	s1 =	sshrl.u32 s1, $0x2  }
0xb9: {  	s3 =	sand.u32 $0x4000, s31;
	s1 =	sadd.s32 s1, s30  }
0xba: {  	s0 =	sor.u32 s3, s0;
	s1 =	sshll.u32 s1, $0x11  }
0xbb: {  	s0 =	sor.u32 s1, s0  }
0xbc: {  	s0 =	sadd.s32 $0x8F2B, s0  }
0xbd: {  	[sflag:s0] =	ssyncadd.remote.s32 $0x1  }
0xbe: {  	_ =	sfence.sel $0xFFFF  }
0xbf: {  	[dreg:$0x0] =	wrdreg $0xFFFFFFFF;
	(pc) =	sbr.abs _section_cstart, $3  }
0xc0: {  	[dreg:$0x1] =	wrdreg $0xFFFFFFFF  }
0xc1: {  	_ =	task.clear_ibuf [dreg:s7], $0x2FFFF;
	_ =	strace $0x9FFFFFFF  }
0xc2: {  	(tm) =	ssettm $0x7FFFFFFF  }
0xc3: {  	_ =	shalt  }
tec
execute0_lowered:
.L_overlay_start_1:
0x0: {  	(tag) =	ssettag $0x1  }
0x1: {  	s0 =	srdreg.scid  }
0x2: {  	s5 =	stileid.u32;
	s1 =	rddreg [dreg:$0x0]  }
0x3: {  	s3 =	rddreg [dreg:$0x1];
	s28 =	simm.s32 $0xF580;
	s29 =	simm.s32 $0x10580  }
0x4: {  	s30 =	simm.s32 $0x4F00;
	s31 =	simm.s32 $0x7700;
	s17 =	simm.s32 $0x4  }
0x5: {  	s18 =	simm.s32 $0x0;
	s0 =	sand.u32 $0x1, s0;
	s2 =	sshll.u32 s5, $0x1  }
0x6: {  	s8 =	sshrl.u32 s5, $0x2;
	s20 =	sadd.s32 $0x18200, s1;
	s21 =	sadd.s32 $0x18800, s1  }
0x7: {  	s5 =	sadd.s32 $0x3200, s1;
	s23 =	sadd.s32 $0x18E00, s1;
	s6 =	smul.u32 $0x27800, s8  }
0x8: {  	s4 =	sor.u32 s0, s2;
	s2 =	simm.s32 $0x0;
	s11 =	smul.u32 $0x13C00, s8  }
0x9: {  	s0 =	ssub.s32 $0x2, s0;
	s8 =	smul.u32 $0x15000, s8;
	s7 =	sand.u32 $0x7, s4  }
0xa: {  	[smem:$0x7FF] =	sst s2;
	s22 =	sshll.u32 s4, $0x8;
	s4 =	sshll.u32 s4, $0x7  }
0xb: {  	s24 =	sshrl.u32 s0, $0x1;
	_ =	strace $0x8000004A;
	[dreg:$0x3] =	wrdreg s20  }
0xc: {  	s19 =	sshrl.u32 s7, $0x2;
	[dreg:$0x4] =	wrdreg s21;
	s10 =	sand.u32 $0x300, s22  }
0xd: {  	s4 =	sand.u32 $0x380, s4;
	[dreg:$0x5] =	wrdreg s23;
	s0 =	ssub.s32 s0, s24  }
0xe: {  	s25 =	sshrl.u32 s8, $0x3;
	s7 =	sshll.u32 s7, $0x4;
	s12 =	sadd.s32 $0x1000, s8  }
0xf: {  	s20 =	simm.s32 $0x2780;
	s21 =	simm.s32 $0x80;
	s22 =	simm.s32 $0x400  }
0x10: {  	s23 =	simm.s32 $0xC600;
	s9 =	smul.u32 $0x13C00, s19;
	s4 =	sor.u32 s11, s4  }
0x11: {  	s26 =	sadd.s32 s5, s25;
	s11 =	sor.u32 $0x800, s8;
	s16 =	smax.u32 s0, $0x1  }
0x12: {  	s19 =	simm.s32 $0x5;
	s0 =	simm.s32 $0x2;
	s9 =	sadd.s32 s6, s9  }
0x13: {  	s4 =	sshrl.u32 s4, $0x3;
	[dreg:$0x6] =	wrdreg s26;
	s9 =	sor.u32 s10, s9  }
0x14: {  	s26 =	simm.s32 $0x3;
	s6 =	sadd.s32 $0xDA00, s1;
	s9 =	sshrl.u32 s9, $0x3  }
0x15: {  	s10 =	sadd.s32 s3, s7;
	s14 =	sadd.s32 s9, s1;
	s1 =	sadd.s32 s4, s1  }
0x16: {  	s9 =	sadd.s32 s6, s25;
	s25 =	simm.s32 $0x1;
	s13 =	sadd.s32 $0x19000, s14  }
0x17: {  	v0 =	vimm.f32 $0.0e+00;
	s14 =	sadd.s32 $0x19010, s14;
	s15 =	sadd.s32 $0x2CC00, s1;
	s1 =	simm.s32 $0x9E80  }
.LBB2_1:
0x18: {  	s3 =	rddreg [dreg:$0x6];
	s4 =	simm.s32 $0xED80  }
0x19: {  	[tilespmem:s4], [sflag:$0x1] =	stream.linear.gather [hbm4b:s3+s2], $0x800, $0x38;
	[tilespmem:$0x10D80] =	vst v63  }
0x1a: {  	s24 =	simm.s32 $0xFD80  }
0x1b: {  	[tilespmem:s24], [sflag:$0x3] =	stream.linear.gather [hbm4b:s9+s2], $0x800, $0x38;
	[tilespmem:$0x10D80] =	vst v63  }
0x1c: {  	s4 =	rddreg [dreg:$0x3]  }
0x1d: {  	[tilespmem:s2], [sflag:$0x5] =	stream.linear.gather [hbm4b:s4+s2], $0x2780, $0x38;
	[tilespmem:$0x10D80] =	vst v63  }
0x1e: {  	_ =	swait.ge [sflag:s19], $0x2780  }
0x1f: {  	[sflag:s19] =	ssyncset.done $0x0  }
0x20: {  	s7 =	rddreg [dreg:$0x4];
	[sflag:s19] =	ssyncadd.s32 $0xFFFFD880  }
0x21: {  	[tilespmem:s20], [sflag:$0x5] =	stream.linear.gather [hbm4b:s7+s2], $0x2780, $0x38;
	[tilespmem:$0x10D80] =	vst v63  }
0x22: {  	_ =	swait.ge [sflag:s19], $0x2780  }
0x23: {  	[sflag:s19] =	ssyncset.done $0x0  }
0x24: {  	[sflag:s19] =	ssyncadd.s32 $0xFFFFD880  }
0x25: {  	[tilespmem:s23], [sflag:$0x5] =	stream.strided.gather [hbm4b:s10+s21], $0x2780, s22, s21, $0x38;
	[tilespmem:$0x10D80] =	vst v63  }
0x26: {  	_ =	swait.ge [sflag:s19], $0x2780  }
0x27: {  	[sflag:s19] =	ssyncset.done $0x0  }
0x28: {  	s24 =	simm.s32 $0x7680;
	s8 =	rddreg [dreg:$0x5];
	[sflag:s19] =	ssyncadd.s32 $0xFFFFD880  }
0x29: {  	[tilespmem:s24], [sflag:$0x5] =	stream.linear.gather [hbm4b:s8+s2], $0x80, $0x38;
	[tilespmem:$0x10D80] =	vst v63  }
0x2a: {  	_ =	swait.ge [sflag:s19], $0x80  }
0x2b: {  	[sflag:s19] =	ssyncset.done $0x0  }
0x2c: {  	s7 =	simm.s32 $0x4F20;
	[sflag:s19] =	ssyncadd.s32 $0xFFFFFF80  }
0x2d: {  	v1 =	vld [tilespmem:$0x7680];
	[tilespmem:s7+$0xFFFFFFF0] =	vst v0  }
0x2e: {  	[tilespmem:s7+$0x0] =	vst v0  }
0x2f: {  	[tilespmem:s7+$0x10] =	vst v0  }
0x30: {  	s3 =	simm.s32 $0x7720;
	[tilespmem:s7+$0xFFFFFFE0] =	vst v0  }
0x31: {  	[tilespmem:s3+$0xFFFFFFF0] =	vst v0  }
0x32: {  	[tilespmem:s3+$0x0] =	vst v0  }
0x33: {  	[tilespmem:s3+$0x10] =	vst v0  }
0x34: {  	s4 =	simm.s32 $0x9EA0;
	[tilespmem:s3+$0xFFFFFFE0] =	vst v0  }
0x35: {  	[tilespmem:s4+$0xFFFFFFF0] =	vst v0  }
0x36: {  	[tilespmem:s4+$0x0] =	vst v0  }
0x37: {  	[tilespmem:s4+$0x10] =	vst v0  }
0x38: {  	s8 =	simm.s32 $0x4F60;
	s7 =	simm.s32 $0x0;
	[tilespmem:s4+$0xFFFFFFE0] =	vst v0  }
.LBB2_2:
0x39: {  	[tilespmem:s8+$0xFFFFFFF0] =	vst v0;
	s3 =	sadd.s32 $0x40, s3  }
0x3a: {  	s4 =	sadd.s32 $0x40, s4;
	[tilespmem:s3+$0xFFFFFFF0] =	vst v0  }
0x3b: {  	[tilespmem:s4+$0xFFFFFFF0] =	vst v0  }
0x3c: {  	[tilespmem:s8+$0x0] =	vst v0  }
0x3d: {  	[tilespmem:s3+$0x0] =	vst v0  }
0x3e: {  	s7 =	sadd.s32 $0x4, s7;
	[tilespmem:s4+$0x0] =	vst v0  }
0x3f: {  	p0 =	slt.u32 s7, $0x26C;
	[tilespmem:s8+$0x10] =	vst v0  }
.Ltmp0:
0x40: {  	[tilespmem:s3+$0x10] =	vst v0;
	(pc) =	sbr.rel @p0 .LBB2_2-.Ltmp0, $4  }
0x41: {  	[tilespmem:s4+$0x10] =	vst v0  }
0x42: {  	[tilespmem:s8+$0xFFFFFFE0] =	vst v0  }
0x43: {  	[tilespmem:s3+$0xFFFFFFE0] =	vst v0  }
0x44: {  	s24 =	simm.s32 $0x0;
	s8 =	sadd.s32 $0x40, s8;
	[tilespmem:s4+$0xFFFFFFE0] =	vst v0  }
0x45: {  	s3 =	simm.s32 $0x0  }
.LBB2_4:
0x46: {  	p0 =	sne.s32 s3, $0x40  }
.Ltmp1:
0x47: {  	_ = 	snop;
	(pc) =	sbr.rel @p0 .LBB2_4-.Ltmp1, $4  }
0x48: {  	s4 =	sshra.s32 s3, $0x2  }
0x49: {  	[tilespmem:s4+$0x7600] =	vst v0  }
0x4a: {  	[tilespmem:s4+$0x9E00] =	vst v0  }
0x4b: {  	s3 =	sadd.s32 $0x40, s3;
	[tilespmem:s4+$0xC580] =	vst v0  }
.LBB2_5:
0x4c: {  	_ =	swait.ge [sflag:s25], $0x800  }
0x4d: {  	[sflag:s25] =	ssyncset.done $0x0  }
0x4e: {  	s3 =	sshll.u32 s24, $0xC;
	[sflag:s25] =	ssyncadd.s32 $0xFFFFF800  }
0x4f: {  	s4 =	sadd.s32 s3, s11;
	_ =	swait.ge [sflag:s26], $0x800  }
0x50: {  	s4 =	sshrl.u32 s4, $0x3;
	[sflag:s26] =	ssyncset.done $0x0  }
0x51: {  	s7 =	sadd.s32 s5, s4;
	[sflag:s26] =	ssyncadd.s32 $0xFFFFF800  }
0x52: {  	[tilespmem:s28], [sflag:$0x2] =	stream.linear.gather [hbm4b:s7+s2], $0x800, $0x38;
	[tilespmem:$0x10D80] =	vst v63  }
0x53: {  	s4 =	sadd.s32 s6, s4  }
0x54: {  	[tilespmem:s29], [sflag:$0x4] =	stream.linear.gather [hbm4b:s4+s2], $0x800, $0x38;
	[tilespmem:$0x10D80] =	vst v63  }
0x55: {  	s4 =	simm.s32 $0xEDA0  }
0x56: {  	s8 =	simm.s32 $0xFDA0;
	v5 =	vld [tilespmem:s4+$0x10]  }
0x57: {  	v17 =	vld [tilespmem:s8+$0x10];
	_ =	sdelay $0x6  }
0x58: {  	v2 =	vld.idx.msk [tilespmem:v5+s2+$0x0], $0xffff  }
0x59: {  	v4 =	vld.idx.msk [tilespmem:v17+s20+$0x0], $0xffff;
	_ =	sdelay $0x3  }
0x5a: {  	v16 =	vld [tilespmem:s4+$0xFFFFFFF0]  }
0x5b: {  	v19 =	vld [tilespmem:s4+$0x0];
	v6 =	vadd.f32 v4, v2  }
0x5c: {  	v18 =	vld [tilespmem:s4+$0xFFFFFFE0]  }
0x5d: {  	v3 =	vld [tilespmem:s8+$0xFFFFFFE0];
	v7 =	vmul.f32 $2.000000030e-01, v6  }
0x5e: {  	v4 =	vld [tilespmem:s8+$0xFFFFFFF0]  }
0x5f: {  	v2 =	vld [tilespmem:s8+$0x0];
	v6 =	vmax.f32 v6, v7  }
0x60: {  	v6 =	vsub.f32 v6, v1;
	_ =	sdelay $0x1  }
0x61: {  	v8 =	vld.idx.msk [tilespmem:v16+s2+$0x0], $0xffff;
	v6 =	vmul.f32 $1.442695020e+00, v6  }
0x62: {  	v9 =	vld.idx.msk [tilespmem:v19+s2+$0x0], $0xffff  }
0x63: {  	v11 =	vld.idx.msk [tilespmem:v18+s2+$0x0], $0xffff;
	(erf) = vpow2.f32 v6  }
0x64: {  	v7 =	vld.idx.msk [tilespmem:v3+s20+$0x0], $0xffff  }
0x65: {  	v6 =	vld.idx.msk [tilespmem:v4+s20+$0x0], $0xffff  }
0x66: {  	v10 =	vld.idx.msk [tilespmem:v2+s20+$0x0], $0xffff;
	_ =	sdelay $0x3  }
0x67: {  	s4 =	simm.s32 $0xFDE0;
	v6 =	vadd.f32 v6, v8  }
0x68: {  	s8 =	simm.s32 $0xEDE0;
	v11 =	vadd.f32 v7, v11;
	v7 =	vld [tilespmem:s4+$0x10];
	v8 =	vadd.f32 v10, v9  }
0x69: {  	v10 =	vld [tilespmem:s8+$0x10];
	v9 =	vmul.f32 $2.000000030e-01, v6;
	v20 =	vpop (erf)  }
0x6a: {  	v12 =	vmul.f32 $2.000000030e-01, v8;
	[tilespmem:v17+s30+$0x0] =	vst.idx.add.f32.msk $0xffff, v20  }
0x6b: {  	v6 =	vmax.f32 v6, v9;
	v9 =	vmul.f32 $2.000000030e-01, v11;
	v21 =	vld.idx.msk [tilespmem:v5+s23+$0x0], $0xffff  }
0x6c: {  	v8 =	vmax.f32 v8, v12;
	v6 =	vsub.f32 v6, v1;
	v5 =	vld [tilespmem:s4+$0xFFFFFFE0]  }
0x6d: {  	v9 =	vmax.f32 v11, v9;
	v11 =	vsub.f32 v8, v1;
	v8 =	vld [tilespmem:s8+$0xFFFFFFF0]  }
0x6e: {  	v12 =	vmul.f32 $1.442695020e+00, v6;
	v13 =	vsub.f32 v9, v1;
	v6 =	vld [tilespmem:s4+$0xFFFFFFF0]  }
0x6f: {  	v9 =	vld [tilespmem:s8+$0x0];
	v14 =	vmul.f32 $1.442695020e+00, v11  }
0x70: {  	(erf) = vpow2.f32 v12;
	v13 =	vmul.f32 $1.442695020e+00, v13;
	v12 =	vld [tilespmem:s8+$0xFFFFFFE0]  }
0x71: {  	(erf) = vpow2.f32 v14;
	v14 =	vld.idx.msk [tilespmem:v7+s20+$0x0], $0xffff  }
0x72: {  	(erf) = vpow2.f32 v13;
	v13 =	vld.idx.msk [tilespmem:v10+s2+$0x0], $0xffff  }
0x73: {  	v11 =	vld [tilespmem:s4+$0x0];
	_ =	sdelay $0x2  }
0x74: {  	v15 =	vld.idx.msk [tilespmem:v8+s2+$0x0], $0xffff  }
0x75: {  	v23 =	vld.idx.msk [tilespmem:v6+s20+$0x0], $0xffff;
	v25 =	vadd.f32 v14, v13  }
0x76: {  	v22 =	vld.idx.msk [tilespmem:v5+s20+$0x0], $0xffff  }
0x77: {  	v59 =	vunpack.i.l.bf16.f32 v21;
	v27 =	vld.idx.msk [tilespmem:v12+s2+$0x0], $0xffff;
	v28 =	vmul.f32 $2.000000030e-01, v25  }
0x78: {  	v61 =	vmul.f32 v20, v59;
	v24 =	vld.idx.msk [tilespmem:v9+s2+$0x0], $0xffff;
	v13 =	vpop (erf)  }
0x79: {  	v26 =	vld.idx.msk [tilespmem:v11+s20+$0x0], $0xffff;
	v14 =	vpop (erf);
	v25 =	vmax.f32 v25, v28  }
0x7a: {  	v21 =	vunpack.i.u.bf16.f32 v21;
	[tilespmem:v17+s31+$0x0] =	vst.idx.add.f32.msk $0xffff, v61;
	v23 =	vadd.f32 v23, v15;
	v15 =	vpop (erf);
	v25 =	vsub.f32 v25, v1  }
0x7b: {  	v20 =	vmul.f32 v20, v21;
	[tilespmem:v3+s30+$0x0] =	vst.idx.add.f32.msk $0xffff, v15  }
0x7c: {  	v22 =	vadd.f32 v22, v27;
	v62 =	vld.idx.msk [tilespmem:v18+s23+$0x0], $0xffff;
	v18 =	vmul.f32 $1.442695020e+00, v25  }
0x7d: {  	[tilespmem:v17+s1+$0x0] =	vst.idx.add.f32.msk $0xffff, v20;
	v60 =	vmul.f32 $2.000000030e-01, v23  }
0x7e: {  	[tilespmem:v4+s30+$0x0] =	vst.idx.add.f32.msk $0xffff, v13;
	v24 =	vadd.f32 v26, v24;
	v21 =	vmul.f32 $2.000000030e-01, v22;
	(erf) = vpow2.f32 v18  }
0x7f: {  	v16 =	vld.idx.msk [tilespmem:v16+s23+$0x0], $0xffff  }
0x80: {  	[tilespmem:v2+s30+$0x0] =	vst.idx.add.f32.msk $0xffff, v14;
	v63 =	vmul.f32 $2.000000030e-01, v24;
	v23 =	vmax.f32 v23, v60;
	v17 =	vmax.f32 v22, v21  }
0x81: {  	v23 =	vsub.f32 v23, v1;
	v21 =	vsub.f32 v17, v1;
	v17 =	vld.idx.msk [tilespmem:v19+s23+$0x0], $0xffff  }
0x82: {  	v18 =	vmax.f32 v24, v63  }
0x83: {  	v22 =	vsub.f32 v18, v1;
	v23 =	vmul.f32 $1.442695020e+00, v23  }
0x84: {  	v18 =	vunpack.i.u.bf16.f32 v62;
	v20 =	vunpack.i.l.bf16.f32 v62  }
0x85: {  	s7 =	simm.s32 $0x4;
	s8 =	simm.s32 $0xEE20;
	v19 =	vunpack.i.u.bf16.f32 v16;
	v22 =	vmul.f32 $1.442695020e+00, v22;
	(erf) = vpow2.f32 v23  }
.LBB2_6:
0x86: {  	v23 =	vld [tilespmem:s8+$0x10];
	v21 =	vmul.f32 $1.442695020e+00, v21;
	s4 =	sadd.s32 $0x40, s4;
	v16 =	vunpack.i.l.bf16.f32 v16;
	v24 =	vunpack.i.u.bf16.f32 v17;
	v25 =	vmovc v11  }
0x87: {  	v20 =	vmul.f32 v15, v20;
	v11 =	vunpack.i.l.bf16.f32 v17;
	v26 =	vld [tilespmem:s4+$0x10];
	(erf) = vpow2.f32 v22;
	v22 =	vpop (erf)  }
0x88: {  	s7 =	sadd.s32 $0x4, s7;
	v18 =	vmul.f32 v15, v18;
	[tilespmem:v7+s30+$0x0] =	vst.idx.add.f32.msk $0xffff, v22;
	(erf) = vpow2.f32 v21  }
0x89: {  	v19 =	vmul.f32 v13, v19;
	p0 =	slt.u32 s7, $0x7C;
	v21 =	vmul.f32 v13, v16;
	v15 =	vld.idx.msk [tilespmem:v10+s23+$0x0], $0xffff  }
0x8a: {  	v28 =	vmul.f32 v14, v11;
	v24 =	vmul.f32 v14, v24;
	v27 =	vld [tilespmem:s4+$0xFFFFFFE0]  }
0x8b: {  	v17 =	vld [tilespmem:s8+$0xFFFFFFF0];
	v10 =	vmov v23  }
0x8c: {  	v29 =	vld [tilespmem:s4+$0xFFFFFFF0]  }
0x8d: {  	v30 =	vld [tilespmem:s8+$0x0]  }
0x8e: {  	v16 =	vld.idx.msk [tilespmem:v23+s2+$0x0], $0xffff;
	v13 =	vpop (erf)  }
0x8f: {  	v32 =	vunpack.i.l.bf16.f32 v15;
	v23 =	vld.idx.msk [tilespmem:v26+s20+$0x0], $0xffff  }
0x90: {  	v33 =	vunpack.i.u.bf16.f32 v15;
	v31 =	vmul.f32 v22, v32;
	v11 =	vld [tilespmem:s4+$0x0];
	v14 =	vpop (erf)  }
0x91: {  	v22 =	vmul.f32 v22, v33;
	v32 =	vld [tilespmem:s8+$0xFFFFFFE0];
	v15 =	vpop (erf)  }
0x92: {  	[tilespmem:v7+s31+$0x0] =	vst.idx.add.f32.msk $0xffff, v31  }
0x93: {  	[tilespmem:v7+s1+$0x0] =	vst.idx.add.f32.msk $0xffff, v22;
	v7 =	vmov v26  }
0x94: {  	v22 =	vld.idx.msk [tilespmem:v27+s20+$0x0], $0xffff  }
0x95: {  	v16 =	vadd.f32 v23, v16;
	v26 =	vld.idx.msk [tilespmem:v17+s2+$0x0], $0xffff  }
0x96: {  	v23 =	vld.idx.msk [tilespmem:v29+s20+$0x0], $0xffff  }
0x97: {  	v33 =	vmul.f32 $2.000000030e-01, v16;
	v31 =	vld.idx.msk [tilespmem:v30+s2+$0x0], $0xffff  }
0x98: {  	v34 =	vld.idx.msk [tilespmem:v11+s20+$0x0], $0xffff  }
0x99: {  	v16 =	vmax.f32 v16, v33;
	v35 =	vld.idx.msk [tilespmem:v32+s2+$0x0], $0xffff  }
0x9a: {  	v16 =	vsub.f32 v16, v1;
	[tilespmem:v5+s30+$0x0] =	vst.idx.add.f32.msk $0xffff, v15  }
0x9b: {  	[tilespmem:v6+s30+$0x0] =	vst.idx.add.f32.msk $0xffff, v13  }
0x9c: {  	v23 =	vadd.f32 v23, v26;
	v16 =	vmul.f32 $1.442695020e+00, v16;
	[tilespmem:v25+s30+$0x0] =	vst.idx.add.f32.msk $0xffff, v14  }
0x9d: {  	v26 =	vld.idx.msk [tilespmem:v12+s23+$0x0], $0xffff;
	v12 =	vmov v32  }
0x9e: {  	v32 =	vmul.f32 $2.000000030e-01, v23;
	v31 =	vadd.f32 v34, v31;
	(erf) = vpow2.f32 v16;
	v16 =	vld.idx.msk [tilespmem:v8+s23+$0x0], $0xffff;
	v8 =	vmovc v17  }
0x9f: {  	v22 =	vadd.f32 v22, v35;
	v17 =	vld.idx.msk [tilespmem:v9+s23+$0x0], $0xffff;
	v9 =	vmov v30  }
0xa0: {  	v23 =	vmax.f32 v23, v32;
	v30 =	vmul.f32 $2.000000030e-01, v31;
	[tilespmem:v3+s31+$0x0] =	vst.idx.add.f32.msk $0xffff, v20  }
.Ltmp2:
0xa1: {  	v20 =	vmul.f32 $2.000000030e-01, v22;
	v23 =	vsub.f32 v23, v1;
	[tilespmem:v3+s1+$0x0] =	vst.idx.add.f32.msk $0xffff, v18;
	v3 =	vmovc v5;
	v5 =	vmov v27;
	(pc) =	sbr.rel @p0 .LBB2_6-.Ltmp2, $4  }
0xa2: {  	v18 =	vmax.f32 v31, v30;
	[tilespmem:v4+s31+$0x0] =	vst.idx.add.f32.msk $0xffff, v21  }
0xa3: {  	v20 =	vmax.f32 v22, v20;
	v23 =	vmul.f32 $1.442695020e+00, v23;
	v22 =	vsub.f32 v18, v1;
	[tilespmem:v4+s1+$0x0] =	vst.idx.add.f32.msk $0xffff, v19  }
0xa4: {  	v18 =	vunpack.i.u.bf16.f32 v26;
	v21 =	vsub.f32 v20, v1;
	v20 =	vunpack.i.l.bf16.f32 v26;
	v4 =	vmovc v6;
	[tilespmem:v2+s31+$0x0] =	vst.idx.add.f32.msk $0xffff, v28  }
0xa5: {  	s8 =	sadd.s32 $0x40, s8;
	v19 =	vunpack.i.u.bf16.f32 v16;
	v6 =	vmovc v29;
	v22 =	vmul.f32 $1.442695020e+00, v22;
	(erf) = vpow2.f32 v23;
	[tilespmem:v2+s1+$0x0] =	vst.idx.add.f32.msk $0xffff, v24;
	v2 =	vmovc v25  }
0xa6: {  	_ =	sdelay $0x2  }
0xa7: {  	v23 =	vpop (erf)  }
0xa8: {  	(erf) = vpow2.f32 v22;
	[tilespmem:v7+s30+$0x0] =	vst.idx.add.f32.msk $0xffff, v23  }
0xa9: {  	v21 =	vmul.f32 $1.442695020e+00, v21;
	v10 =	vld.idx.msk [tilespmem:v10+s23+$0x0], $0xffff;
	_ =	sdelay $0x1  }
0xaa: {  	(erf) = vpow2.f32 v21;
	_ =	sdelay $0x2  }
0xab: {  	v21 =	vunpack.i.l.bf16.f32 v10;
	v22 =	vpop (erf)  }
0xac: {  	v21 =	vmul.f32 v23, v21;
	[tilespmem:v6+s30+$0x0] =	vst.idx.add.f32.msk $0xffff, v22  }
0xad: {  	v10 =	vunpack.i.u.bf16.f32 v10;
	v8 =	vld.idx.msk [tilespmem:v8+s23+$0x0], $0xffff  }
0xae: {  	v10 =	vmul.f32 v23, v10;
	v23 =	vpop (erf);
	[tilespmem:v7+s31+$0x0] =	vst.idx.add.f32.msk $0xffff, v21  }
0xaf: {  	[tilespmem:v11+s30+$0x0] =	vst.idx.add.f32.msk $0xffff, v23  }
0xb0: {  	[tilespmem:v7+s1+$0x0] =	vst.idx.add.f32.msk $0xffff, v10  }
0xb1: {  	v10 =	vmul.f32 v15, v20;
	v9 =	vld.idx.msk [tilespmem:v9+s23+$0x0], $0xffff;
	v21 =	vpop (erf)  }
0xb2: {  	[tilespmem:v5+s30+$0x0] =	vst.idx.add.f32.msk $0xffff, v21  }
0xb3: {  	v15 =	vmul.f32 v15, v18;
	[tilespmem:v3+s31+$0x0] =	vst.idx.add.f32.msk $0xffff, v10;
	v10 =	vunpack.i.l.bf16.f32 v17  }
0xb4: {  	v7 =	vld.idx.msk [tilespmem:v12+s23+$0x0], $0xffff;
	v12 =	vunpack.i.l.bf16.f32 v16;
	v10 =	vmul.f32 v14, v10  }
0xb5: {  	[tilespmem:v3+s1+$0x0] =	vst.idx.add.f32.msk $0xffff, v15;
	v3 =	vunpack.i.u.bf16.f32 v17;
	v12 =	vmul.f32 v13, v12  }
0xb6: {  	v3 =	vmul.f32 v14, v3;
	[tilespmem:v2+s31+$0x0] =	vst.idx.add.f32.msk $0xffff, v10  }
0xb7: {  	v13 =	vmul.f32 v13, v19;
	[tilespmem:v4+s31+$0x0] =	vst.idx.add.f32.msk $0xffff, v12  }
0xb8: {  	[tilespmem:v2+s1+$0x0] =	vst.idx.add.f32.msk $0xffff, v3;
	v2 =	vunpack.i.l.bf16.f32 v8  }
0xb9: {  	[tilespmem:v4+s1+$0x0] =	vst.idx.add.f32.msk $0xffff, v13;
	v2 =	vmul.f32 v22, v2;
	v4 =	vunpack.i.l.bf16.f32 v7  }
0xba: {  	v7 =	vunpack.i.u.bf16.f32 v7;
	v4 =	vmul.f32 v21, v4  }
0xbb: {  	v3 =	vmul.f32 v21, v7;
	v7 =	vunpack.i.u.bf16.f32 v8;
	[tilespmem:v6+s31+$0x0] =	vst.idx.add.f32.msk $0xffff, v2  }
0xbc: {  	v7 =	vmul.f32 v22, v7;
	[tilespmem:v5+s31+$0x0] =	vst.idx.add.f32.msk $0xffff, v4;
	v4 =	vunpack.i.l.bf16.f32 v9  }
0xbd: {  	[tilespmem:v5+s1+$0x0] =	vst.idx.add.f32.msk $0xffff, v3;
	v3 =	vunpack.i.u.bf16.f32 v9;
	v4 =	vmul.f32 v23, v4  }
0xbe: {  	[tilespmem:v6+s1+$0x0] =	vst.idx.add.f32.msk $0xffff, v7;
	v2 =	vmul.f32 v23, v3  }
0xbf: {  	[tilespmem:v11+s31+$0x0] =	vst.idx.add.f32.msk $0xffff, v4  }
0xc0: {  	[tilespmem:v11+s1+$0x0] =	vst.idx.add.f32.msk $0xffff, v2  }
0xc1: {  	_ =	swait.ge [sflag:s0], $0x800  }
0xc2: {  	[sflag:s0] =	ssyncset.done $0x0  }
0xc3: {  	p0 =	seq.s32 s24, $0x14;
	[sflag:s0] =	ssyncadd.s32 $0xFFFFF800  }
0xc4: {  	s3 =	sadd.s32 @!p0 s3, s12;
	_ =	swait.ge [sflag:s17], $0x800  }
0xc5: {  	s7 =	simm.s32 @!p0 $0x0;
	s3 =	sshrl.u32 @!p0 s3, $0x3;
	[sflag:s17] =	ssyncset.done $0x0  }
0xc6: {  	s8 =	simm.s32 @!p0 $0xED80;
	s4 =	sadd.s32 @!p0 s5, s3;
	[sflag:s17] =	ssyncadd.s32 $0xFFFFF800  }
0xc7: {  	[tilespmem:s8], [sflag:$0x1] =	stream.linear.gather @!p0 [hbm4b:s4+s7], $0x800, $0x38;
	[tilespmem:$0x10D80] =	vst v63  }
0xc8: {  	s3 =	sadd.s32 @!p0 s6, s3;
	s4 =	simm.s32 @!p0 $0xFD80;
	s8 =	simm.s32 $0xF5A0  }
0xc9: {  	[tilespmem:s4], [sflag:$0x3] =	stream.linear.gather @!p0 [hbm4b:s3+s7], $0x800, $0x38;
	[tilespmem:$0x10D80] =	vst v63  }
0xca: {  	s7 =	simm.s32 $0x105A0;
	v5 =	vld [tilespmem:s8+$0x10]  }
0xcb: {  	v17 =	vld [tilespmem:s7+$0x10];
	_ =	sdelay $0x6  }
0xcc: {  	v2 =	vld.idx.msk [tilespmem:v5+s2+$0x0], $0xffff  }
0xcd: {  	v4 =	vld.idx.msk [tilespmem:v17+s20+$0x0], $0xffff;
	_ =	sdelay $0x3  }
0xce: {  	v16 =	vld [tilespmem:s8+$0xFFFFFFF0]  }
0xcf: {  	v19 =	vld [tilespmem:s8+$0x0];
	v6 =	vadd.f32 v4, v2  }
0xd0: {  	v18 =	vld [tilespmem:s8+$0xFFFFFFE0]  }
0xd1: {  	v3 =	vld [tilespmem:s7+$0xFFFFFFE0];
	v7 =	vmul.f32 $2.000000030e-01, v6  }
0xd2: {  	v4 =	vld [tilespmem:s7+$0xFFFFFFF0]  }
0xd3: {  	v2 =	vld [tilespmem:s7+$0x0];
	v6 =	vmax.f32 v6, v7  }
0xd4: {  	v6 =	vsub.f32 v6, v1;
	_ =	sdelay $0x1  }
0xd5: {  	v8 =	vld.idx.msk [tilespmem:v16+s2+$0x0], $0xffff;
	v6 =	vmul.f32 $1.442695020e+00, v6  }
0xd6: {  	v9 =	vld.idx.msk [tilespmem:v19+s2+$0x0], $0xffff  }
0xd7: {  	v11 =	vld.idx.msk [tilespmem:v18+s2+$0x0], $0xffff;
	(erf) = vpow2.f32 v6  }
0xd8: {  	v7 =	vld.idx.msk [tilespmem:v3+s20+$0x0], $0xffff  }
0xd9: {  	v6 =	vld.idx.msk [tilespmem:v4+s20+$0x0], $0xffff  }
0xda: {  	v10 =	vld.idx.msk [tilespmem:v2+s20+$0x0], $0xffff;
	_ =	sdelay $0x3  }
0xdb: {  	s3 =	simm.s32 $0x105E0;
	v6 =	vadd.f32 v6, v8  }
0xdc: {  	s8 =	simm.s32 $0xF5E0;
	v11 =	vadd.f32 v7, v11;
	v7 =	vld [tilespmem:s3+$0x10];
	v8 =	vadd.f32 v10, v9  }
0xdd: {  	v10 =	vld [tilespmem:s8+$0x10];
	v9 =	vmul.f32 $2.000000030e-01, v6;
	v20 =	vpop (erf)  }
0xde: {  	v12 =	vmul.f32 $2.000000030e-01, v8;
	[tilespmem:v17+s30+$0x0] =	vst.idx.add.f32.msk $0xffff, v20  }
0xdf: {  	v6 =	vmax.f32 v6, v9;
	v9 =	vmul.f32 $2.000000030e-01, v11;
	v21 =	vld.idx.msk [tilespmem:v5+s23+$0x0], $0xffff  }
0xe0: {  	v8 =	vmax.f32 v8, v12;
	v6 =	vsub.f32 v6, v1;
	v5 =	vld [tilespmem:s3+$0xFFFFFFE0]  }
0xe1: {  	v9 =	vmax.f32 v11, v9;
	v11 =	vsub.f32 v8, v1;
	v8 =	vld [tilespmem:s8+$0xFFFFFFF0]  }
0xe2: {  	v12 =	vmul.f32 $1.442695020e+00, v6;
	v13 =	vsub.f32 v9, v1;
	v6 =	vld [tilespmem:s3+$0xFFFFFFF0]  }
0xe3: {  	v9 =	vld [tilespmem:s8+$0x0];
	v14 =	vmul.f32 $1.442695020e+00, v11  }
0xe4: {  	(erf) = vpow2.f32 v12;
	v13 =	vmul.f32 $1.442695020e+00, v13;
	v12 =	vld [tilespmem:s8+$0xFFFFFFE0]  }
0xe5: {  	(erf) = vpow2.f32 v14;
	v14 =	vld.idx.msk [tilespmem:v7+s20+$0x0], $0xffff  }
0xe6: {  	(erf) = vpow2.f32 v13;
	v13 =	vld.idx.msk [tilespmem:v10+s2+$0x0], $0xffff  }
0xe7: {  	v11 =	vld [tilespmem:s3+$0x0];
	_ =	sdelay $0x2  }
0xe8: {  	v15 =	vld.idx.msk [tilespmem:v8+s2+$0x0], $0xffff  }
0xe9: {  	v23 =	vld.idx.msk [tilespmem:v6+s20+$0x0], $0xffff;
	v25 =	vadd.f32 v14, v13  }
0xea: {  	v22 =	vld.idx.msk [tilespmem:v5+s20+$0x0], $0xffff  }
0xeb: {  	v59 =	vunpack.i.l.bf16.f32 v21;
	v27 =	vld.idx.msk [tilespmem:v12+s2+$0x0], $0xffff;
	v28 =	vmul.f32 $2.000000030e-01, v25  }
0xec: {  	v61 =	vmul.f32 v20, v59;
	v24 =	vld.idx.msk [tilespmem:v9+s2+$0x0], $0xffff;
	v13 =	vpop (erf)  }
0xed: {  	v26 =	vld.idx.msk [tilespmem:v11+s20+$0x0], $0xffff;
	v14 =	vpop (erf);
	v25 =	vmax.f32 v25, v28  }
0xee: {  	v21 =	vunpack.i.u.bf16.f32 v21;
	[tilespmem:v17+s31+$0x0] =	vst.idx.add.f32.msk $0xffff, v61;
	v23 =	vadd.f32 v23, v15;
	v15 =	vpop (erf);
	v25 =	vsub.f32 v25, v1  }
0xef: {  	v20 =	vmul.f32 v20, v21;
	[tilespmem:v3+s30+$0x0] =	vst.idx.add.f32.msk $0xffff, v15  }
0xf0: {  	v22 =	vadd.f32 v22, v27;
	v62 =	vld.idx.msk [tilespmem:v18+s23+$0x0], $0xffff;
	v18 =	vmul.f32 $1.442695020e+00, v25  }
0xf1: {  	[tilespmem:v17+s1+$0x0] =	vst.idx.add.f32.msk $0xffff, v20;
	v60 =	vmul.f32 $2.000000030e-01, v23  }
0xf2: {  	[tilespmem:v4+s30+$0x0] =	vst.idx.add.f32.msk $0xffff, v13;
	v24 =	vadd.f32 v26, v24;
	v21 =	vmul.f32 $2.000000030e-01, v22;
	(erf) = vpow2.f32 v18  }
0xf3: {  	v16 =	vld.idx.msk [tilespmem:v16+s23+$0x0], $0xffff  }
0xf4: {  	[tilespmem:v2+s30+$0x0] =	vst.idx.add.f32.msk $0xffff, v14;
	v63 =	vmul.f32 $2.000000030e-01, v24;
	v23 =	vmax.f32 v23, v60;
	v17 =	vmax.f32 v22, v21  }
0xf5: {  	v23 =	vsub.f32 v23, v1;
	v21 =	vsub.f32 v17, v1;
	v17 =	vld.idx.msk [tilespmem:v19+s23+$0x0], $0xffff  }
0xf6: {  	v18 =	vmax.f32 v24, v63  }
0xf7: {  	v22 =	vsub.f32 v18, v1;
	v23 =	vmul.f32 $1.442695020e+00, v23  }
0xf8: {  	v18 =	vunpack.i.u.bf16.f32 v62;
	v20 =	vunpack.i.l.bf16.f32 v62  }
0xf9: {  	s4 =	simm.s32 $0x4;
	s7 =	simm.s32 $0xF620;
	v19 =	vunpack.i.u.bf16.f32 v16;
	v22 =	vmul.f32 $1.442695020e+00, v22;
	(erf) = vpow2.f32 v23  }
.LBB2_8:
0xfa: {  	v23 =	vld [tilespmem:s7+$0x10];
	v21 =	vmul.f32 $1.442695020e+00, v21;
	s3 =	sadd.s32 $0x40, s3;
	v16 =	vunpack.i.l.bf16.f32 v16;
	v24 =	vunpack.i.u.bf16.f32 v17;
	v25 =	vmovc v11  }
0xfb: {  	v20 =	vmul.f32 v15, v20;
	v11 =	vunpack.i.l.bf16.f32 v17;
	v26 =	vld [tilespmem:s3+$0x10];
	(erf) = vpow2.f32 v22;
	v22 =	vpop (erf)  }
0xfc: {  	s4 =	sadd.s32 $0x4, s4;
	v18 =	vmul.f32 v15, v18;
	[tilespmem:v7+s30+$0x0] =	vst.idx.add.f32.msk $0xffff, v22;
	(erf) = vpow2.f32 v21  }
0xfd: {  	v19 =	vmul.f32 v13, v19;
	p0 =	slt.u32 s4, $0x7C;
	v21 =	vmul.f32 v13, v16;
	v15 =	vld.idx.msk [tilespmem:v10+s23+$0x0], $0xffff  }
0xfe: {  	v28 =	vmul.f32 v14, v11;
	v24 =	vmul.f32 v14, v24;
	v27 =	vld [tilespmem:s3+$0xFFFFFFE0]  }
0xff: {  	v17 =	vld [tilespmem:s7+$0xFFFFFFF0];
	v10 =	vmov v23  }
0x100: {  	v29 =	vld [tilespmem:s3+$0xFFFFFFF0]  }
0x101: {  	v30 =	vld [tilespmem:s7+$0x0]  }
0x102: {  	v16 =	vld.idx.msk [tilespmem:v23+s2+$0x0], $0xffff;
	v13 =	vpop (erf)  }
0x103: {  	v32 =	vunpack.i.l.bf16.f32 v15;
	v23 =	vld.idx.msk [tilespmem:v26+s20+$0x0], $0xffff  }
0x104: {  	v33 =	vunpack.i.u.bf16.f32 v15;
	v31 =	vmul.f32 v22, v32;
	v11 =	vld [tilespmem:s3+$0x0];
	v14 =	vpop (erf)  }
0x105: {  	v22 =	vmul.f32 v22, v33;
	v32 =	vld [tilespmem:s7+$0xFFFFFFE0];
	v15 =	vpop (erf)  }
0x106: {  	[tilespmem:v7+s31+$0x0] =	vst.idx.add.f32.msk $0xffff, v31  }
0x107: {  	[tilespmem:v7+s1+$0x0] =	vst.idx.add.f32.msk $0xffff, v22;
	v7 =	vmov v26  }
0x108: {  	v22 =	vld.idx.msk [tilespmem:v27+s20+$0x0], $0xffff  }
0x109: {  	v16 =	vadd.f32 v23, v16;
	v26 =	vld.idx.msk [tilespmem:v17+s2+$0x0], $0xffff  }
0x10a: {  	v23 =	vld.idx.msk [tilespmem:v29+s20+$0x0], $0xffff  }
0x10b: {  	v33 =	vmul.f32 $2.000000030e-01, v16;
	v31 =	vld.idx.msk [tilespmem:v30+s2+$0x0], $0xffff  }
0x10c: {  	v34 =	vld.idx.msk [tilespmem:v11+s20+$0x0], $0xffff  }
0x10d: {  	v16 =	vmax.f32 v16, v33;
	v35 =	vld.idx.msk [tilespmem:v32+s2+$0x0], $0xffff  }
0x10e: {  	v16 =	vsub.f32 v16, v1;
	[tilespmem:v5+s30+$0x0] =	vst.idx.add.f32.msk $0xffff, v15  }
0x10f: {  	[tilespmem:v6+s30+$0x0] =	vst.idx.add.f32.msk $0xffff, v13  }
0x110: {  	v23 =	vadd.f32 v23, v26;
	v16 =	vmul.f32 $1.442695020e+00, v16;
	[tilespmem:v25+s30+$0x0] =	vst.idx.add.f32.msk $0xffff, v14  }
0x111: {  	v26 =	vld.idx.msk [tilespmem:v12+s23+$0x0], $0xffff;
	v12 =	vmov v32  }
0x112: {  	v32 =	vmul.f32 $2.000000030e-01, v23;
	v31 =	vadd.f32 v34, v31;
	(erf) = vpow2.f32 v16;
	v16 =	vld.idx.msk [tilespmem:v8+s23+$0x0], $0xffff;
	v8 =	vmovc v17  }
0x113: {  	v22 =	vadd.f32 v22, v35;
	v17 =	vld.idx.msk [tilespmem:v9+s23+$0x0], $0xffff;
	v9 =	vmov v30  }
0x114: {  	v23 =	vmax.f32 v23, v32;
	v30 =	vmul.f32 $2.000000030e-01, v31;
	[tilespmem:v3+s31+$0x0] =	vst.idx.add.f32.msk $0xffff, v20  }
.Ltmp3:
0x115: {  	v20 =	vmul.f32 $2.000000030e-01, v22;
	v23 =	vsub.f32 v23, v1;
	[tilespmem:v3+s1+$0x0] =	vst.idx.add.f32.msk $0xffff, v18;
	v3 =	vmovc v5;
	v5 =	vmov v27;
	(pc) =	sbr.rel @p0 .LBB2_8-.Ltmp3, $4  }
0x116: {  	v18 =	vmax.f32 v31, v30;
	[tilespmem:v4+s31+$0x0] =	vst.idx.add.f32.msk $0xffff, v21  }
0x117: {  	v20 =	vmax.f32 v22, v20;
	v23 =	vmul.f32 $1.442695020e+00, v23;
	v22 =	vsub.f32 v18, v1;
	[tilespmem:v4+s1+$0x0] =	vst.idx.add.f32.msk $0xffff, v19  }
0x118: {  	v18 =	vunpack.i.u.bf16.f32 v26;
	v21 =	vsub.f32 v20, v1;
	v20 =	vunpack.i.l.bf16.f32 v26;
	v4 =	vmovc v6;
	[tilespmem:v2+s31+$0x0] =	vst.idx.add.f32.msk $0xffff, v28  }
0x119: {  	s7 =	sadd.s32 $0x40, s7;
	v19 =	vunpack.i.u.bf16.f32 v16;
	v6 =	vmovc v29;
	v22 =	vmul.f32 $1.442695020e+00, v22;
	(erf) = vpow2.f32 v23;
	[tilespmem:v2+s1+$0x0] =	vst.idx.add.f32.msk $0xffff, v24;
	v2 =	vmovc v25  }
0x11a: {  	_ =	sdelay $0x2  }
0x11b: {  	v21 =	vmul.f32 $1.442695020e+00, v21;
	v23 =	vpop (erf)  }
0x11c: {  	(erf) = vpow2.f32 v22;
	[tilespmem:v7+s30+$0x0] =	vst.idx.add.f32.msk $0xffff, v23  }
0x11d: {  	(erf) = vpow2.f32 v21;
	v10 =	vld.idx.msk [tilespmem:v10+s23+$0x0], $0xffff;
	_ =	sdelay $0x1  }
0x11e: {  	v56 =	vmul.f32 v15, v20  }
0x11f: {  	v58 =	vmul.f32 v15, v18  }
0x120: {  	[tilespmem:v3+s31+$0x0] =	vst.idx.add.f32.msk $0xffff, v56  }
0x121: {  	[tilespmem:v3+s1+$0x0] =	vst.idx.add.f32.msk $0xffff, v58;
	v51 =	vunpack.i.l.bf16.f32 v10;
	v52 =	vpop (erf)  }
0x122: {  	v21 =	vmul.f32 v23, v51;
	[tilespmem:v6+s30+$0x0] =	vst.idx.add.f32.msk $0xffff, v52  }
0x123: {  	v8 =	vld.idx.msk [tilespmem:v8+s23+$0x0], $0xffff  }
0x124: {  	v53 =	vpop (erf);
	[tilespmem:v7+s31+$0x0] =	vst.idx.add.f32.msk $0xffff, v21  }
0x125: {  	v10 =	vunpack.i.u.bf16.f32 v10;
	v54 =	vpop (erf);
	[tilespmem:v11+s30+$0x0] =	vst.idx.add.f32.msk $0xffff, v53  }
0x126: {  	v10 =	vmul.f32 v23, v10;
	[tilespmem:v5+s30+$0x0] =	vst.idx.add.f32.msk $0xffff, v54  }
0x127: {  	v59 =	vunpack.i.l.bf16.f32 v17;
	v55 =	vld.idx.msk [tilespmem:v12+s23+$0x0], $0xffff  }
0x128: {  	v3 =	vunpack.i.u.bf16.f32 v17;
	[tilespmem:v7+s1+$0x0] =	vst.idx.add.f32.msk $0xffff, v10;
	v10 =	vmul.f32 v14, v59  }
0x129: {  	v57 =	vunpack.i.l.bf16.f32 v16;
	v3 =	vmul.f32 v14, v3;
	v9 =	vld.idx.msk [tilespmem:v9+s23+$0x0], $0xffff  }
0x12a: {  	v12 =	vmul.f32 v13, v57;
	[tilespmem:v2+s31+$0x0] =	vst.idx.add.f32.msk $0xffff, v10  }
0x12b: {  	v60 =	vmul.f32 v13, v19;
	[tilespmem:v2+s1+$0x0] =	vst.idx.add.f32.msk $0xffff, v3;
	v2 =	vunpack.i.l.bf16.f32 v8  }
0x12c: {  	[tilespmem:v4+s31+$0x0] =	vst.idx.add.f32.msk $0xffff, v12;
	v2 =	vmul.f32 v52, v2;
	v61 =	vunpack.i.l.bf16.f32 v55  }
0x12d: {  	s24 =	sadd.s32 $0x1, s24;
	[tilespmem:v4+s1+$0x0] =	vst.idx.add.f32.msk $0xffff, v60;
	v7 =	vunpack.i.u.bf16.f32 v55;
	v4 =	vmul.f32 v54, v61  }
0x12e: {  	p0 =	sne.s32 s24, $0x15;
	v62 =	vunpack.i.u.bf16.f32 v8;
	[tilespmem:v6+s31+$0x0] =	vst.idx.add.f32.msk $0xffff, v2;
	v3 =	vmul.f32 v54, v7  }
.Ltmp4:
0x12f: {  	v63 =	vunpack.i.l.bf16.f32 v9;
	v7 =	vmul.f32 v52, v62;
	[tilespmem:v5+s31+$0x0] =	vst.idx.add.f32.msk $0xffff, v4;
	(pc) =	sbr.rel @p0 .LBB2_5-.Ltmp4, $4  }
0x130: {  	v4 =	vmul.f32 v53, v63;
	[tilespmem:v5+s1+$0x0] =	vst.idx.add.f32.msk $0xffff, v3;
	v3 =	vunpack.i.u.bf16.f32 v9  }
0x131: {  	[tilespmem:v6+s1+$0x0] =	vst.idx.add.f32.msk $0xffff, v7;
	v2 =	vmul.f32 v53, v3  }
0x132: {  	[tilespmem:v11+s31+$0x0] =	vst.idx.add.f32.msk $0xffff, v4  }
0x133: {  	[tilespmem:v11+s1+$0x0] =	vst.idx.add.f32.msk $0xffff, v2  }
0x134: {  	[hbm4b:s13+s21] =	stream.strided.scatter [tilespmem:s31], [sflag:$0x5], $0x2780, s22, s21, $0x38;
	[tilespmem:$0x10D80] =	vst v63  }
0x135: {  	_ =	swait.ge [sflag:s19], $0x2780  }
0x136: {  	[sflag:s19] =	ssyncset.done $0x0  }
0x137: {  	[sflag:s19] =	ssyncadd.s32 $0xFFFFD880  }
0x138: {  	[hbm4b:s14+s21] =	stream.strided.scatter [tilespmem:s1], [sflag:$0x5], $0x2780, s22, s21, $0x38;
	[tilespmem:$0x10D80] =	vst v63  }
0x139: {  	s18 =	sadd.s32 $0x1, s18;
	_ =	swait.ge [sflag:s19], $0x2780  }
0x13a: {  	p0 =	sne.s32 s18, s16;
	[sflag:s19] =	ssyncset.done $0x0  }
.Ltmp5:
0x13b: {  	[sflag:s19] =	ssyncadd.s32 $0xFFFFD880;
	(pc) =	sbr.rel @p0 .LBB2_1-.Ltmp5, $4  }
0x13c: {  	[hbm4b:s15+s21] =	stream.strided.scatter [tilespmem:s30], [sflag:$0x5], $0x2780, s22, s21, $0x38;
	[tilespmem:$0x10D80] =	vst v63  }
0x13d: {  	_ =	swait.ge [sflag:s19], $0x2780  }
0x13e: {  	[sflag:s19] =	ssyncset.done $0x0  }
0x13f: {  	[sflag:s19] =	ssyncadd.s32 $0xFFFFD880  }
0x140: {  	_ =	sfence.sel $0x180000  }
0x141: {  	[bflag:$0x0] =	sbarrier.arrive $0xFFFF  }
0x142: {  	_ =	strace $0x9000004A  }
0x143: {  	s0 =	stileid.u32;
	[bflag:$0x2] =	sbarrier.arrive $0xFFFF  }
0x144: {  	p0 =	sne.s32 s0, $0x0;
	s0 =	rddreg [dreg:$0x2]  }
0x145: {  	s0 =	sadd.s32 @!p0 $0x100000, s0  }
0x146: {  	[sflag:s0] =	ssyncadd.tile.s32 @!p0 $0x1;
	_ =	shalt  }
.Lfunc_end2:
_tile_overlayer_lowered:
.L_overlay_start_2:
0x147: {  	(tag) =	ssettag $0x2  }
0x148: {  	s0 =	rddreg [dreg:$0x0];
	s2 =	stileid.u32  }
0x149: {  	s1 =	rddreg [dreg:$0x1];
	p0 =	sne.s32 s2, $0x0  }
0x14a: {  	s3 =	rddreg [dreg:$0x2];
	[bflag:$0x3] =	sbarrier.arrive $0xFFFF;
	s2 =	simm.s32 @!p0 $0x1C05  }
0x14b: {  	[timem:s3], [sflag:s2] =	dma.local @!p0 [hbm:s0], s1  }
0x14c: {  	s0 =	simm.s32 @!p0 $0x5  }
0x14d: {  	_ =	swait.ge @!p0 [sflag:s0], s1  }
0x14e: {  	s1 =	ssub.s32 @!p0 $0x0, s1;
	[sflag:s0] =	ssyncset.done @!p0 $0x0  }
0x14f: {  	[sflag:s0] =	ssyncadd.s32 @!p0 s1  }
0x150: {  	[bflag:$0x3] =	sbarrier.arrive $0xFFFF  }
0x151: {  	_ =	shalt  }

// kernel: kernel.7.cloned.1.call-start
scs
__scs_entry_jumppad:
0x0: {  	(pc) =	sbr.rel $0x88, $3  }
0x1: {  	(tag) =	ssettag $0x0;
	lr =	simm.s32 $0x1  }
0x2: {  	[smem:$0x3F97] =	sst lr;
	_ =	strace $0xD0000000  }
0x3: {  	_ = 	snop  }
0x4: {  	_ = 	snop  }
0x5: {  	_ = 	snop  }
0x6: {  	_ = 	snop  }
0x7: {  	_ = 	snop  }
__scs_overlays_trampoline_lowered:
0x8: {  	[smem:$0x3FA6] =	sst s0  }
0x9: {  	[smem:$0x3FA7] =	sst s1  }
0xa: {  	[smem:$0x3FA8] =	sst s2  }
0xb: {  	[smem:$0x3FA9] =	sst s3  }
0xc: {  	[smem:$0x3FAA] =	sst s4  }
0xd: {  	[smem:$0x3FAB] =	sst s5  }
0xe: {  	[smem:$0x3FAC] =	sst s6  }
0xf: {  	[smem:$0x3FAD] =	sst s7  }
0x10: {  	[smem:$0x3FAE] =	sst s8  }
0x11: {  	[smem:$0x3FAF] =	sst s9;
	s0 =	simm.s32 @!p0 $0x0  }
0x12: {  	s1 =	sld [smem:$0x3F95];
	s0 =	simm.s32 @p0 $0x1  }
0x13: {  	[smem:$0x3FB0] =	sst s0;
	s0 =	simm.s32 @!p1 $0x0  }
0x14: {  	s2 =	sld [smem:$0x3F94];
	s0 =	simm.s32 @p1 $0x1  }
0x15: {  	[smem:$0x3FB1] =	sst s0;
	s0 =	simm.s32 @!p2 $0x0  }
0x16: {  	s3 =	sld [smem:$0x3FDB];
	s0 =	simm.s32 @p2 $0x1  }
0x17: {  	s4 =	simm.s32 $0x1BF5;
	[smem:$0x3FB3] =	sst s0  }
0x18: {  	s0 =	sld [smem:$0x3F96];
	_ =	swait.ge [sflag:s4], $0x0  }
0x19: {  	s7 =	sld [smem:$0x3F97]  }
0x1a: {  	s8 =	sadd.s32 $0xFFFFE003, lr  }
0x1b: {  	s9 =	sadd.s32 $0xFFFFFEF7, lr;
	s5 =	simm.s32 $0xFFFFFFFF;
	p2 =	slt.u32 s8, $0xFFFFF086  }
0x1c: {  	p1 =	slt.u32 s9, $0xF7A;
	s5 =	simm.s32 @!p2 $0x0  }
0x1d: {  	s5 =	simm.s32 @p1 $0x1;
	p0 =	seq.s32 s7, s2  }
0x1e: {  	s7 =	smul.u32 @!p0 $0xF7A, s2;
	p2 =	seq.s32 @!p0 s5, $0x0  }
0x1f: {  	s9 =	smul.u32 $0xF7A, s1;
	s8 =	simm.s32 @!p0 $0x1BF5;
	p2 =	por !p2, p0  }
0x20: {  	[sflag:s8] =	ssyncset.s32 @!p0 $0xFFFFF086;
	s6 =	sadd.s32 @!p0 s3, s7;
	s7 =	simm.s32 @!p0 $0x108  }
0x21: {  	s3 =	sadd.s32 s3, s9;
	s6 =	sadd.s32 @!p0 $0x88, s6;
	s7 =	simm.s32 @p2 $0x1082  }
0x22: {  	[simem:s7], [sflag:s8] =	dma.local @!p0 [hbm:s6], $0xF7A  }
0x23: {  	s9 =	sor.u32 $0xD0000000, s2;
	s6 =	simm.s32 $0x108;
	_ =	swait.ge @!p0 [sflag:s8], $0x0  }
0x24: {  	s3 =	sadd.s32 $0x88, s3;
	s6 =	simm.s32 @!p1 $0x1082;
	[sflag:s4] =	ssyncset.s32 $0xFFFFF086  }
0x25: {  	[simem:s6], [sflag:s4] =	dma.local [hbm:s3], $0xF7A  }
0x26: {  	[smem:$0x3F97] =	sst s1;
	(tag) =	ssettag s2;
	_ =	strace s9  }
0x27: {  	s1 =	sld [smem:$0x3FA7]  }
0x28: {  	s2 =	sld [smem:$0x3FA8]  }
0x29: {  	s4 =	sld [smem:$0x3FAA]  }
0x2a: {  	p0 =	seq.s32 s5, $0x0;
	s5 =	sld [smem:$0x3FAB]  }
0x2b: {  	s6 =	sld [smem:$0x3FAC]  }
0x2c: {  	s7 =	sld [smem:$0x3FAD]  }
0x2d: {  	s3 =	simm.s32 $0x108;
	s8 =	sld [smem:$0x3FAE]  }
0x2e: {  	s3 =	simm.s32 @!p0 $0x1082;
	s9 =	sld [smem:$0x3FAF]  }
0x2f: {  	lr =	sadd.s32 s0, s3;
	s0 =	sld [smem:$0x3FA6]  }
0x30: {  	s3 =	sld [smem:$0x3FA9]  }
0x31: {  	[smem:$0x3FB2] =	sst s10  }
0x32: {  	s10 =	sld [smem:$0x3FB0];
	_ =	sdelay $0x3  }
0x33: {  	p0 =	seq.s32 s10, $0x1;
	s10 =	sld [smem:$0x3FB2];
	_ =	sdelay $0x3  }
0x34: {  	[smem:$0x3FB2] =	sst s10  }
0x35: {  	s10 =	sld [smem:$0x3FB1];
	_ =	sdelay $0x3  }
0x36: {  	p1 =	seq.s32 s10, $0x1;
	s10 =	sld [smem:$0x3FB2];
	_ =	sdelay $0x3  }
0x37: {  	[smem:$0x3FB2] =	sst s10  }
0x38: {  	s10 =	sld [smem:$0x3FB3]  }
0x39: {  	_ = 	snop;
	(pc) =	sbr.ind lr, $3  }
0x3a: {  	_ = 	snop  }
0x3b: {  	_ = 	snop  }
0x3c: {  	p2 =	seq.s32 s10, $0x1;
	s10 =	sld [smem:$0x3FB2]  }
0x3d: {  	_ =	shalt  }
0x3e: {  	_ =	shalt  }
0x3f: {  	_ =	shalt  }
0x40: {  	_ =	shalt  }
0x41: {  	_ =	shalt  }
0x42: {  	_ =	shalt  }
0x43: {  	_ =	shalt  }
0x44: {  	_ =	shalt  }
0x45: {  	_ =	shalt  }
0x46: {  	_ =	shalt  }
0x47: {  	_ =	shalt  }
0x48: {  	_ =	shalt  }
0x49: {  	_ =	shalt  }
0x4a: {  	_ =	shalt  }
0x4b: {  	_ =	shalt  }
0x4c: {  	_ =	shalt  }
0x4d: {  	_ =	shalt  }
0x4e: {  	_ =	shalt  }
0x4f: {  	_ =	shalt  }
0x50: {  	_ =	shalt  }
0x51: {  	_ =	shalt  }
0x52: {  	_ =	shalt  }
0x53: {  	_ =	shalt  }
0x54: {  	_ =	shalt  }
0x55: {  	_ =	shalt  }
0x56: {  	_ =	shalt  }
0x57: {  	_ =	shalt  }
0x58: {  	_ =	shalt  }
0x59: {  	_ =	shalt  }
0x5a: {  	_ =	shalt  }
0x5b: {  	_ =	shalt  }
0x5c: {  	_ =	shalt  }
0x5d: {  	_ =	shalt  }
0x5e: {  	_ =	shalt  }
0x5f: {  	_ =	shalt  }
0x60: {  	_ =	shalt  }
0x61: {  	_ =	shalt  }
0x62: {  	_ =	shalt  }
0x63: {  	_ =	shalt  }
0x64: {  	_ =	shalt  }
0x65: {  	_ =	shalt  }
0x66: {  	_ =	shalt  }
0x67: {  	_ =	shalt  }
0x68: {  	_ =	shalt  }
0x69: {  	_ =	shalt  }
0x6a: {  	_ =	shalt  }
0x6b: {  	_ =	shalt  }
0x6c: {  	_ =	shalt  }
0x6d: {  	_ =	shalt  }
0x6e: {  	_ =	shalt  }
0x6f: {  	_ =	shalt  }
0x70: {  	_ =	shalt  }
0x71: {  	_ =	shalt  }
0x72: {  	_ =	shalt  }
0x73: {  	_ =	shalt  }
0x74: {  	_ =	shalt  }
0x75: {  	_ =	shalt  }
0x76: {  	_ =	shalt  }
0x77: {  	_ =	shalt  }
0x78: {  	_ =	shalt  }
0x79: {  	_ =	shalt  }
0x7a: {  	_ =	shalt  }
0x7b: {  	_ =	shalt  }
0x7c: {  	_ =	shalt  }
0x7d: {  	_ =	shalt  }
0x7e: {  	_ =	shalt  }
0x7f: {  	_ =	shalt  }
0x80: {  	_ =	shalt  }
0x81: {  	_ =	shalt  }
0x82: {  	_ =	shalt  }
0x83: {  	_ =	shalt  }
0x84: {  	_ =	shalt  }
0x85: {  	_ =	shalt  }
0x86: {  	_ =	shalt  }
0x87: {  	_ =	shalt  }
.Lfunc_end0:
.L_simem_size_0:
called_computation_lowered:
.L_overlay_start_0:
0x88: {  	s2 =	sld [smem:$0x3FD9]  }
0x89: {  	s3 =	sld [smem:$0x3FFE];
	_ =	sdelay $0x1  }
0x8a: {  	s1 =	srdreg.scid  }
0x8b: {  	s0 =	sand.u32 $0x1, s1  }
0x8c: {  	s17 =	sshll.u32 s0, $0xA;
	s2 =	sadd.s32 s3, s2  }
0x8d: {  	s2 =	sadd.s32 s2, s17  }
0x8e: {  	[smem:$0x3FBE] =	sst s2  }
0x8f: {  	_ = 	snop  }
0x90: {  	s2 =	sld [smem:$0x3FD0];
	(tm) =	ssettm $0x1  }
0x91: {  	s18 =	sld [smem:$0x3FFB];
	_ =	sdelay $0x3  }
0x92: {  	_ =	strace s18  }
0x93: {  	s3 =	sld [smem:$0x3FFC];
	_ =	sdelay $0x3  }
0x94: {  	_ =	strace s3  }
0x95: {  	s3 =	sld [smem:$0x3FFD];
	_ =	sdelay $0x3  }
0x96: {  	_ =	strace s3  }
0x97: {  	_ =	strace $0x8FFFFFFF  }
0x98: {  	s19 =	sld [smem:$0x3FDB];
	_ =	sdelay $0x1  }
0x99: {  	s4 =	simm.s32 $_scs_section_size  }
0x9a: {  	s5 =	simm.s32 $_size__tile_overlayer_lowered;
	s6 =	simm.s32 $_tile_overlayer_lowered  }
0x9b: {  	s22 =	simm.s32 $0x1BFF;
	s21 =	sshll.u32 s6, $0x1;
	s3 =	sadd.s32 s4, s19  }
0x9c: {  	s7 =	simm.s32 $0x0;
	s20 =	sshll.u32 s5, $0x1;
	s5 =	sadd.s32 s21, s3  }
0x9d: {  	[timem:s7], [sflag:s22] =	dma.local [hbm:s5], s20  }
0x9e: {  	_ =	swait.ge [sflag:s22], s20  }
0x9f: {  	s4 =	ssub.s32 $0x0, s20;
	[sflag:s22] =	ssyncset.done $0x0  }
0xa0: {  	[sflag:s22] =	ssyncadd.s32 s4;
	_ =	sdelay $0x1  }
0xa1: {  	s23 =	simm.s32 $0x1B8B  }
0xa2: {  	_ =	swait.ge [sflag:s23], $0x1  }
0xa3: {  	[sflag:s23] =	ssyncset.done $0x0  }
0xa4: {  	s25 =	simm.s32 $0x1B8E;
	s24 =	sld [smem:$0x3FFE];
	[sflag:s23] =	ssyncadd.s32 $0xFFFFFFFF  }
0xa5: {  	s26 =	simm.s32 $execute0_lowered;
	[smem:$0x3FD2] =	sst s25  }
0xa6: {  	s5 =	sshll.u32 s26, $0x1;
	_ =	strace $0x80000046;
	[dreg:$0x1] =	wrdreg $0xFFFFFFFF  }
0xa7: {  	s28 =	simm.s32 $_size_execute0_lowered;
	s3 =	sadd.s32 s3, s5;
	[dreg:$0x0] =	wrdreg $0x0  }
0xa8: {  	s5 =	sshll.u32 s28, $0x1;
	[dreg:$0x2] =	wrdreg s3  }
0xa9: {  	[dreg:$0x3] =	wrdreg s5  }
0xaa: {  	[dreg:$0x4] =	wrdreg $0xC0  }
0xab: {  	_ =	task [dreg:s7], $0x5FFFF  }
0xac: {  	[dreg:$0x1] =	wrdreg $0xFFFFFFFF  }
0xad: {  	[dreg:$0x0] =	wrdreg $0x60  }
0xae: {  	[dreg:$0x2] =	wrdreg s2  }
0xaf: {  	[dreg:$0x3] =	wrdreg s24  }
0xb0: {  	[dreg:$0x4] =	wrdreg $0x9  }
0xb1: {  	_ =	task.clear_ibuf [dreg:s7], $0x5FFFF;
	_ =	strace $0x90000046  }
0xb2: {  	s29 =	simm.s32 $0x9;
	_ =	strace $0x80000048  }
0xb3: {  	_ =	swait.ge [sflag:s29], $0x1  }
0xb4: {  	[sflag:s29] =	ssyncadd.s32 $0xFFFFFFFF  }
0xb5: {  	_ =	strace $0x90000048  }
0xb6: {  	_ =	sfence  }
0xb7: {  	s30 =	sld [smem:$0x0];
	_ =	sdelay $0x2  }
0xb8: {  	s31 =	sshll.u32 s1, $0xD;
	s1 =	sshrl.u32 s1, $0x2  }
0xb9: {  	s3 =	sand.u32 $0x4000, s31;
	s1 =	sadd.s32 s1, s30  }
0xba: {  	s0 =	sor.u32 s3, s0;
	s1 =	sshll.u32 s1, $0x11  }
0xbb: {  	s0 =	sor.u32 s1, s0  }
0xbc: {  	s0 =	sadd.s32 $0x8F2B, s0  }
0xbd: {  	[sflag:s0] =	ssyncadd.remote.s32 $0x1  }
0xbe: {  	_ =	sfence.sel $0xFFFF  }
0xbf: {  	[dreg:$0x0] =	wrdreg $0xFFFFFFFF;
	(pc) =	sbr.abs _section_cstart, $3  }
0xc0: {  	[dreg:$0x1] =	wrdreg $0xFFFFFFFF  }
0xc1: {  	_ =	task.clear_ibuf [dreg:s7], $0x2FFFF;
	_ =	strace $0x9FFFFFFF  }
0xc2: {  	(tm) =	ssettm $0x7FFFFFFF  }
0xc3: {  	_ =	shalt  }
tec
execute0_lowered:
.L_overlay_start_1:
0x0: {  	(tag) =	ssettag $0x1  }
0x1: {  	s0 =	rddreg [dreg:$0x0];
	s7 =	stileid.u32  }
0x2: {  	s1 =	rddreg [dreg:$0x1];
	s2 =	srdreg.scid;
	s29 =	simm.s32 $0x11880  }
0x3: {  	s30 =	simm.s32 $0x14000;
	s31 =	simm.s32 $0x1;
	s28 =	simm.s32 $0x7A80  }
0x4: {  	s3 =	sshll.u32 s7, $0x1;
	s6 =	sand.u32 $0x1, s2;
	s2 =	simm.s32 $0x0  }
0x5: {  	s7 =	sshrl.u32 s7, $0x3;
	s16 =	sadd.s32 $0x24800, s1;
	s5 =	sand.u32 $0xE, s3  }
0x6: {  	s3 =	sor.u32 s6, s3;
	[smem:$0x7FF] =	sst s2;
	s9 =	smul.u32 $0x9E000, s7  }
0x7: {  	s14 =	sshll.u32 s6, $0x9;
	s26 =	sshll.u32 s6, $0x8;
	s15 =	sshll.u32 s7, $0x7  }
0x8: {  	s7 =	smul.u32 $0x2A000, s7;
	s6 =	ssub.s32 $0x2, s6;
	s4 =	sshrl.u32 s5, $0x2  }
0x9: {  	s3 =	sshll.u32 s3, $0x8;
	_ =	strace $0x80000047;
	s8 =	sshrl.u32 s5, $0x1  }
0xa: {  	s10 =	sshll.u32 s5, $0x3;
	[dreg:$0x3] =	wrdreg s16;
	s4 =	smul.u32 $0x13C00, s4  }
0xb: {  	s20 =	sshll.u32 s5, $0x8;
	s5 =	simm.s32 $0xA200;
	s11 =	smul.u32 $0x13C00, s8  }
0xc: {  	s3 =	sand.u32 $0x300, s3;
	s12 =	sadd.s32 s10, s1;
	s8 =	smul.u32 $0x9E00, s8  }
0xd: {  	s16 =	sshrl.u32 s7, $0x3;
	s0 =	sadd.s32 s0, s10;
	s10 =	simm.s32 $0x0  }
0xe: {  	[dreg:$0x6] =	wrdreg s0;
	s19 =	sadd.s32 $0x22000, s12;
	s12 =	sor.u32 $0x1000, s7  }
0xf: {  	s0 =	simm.s32 $0x17780;
	s3 =	sor.u32 s3, s4;
	s4 =	sadd.s32 $0xDA00, s1  }
0x10: {  	s9 =	sadd.s32 s9, s11;
	s11 =	sor.u32 s26, s15;
	s15 =	sshrl.u32 s6, $0x1  }
0x11: {  	[dreg:$0x7] =	wrdreg s19;
	s3 =	sshrl.u32 s3, $0x3;
	s9 =	sor.u32 s14, s9  }
0x12: {  	s8 =	sor.u32 s11, s8;
	s6 =	ssub.s32 s6, s15;
	s18 =	sadd.s32 s4, s16  }
0x13: {  	s13 =	sadd.s32 s3, s1;
	s3 =	sadd.s32 $0x3200, s1;
	s9 =	sshrl.u32 s9, $0x3  }
0x14: {  	s8 =	sshrl.u32 s8, $0x3;
	[dreg:$0x5] =	wrdreg s18;
	s19 =	smax.u32 s6, $0x1  }
0x15: {  	s6 =	simm.s32 $0xC980;
	s9 =	sadd.s32 s9, s1;
	s17 =	sadd.s32 s3, s16  }
0x16: {  	s1 =	sadd.s32 s8, s1;
	s21 =	sadd.s32 $0x18200, s13;
	[dreg:$0x4] =	wrdreg s17  }
0x17: {  	s22 =	sadd.s32 $0x18210, s13;
	s13 =	sadd.s32 $0x2000, s7;
	[dreg:$0x8] =	wrdreg s21  }
0x18: {  	s7 =	simm.s32 $0xF100;
	s8 =	simm.s32 $0x2;
	[dreg:$0x9] =	wrdreg s22  }
0x19: {  	s23 =	sadd.s32 $0x24A00, s9;
	s24 =	sadd.s32 $0x24A10, s9;
	s25 =	sadd.s32 $0x24A20, s9  }
0x1a: {  	s26 =	sadd.s32 $0x24A30, s9;
	s18 =	sadd.s32 $0x4C200, s1;
	[dreg:$0xa] =	wrdreg s23  }
0x1b: {  	s22 =	simm.s32 $0x80;
	s1 =	simm.s32 $0x3;
	[dreg:$0xb] =	wrdreg s24  }
0x1c: {  	s21 =	simm.s32 $0x4F00;
	s9 =	simm.s32 $0x4;
	[dreg:$0xc] =	wrdreg s25  }
0x1d: {  	[dreg:$0xd] =	wrdreg s26;
	s23 =	simm.s32 $0x400;
	s24 =	simm.s32 $0x5  }
0x1e: {  	v0 =	vimm.f32 $0.0e+00;
	s25 =	sshrl.u32 s20, $0x2;
	s26 =	simm.s32 $0x2780;
	s20 =	simm.s32 $0x19780  }
.LBB2_1:
0x1f: {  	s11 =	rddreg [dreg:$0x4];
	s14 =	simm.s32 $0x16780  }
0x20: {  	[tilespmem:s14], [sflag:$0x1] =	stream.linear.gather [hbm4b:s11+s2], $0x1000, $0x38;
	[tilespmem:$0x1A780] =	vst v63  }
0x21: {  	s16 =	rddreg [dreg:$0x5];
	s17 =	simm.s32 $0x18780  }
0x22: {  	[tilespmem:s17], [sflag:$0x3] =	stream.linear.gather [hbm4b:s16+s2], $0x1000, $0x38;
	[tilespmem:$0x1A780] =	vst v63  }
0x23: {  	s14 =	rddreg [dreg:$0x6]  }
0x24: {  	[tilespmem:s2], [sflag:$0x5] =	stream.strided.gather [hbm4b:s14+s22], $0x2780, s23, s22, $0x38;
	[tilespmem:$0x1A780] =	vst v63  }
0x25: {  	_ =	swait.ge [sflag:s24], $0x2780  }
0x26: {  	[sflag:s24] =	ssyncset.done $0x0  }
0x27: {  	s15 =	rddreg [dreg:$0x7];
	[sflag:s24] =	ssyncadd.s32 $0xFFFFD880  }
0x28: {  	[tilespmem:s26], [sflag:$0x5] =	stream.strided.gather [hbm4b:s15+s22], $0x2780, s23, s22, $0x38;
	[tilespmem:$0x1A780] =	vst v63  }
0x29: {  	_ =	swait.ge [sflag:s24], $0x2780  }
0x2a: {  	[sflag:s24] =	ssyncset.done $0x0  }
0x2b: {  	s17 =	simm.s32 $0x7680;
	s16 =	rddreg [dreg:$0x3];
	[sflag:s24] =	ssyncadd.s32 $0xFFFFD880  }
0x2c: {  	[tilespmem:s17], [sflag:$0x5] =	stream.linear.gather [hbm4b:s16+s2], $0x400, $0x38;
	[tilespmem:$0x1A780] =	vst v63  }
0x2d: {  	_ =	swait.ge [sflag:s24], $0x400  }
0x2e: {  	[sflag:s24] =	ssyncset.done $0x0  }
0x2f: {  	s11 =	simm.s32 $0x4F20;
	[sflag:s24] =	ssyncadd.s32 $0xFFFFFC00  }
0x30: {  	v1 =	vld [tilespmem:s25+$0x7680];
	[tilespmem:s11+$0xFFFFFFE0] =	vst v0  }
0x31: {  	[tilespmem:s11+$0x10] =	vst v0  }
0x32: {  	s14 =	simm.s32 $0x0;
	[tilespmem:s11+$0x0] =	vst v0  }
.LBB2_2:
0x33: {  	s14 =	sadd.s32 $0x4, s14  }
0x34: {  	[tilespmem:s11+$0xFFFFFFF0] =	vst v0;
	s11 =	sadd.s32 $0x40, s11;
	p0 =	slt.u32 s14, $0x26C  }
.Ltmp0:
0x35: {  	[tilespmem:s11+$0xFFFFFFE0] =	vst v0;
	(pc) =	sbr.rel @p0 .LBB2_2-.Ltmp0, $3  }
0x36: {  	_ =	sdelay $0x1  }
0x37: {  	[tilespmem:s11+$0x10] =	vst v0  }
0x38: {  	[tilespmem:s11+$0x0] =	vst v0  }
0x39: {  	[tilespmem:s11+$0xFFFFFFF0] =	vst v0;
	s11 =	simm.s32 $0x0  }
.LBB2_4:
0x3a: {  	p0 =	sne.s32 s11, $0x40  }
.Ltmp1:
0x3b: {  	_ = 	snop;
	(pc) =	sbr.rel @p0 .LBB2_4-.Ltmp1, $3  }
0x3c: {  	_ =	sdelay $0x1  }
0x3d: {  	s14 =	sshra.s32 s11, $0x2  }
0x3e: {  	s11 =	sadd.s32 $0x40, s11;
	[tilespmem:s14+$0x7600] =	vst v0  }
0x3f: {  	s11 =	rddreg [dreg:$0x8]  }
0x40: {  	[tilespmem:s29], [sflag:$0x5] =	stream.strided.gather [hbm4b:s11+s22], $0x2780, s23, s22, $0x38;
	[tilespmem:$0x1A780] =	vst v63  }
0x41: {  	_ =	swait.ge [sflag:s24], $0x2780  }
0x42: {  	[sflag:s24] =	ssyncset.done $0x0  }
0x43: {  	s17 =	rddreg [dreg:$0x9];
	[sflag:s24] =	ssyncadd.s32 $0xFFFFD880  }
0x44: {  	[tilespmem:s30], [sflag:$0x5] =	stream.strided.gather [hbm4b:s17+s22], $0x2780, s23, s22, $0x38;
	[tilespmem:$0x1A780] =	vst v63  }
0x45: {  	_ =	swait.ge [sflag:s24], $0x2780  }
0x46: {  	[sflag:s24] =	ssyncset.done $0x0  }
0x47: {  	s11 =	simm.s32 $0x7AA0;
	[sflag:s24] =	ssyncadd.s32 $0xFFFFD880  }
0x48: {  	[tilespmem:s11+$0xFFFFFFE0] =	vst v0  }
0x49: {  	[tilespmem:s11+$0x10] =	vst v0  }
0x4a: {  	s14 =	simm.s32 $0x0;
	[tilespmem:s11+$0x0] =	vst v0  }
.LBB2_6:
0x4b: {  	s14 =	sadd.s32 $0x4, s14  }
0x4c: {  	[tilespmem:s11+$0xFFFFFFF0] =	vst v0;
	s11 =	sadd.s32 $0x40, s11;
	p0 =	slt.u32 s14, $0x26C  }
.Ltmp2:
0x4d: {  	[tilespmem:s11+$0xFFFFFFE0] =	vst v0;
	(pc) =	sbr.rel @p0 .LBB2_6-.Ltmp2, $3  }
0x4e: {  	_ =	sdelay $0x1  }
0x4f: {  	[tilespmem:s11+$0x10] =	vst v0  }
0x50: {  	[tilespmem:s11+$0x0] =	vst v0  }
0x51: {  	[tilespmem:s11+$0xFFFFFFF0] =	vst v0;
	s11 =	simm.s32 $0x0  }
.LBB2_8:
0x52: {  	p0 =	sne.s32 s11, $0x40  }
.Ltmp3:
0x53: {  	_ = 	snop;
	(pc) =	sbr.rel @p0 .LBB2_8-.Ltmp3, $3  }
0x54: {  	_ =	sdelay $0x1  }
0x55: {  	s14 =	sshra.s32 s11, $0x2  }
0x56: {  	s11 =	sadd.s32 $0x40, s11;
	[tilespmem:s14+$0xA180] =	vst v0  }
0x57: {  	s11 =	simm.s32 $0xA220  }
0x58: {  	[tilespmem:s11+$0xFFFFFFE0] =	vst v0  }
0x59: {  	[tilespmem:s11+$0x10] =	vst v0  }
0x5a: {  	s14 =	simm.s32 $0x0;
	[tilespmem:s11+$0x0] =	vst v0  }
.LBB2_10:
0x5b: {  	s14 =	sadd.s32 $0x4, s14  }
0x5c: {  	[tilespmem:s11+$0xFFFFFFF0] =	vst v0;
	s11 =	sadd.s32 $0x40, s11;
	p0 =	slt.u32 s14, $0x26C  }
.Ltmp4:
0x5d: {  	[tilespmem:s11+$0xFFFFFFE0] =	vst v0;
	(pc) =	sbr.rel @p0 .LBB2_10-.Ltmp4, $3  }
0x5e: {  	_ =	sdelay $0x1  }
0x5f: {  	[tilespmem:s11+$0x10] =	vst v0  }
0x60: {  	[tilespmem:s11+$0x0] =	vst v0  }
0x61: {  	[tilespmem:s11+$0xFFFFFFF0] =	vst v0;
	s11 =	simm.s32 $0x0  }
.LBB2_12:
0x62: {  	p0 =	sne.s32 s11, $0x40  }
.Ltmp5:
0x63: {  	_ = 	snop;
	(pc) =	sbr.rel @p0 .LBB2_12-.Ltmp5, $3  }
0x64: {  	_ =	sdelay $0x1  }
0x65: {  	s14 =	sshra.s32 s11, $0x2  }
0x66: {  	s11 =	sadd.s32 $0x40, s11;
	[tilespmem:s14+$0xC900] =	vst v0  }
0x67: {  	s11 =	simm.s32 $0xC9A0  }
0x68: {  	[tilespmem:s11+$0xFFFFFFE0] =	vst v0  }
0x69: {  	[tilespmem:s11+$0x10] =	vst v0  }
0x6a: {  	s14 =	simm.s32 $0x0;
	[tilespmem:s11+$0x0] =	vst v0  }
.LBB2_14:
0x6b: {  	s14 =	sadd.s32 $0x4, s14  }
0x6c: {  	[tilespmem:s11+$0xFFFFFFF0] =	vst v0;
	s11 =	sadd.s32 $0x40, s11;
	p0 =	slt.u32 s14, $0x26C  }
.Ltmp6:
0x6d: {  	[tilespmem:s11+$0xFFFFFFE0] =	vst v0;
	(pc) =	sbr.rel @p0 .LBB2_14-.Ltmp6, $3  }
0x6e: {  	_ =	sdelay $0x1  }
0x6f: {  	[tilespmem:s11+$0x10] =	vst v0  }
0x70: {  	[tilespmem:s11+$0x0] =	vst v0  }
0x71: {  	[tilespmem:s11+$0xFFFFFFF0] =	vst v0;
	s11 =	simm.s32 $0x0  }
.LBB2_16:
0x72: {  	p0 =	sne.s32 s11, $0x40  }
.Ltmp7:
0x73: {  	_ = 	snop;
	(pc) =	sbr.rel @p0 .LBB2_16-.Ltmp7, $3  }
0x74: {  	_ =	sdelay $0x1  }
0x75: {  	s14 =	sshra.s32 s11, $0x2  }
0x76: {  	s11 =	sadd.s32 $0x40, s11;
	[tilespmem:s14+$0xF080] =	vst v0  }
0x77: {  	s11 =	simm.s32 $0xF120  }
0x78: {  	[tilespmem:s11+$0xFFFFFFE0] =	vst v0  }
0x79: {  	[tilespmem:s11+$0x10] =	vst v0  }
0x7a: {  	s14 =	simm.s32 $0x0;
	[tilespmem:s11+$0x0] =	vst v0  }
.LBB2_18:
0x7b: {  	s14 =	sadd.s32 $0x4, s14  }
0x7c: {  	[tilespmem:s11+$0xFFFFFFF0] =	vst v0;
	s11 =	sadd.s32 $0x40, s11;
	p0 =	slt.u32 s14, $0x26C  }
.Ltmp8:
0x7d: {  	[tilespmem:s11+$0xFFFFFFE0] =	vst v0;
	(pc) =	sbr.rel @p0 .LBB2_18-.Ltmp8, $3  }
0x7e: {  	_ =	sdelay $0x1  }
0x7f: {  	[tilespmem:s11+$0x10] =	vst v0  }
0x80: {  	[tilespmem:s11+$0x0] =	vst v0  }
0x81: {  	[tilespmem:s11+$0xFFFFFFF0] =	vst v0;
	s11 =	simm.s32 $0x0;
	s14 =	simm.s32 $0x0  }
.LBB2_20:
0x82: {  	p0 =	sne.s32 s14, $0x40  }
.Ltmp9:
0x83: {  	_ = 	snop;
	(pc) =	sbr.rel @p0 .LBB2_20-.Ltmp9, $3  }
0x84: {  	_ =	sdelay $0x1  }
0x85: {  	s15 =	sshra.s32 s14, $0x2  }
0x86: {  	s14 =	sadd.s32 $0x40, s14;
	[tilespmem:s15+$0x11800] =	vst v0  }
.LBB2_21:
0x87: {  	_ =	swait.ge [sflag:s31], $0x1000  }
0x88: {  	[sflag:s31] =	ssyncset.done $0x0  }
0x89: {  	s14 =	sshll.u32 s11, $0xD;
	[sflag:s31] =	ssyncadd.s32 $0xFFFFF000  }
0x8a: {  	s15 =	sadd.s32 s14, s12;
	_ =	swait.ge [sflag:s1], $0x1000  }
0x8b: {  	s15 =	sshrl.u32 s15, $0x3;
	[sflag:s1] =	ssyncset.done $0x0  }
0x8c: {  	s16 =	sadd.s32 s3, s15;
	[sflag:s1] =	ssyncadd.s32 $0xFFFFF000  }
0x8d: {  	[tilespmem:s0], [sflag:$0x2] =	stream.linear.gather [hbm4b:s16+s2], $0x1000, $0x38;
	[tilespmem:$0x1A780] =	vst v63  }
0x8e: {  	s15 =	sadd.s32 s4, s15  }
0x8f: {  	[tilespmem:s20], [sflag:$0x4] =	stream.linear.gather [hbm4b:s15+s2], $0x1000, $0x38;
	[tilespmem:$0x1A780] =	vst v63  }
0x90: {  	s15 =	simm.s32 $0x167A0  }
0x91: {  	s17 =	simm.s32 $0x187A0;
	v4 =	vld [tilespmem:s15+$0x10]  }
0x92: {  	v7 =	vld [tilespmem:s17+$0x10];
	_ =	sdelay $0x4  }
0x93: {  	v8 =	vld [tilespmem:s15+$0xFFFFFFF0]  }
0x94: {  	v17 =	vld [tilespmem:s17+$0xFFFFFFF0]  }
0x95: {  	v2 =	vld.idx.msk [tilespmem:v4+s2+$0x0], $0xffff  }
0x96: {  	v3 =	vld.idx.msk [tilespmem:v7+s26+$0x0], $0xffff;
	_ =	sdelay $0x4  }
0x97: {  	v2 =	vadd.f32 v3, v2;
	_ =	sdelay $0x1  }
0x98: {  	v6 =	vld.idx.msk [tilespmem:v17+s26+$0x0], $0xffff;
	v5 =	vmul.f32 $2.000000030e-01, v2  }
0x99: {  	v3 =	vld.idx.msk [tilespmem:v8+s2+$0x0], $0xffff  }
0x9a: {  	v2 =	vmax.f32 v2, v5  }
0x9b: {  	v2 =	vsub.f32 v2, v1;
	_ =	sdelay $0x1  }
0x9c: {  	v2 =	vmul.f32 $1.442695020e+00, v2  }
0x9d: {  	v9 =	vld [tilespmem:s15+$0xFFFFFFE0];
	v3 =	vadd.f32 v6, v3  }
0x9e: {  	v18 =	vld [tilespmem:s17+$0xFFFFFFE0];
	(erf) = vpow2.f32 v2  }
0x9f: {  	v19 =	vld [tilespmem:s15+$0x0];
	v2 =	vmul.f32 $2.000000030e-01, v3;
	_ =	sdelay $0x1  }
0xa0: {  	v3 =	vmax.f32 v3, v2;
	v2 =	vld [tilespmem:s17+$0x0];
	_ =	sdelay $0x1  }
0xa1: {  	v3 =	vsub.f32 v3, v1;
	_ =	sdelay $0x1  }
0xa2: {  	v12 =	vld.idx.msk [tilespmem:v9+s2+$0x0], $0xffff;
	v3 =	vmul.f32 $1.442695020e+00, v3  }
0xa3: {  	v5 =	vld.idx.msk [tilespmem:v18+s26+$0x0], $0xffff  }
0xa4: {  	(erf) = vpow2.f32 v3;
	v3 =	vld.idx.msk [tilespmem:v19+s2+$0x0], $0xffff;
	v10 =	vpop (erf)  }
0xa5: {  	[tilespmem:v7+s21+$0x0] =	vst.idx.add.f32.msk $0xffff, v10  }
0xa6: {  	v11 =	vld.idx.msk [tilespmem:v2+s26+$0x0], $0xffff  }
0xa7: {  	s17 =	simm.s32 $0x187E0;
	v6 =	vld.idx.msk [tilespmem:v4+s29+$0x0], $0xffff  }
0xa8: {  	v16 =	vld [tilespmem:s17+$0x10]  }
0xa9: {  	s15 =	simm.s32 $0x167E0  }
0xaa: {  	v14 =	vld [tilespmem:s15+$0x10];
	_ =	sdelay $0x1  }
0xab: {  	v3 =	vadd.f32 v11, v3;
	v13 =	vunpack.i.l.bf16.f32 v6  }
0xac: {  	v22 =	vld [tilespmem:s15+$0xFFFFFFE0];
	v5 =	vadd.f32 v5, v12;
	v11 =	vmul.f32 v10, v13  }
0xad: {  	v23 =	vld [tilespmem:s15+$0xFFFFFFF0];
	v12 =	vmul.f32 $2.000000030e-01, v3  }
0xae: {  	[tilespmem:v7+s28+$0x0] =	vst.idx.add.f32.msk $0xffff, v11;
	v11 =	vmul.f32 $2.000000030e-01, v5  }
0xaf: {  	v6 =	vunpack.i.u.bf16.f32 v6;
	v13 =	vld.idx.msk [tilespmem:v16+s26+$0x0], $0xffff;
	v12 =	vmax.f32 v3, v12  }
0xb0: {  	v6 =	vmul.f32 v10, v6;
	v3 =	vld [tilespmem:s17+$0xFFFFFFF0];
	v5 =	vmax.f32 v5, v11;
	v11 =	vsub.f32 v12, v1  }
0xb1: {  	v12 =	vld.idx.msk [tilespmem:v14+s2+$0x0], $0xffff;
	v5 =	vsub.f32 v5, v1  }
0xb2: {  	[tilespmem:v7+s5+$0x0] =	vst.idx.add.f32.msk $0xffff, v6;
	v11 =	vmul.f32 $1.442695020e+00, v11  }
0xb3: {  	v15 =	vld.idx.msk [tilespmem:v4+s30+$0x0], $0xffff;
	v6 =	vmul.f32 $1.442695020e+00, v5  }
0xb4: {  	v26 =	vld.idx.msk [tilespmem:v22+s2+$0x0], $0xffff;
	v20 =	vpop (erf);
	(erf) = vpow2.f32 v11  }
0xb5: {  	[tilespmem:v17+s21+$0x0] =	vst.idx.add.f32.msk $0xffff, v20;
	(erf) = vpow2.f32 v6  }
0xb6: {  	v24 =	vld.idx.msk [tilespmem:v8+s29+$0x0], $0xffff;
	v12 =	vadd.f32 v13, v12  }
0xb7: {  	v11 =	vld.idx.msk [tilespmem:v23+s2+$0x0], $0xffff  }
0xb8: {  	v21 =	vunpack.i.l.bf16.f32 v15;
	v13 =	vld.idx.msk [tilespmem:v3+s26+$0x0], $0xffff;
	v25 =	vmul.f32 $2.000000030e-01, v12  }
0xb9: {  	v4 =	vld [tilespmem:s17+$0x0];
	v21 =	vmul.f32 v21, v10  }
0xba: {  	v5 =	vld [tilespmem:s17+$0xFFFFFFE0];
	v15 =	vunpack.i.u.bf16.f32 v15;
	v12 =	vmax.f32 v12, v25  }
0xbb: {  	v6 =	vld [tilespmem:s15+$0x0];
	v10 =	vmul.f32 v15, v10;
	v15 =	vunpack.i.l.bf16.f32 v24;
	v12 =	vsub.f32 v12, v1  }
0xbc: {  	v15 =	vmul.f32 v20, v15;
	[tilespmem:v7+s6+$0x0] =	vst.idx.add.f32.msk $0xffff, v21  }
0xbd: {  	v24 =	vunpack.i.u.bf16.f32 v24;
	[tilespmem:v7+s7+$0x0] =	vst.idx.add.f32.msk $0xffff, v10;
	v7 =	vadd.f32 v13, v11;
	v11 =	vmul.f32 $1.442695020e+00, v12;
	v21 =	vpop (erf)  }
0xbe: {  	v24 =	vmul.f32 v20, v24;
	[tilespmem:v17+s28+$0x0] =	vst.idx.add.f32.msk $0xffff, v15;
	v25 =	vpop (erf)  }
0xbf: {  	v13 =	vmul.f32 $2.000000030e-01, v7;
	(erf) = vpow2.f32 v11;
	[tilespmem:v18+s21+$0x0] =	vst.idx.add.f32.msk $0xffff, v25  }
0xc0: {  	v11 =	vld.idx.msk [tilespmem:v9+s29+$0x0], $0xffff  }
0xc1: {  	[tilespmem:v17+s5+$0x0] =	vst.idx.add.f32.msk $0xffff, v24;
	v7 =	vmax.f32 v7, v13  }
0xc2: {  	v10 =	vld.idx.msk [tilespmem:v5+s26+$0x0], $0xffff;
	v7 =	vsub.f32 v7, v1  }
0xc3: {  	v24 =	vld.idx.msk [tilespmem:v8+s30+$0x0], $0xffff  }
0xc4: {  	[tilespmem:v2+s21+$0x0] =	vst.idx.add.f32.msk $0xffff, v21;
	v7 =	vmul.f32 $1.442695020e+00, v7  }
0xc5: {  	v27 =	vld.idx.msk [tilespmem:v19+s29+$0x0], $0xffff;
	v15 =	vunpack.i.l.bf16.f32 v11  }
0xc6: {  	v12 =	vld.idx.msk [tilespmem:v6+s2+$0x0], $0xffff;
	(erf) = vpow2.f32 v7;
	v7 =	vmul.f32 v25, v15  }
0xc7: {  	v13 =	vld.idx.msk [tilespmem:v4+s26+$0x0], $0xffff  }
0xc8: {  	v8 =	vunpack.i.u.bf16.f32 v11;
	v11 =	vpop (erf);
	[tilespmem:v18+s28+$0x0] =	vst.idx.add.f32.msk $0xffff, v7  }
0xc9: {  	v8 =	vmul.f32 v25, v8;
	[tilespmem:v16+s21+$0x0] =	vst.idx.add.f32.msk $0xffff, v11  }
0xca: {  	v15 =	vunpack.i.u.bf16.f32 v27;
	v7 =	vunpack.i.l.bf16.f32 v27;
	v27 =	vld.idx.msk [tilespmem:v14+s29+$0x0], $0xffff  }
0xcb: {  	[tilespmem:v18+s5+$0x0] =	vst.idx.add.f32.msk $0xffff, v8  }
0xcc: {  	s15 =	simm.s32 $0x18820;
	v28 =	vld.idx.msk [tilespmem:v9+s30+$0x0], $0xffff  }
0xcd: {  	s17 =	simm.s32 $0x16820;
	v7 =	vmul.f32 v21, v7;
	v9 =	vadd.f32 v13, v12;
	v13 =	vld [tilespmem:s15+$0x10]  }
0xce: {  	v15 =	vmul.f32 v21, v15;
	v12 =	vld [tilespmem:s17+$0xFFFFFFF0]  }
0xcf: {  	[tilespmem:v2+s28+$0x0] =	vst.idx.add.f32.msk $0xffff, v7  }
0xd0: {  	[tilespmem:v2+s5+$0x0] =	vst.idx.add.f32.msk $0xffff, v15  }
0xd1: {  	v15 =	vld [tilespmem:s17+$0x10];
	v29 =	vpop (erf);
	v7 =	vunpack.i.l.bf16.f32 v27  }
0xd2: {  	[tilespmem:v3+s21+$0x0] =	vst.idx.add.f32.msk $0xffff, v29;
	v8 =	vunpack.i.u.bf16.f32 v27;
	v7 =	vmul.f32 v11, v7  }
0xd3: {  	v30 =	vld.idx.msk [tilespmem:v23+s29+$0x0], $0xffff;
	v8 =	vmul.f32 v11, v8  }
0xd4: {  	v10 =	vadd.f32 v10, v26;
	[tilespmem:v16+s28+$0x0] =	vst.idx.add.f32.msk $0xffff, v7;
	v7 =	vmul.f32 $2.000000030e-01, v9  }
0xd5: {  	[tilespmem:v16+s5+$0x0] =	vst.idx.add.f32.msk $0xffff, v8  }
0xd6: {  	v8 =	vmul.f32 $2.000000030e-01, v10;
	v14 =	vld.idx.msk [tilespmem:v14+s30+$0x0], $0xffff;
	v7 =	vmax.f32 v9, v7  }
0xd7: {  	v31 =	vld.idx.msk [tilespmem:v13+s26+$0x0], $0xffff;
	v7 =	vsub.f32 v7, v1  }
0xd8: {  	v9 =	vmax.f32 v10, v8;
	v8 =	vld [tilespmem:s15+$0xFFFFFFF0]  }
0xd9: {  	v27 =	vld.idx.msk [tilespmem:v15+s2+$0x0], $0xffff;
	v10 =	vsub.f32 v9, v1;
	v26 =	vmul.f32 $1.442695020e+00, v7  }
0xda: {  	v9 =	vld [tilespmem:s17+$0x0]  }
0xdb: {  	v7 =	vld [tilespmem:s15+$0x0];
	v10 =	vmul.f32 $1.442695020e+00, v10;
	(erf) = vpow2.f32 v26;
	v26 =	vunpack.i.l.bf16.f32 v14  }
0xdc: {  	v32 =	vunpack.i.u.bf16.f32 v14;
	v14 =	vld [tilespmem:s17+$0xFFFFFFE0];
	v26 =	vmul.f32 v26, v11  }
0xdd: {  	(erf) = vpow2.f32 v10;
	v10 =	vld [tilespmem:s15+$0xFFFFFFE0]  }
0xde: {  	v11 =	vmul.f32 v32, v11;
	[tilespmem:v16+s6+$0x0] =	vst.idx.add.f32.msk $0xffff, v26  }
0xdf: {  	v26 =	vld.idx.msk [tilespmem:v12+s2+$0x0], $0xffff  }
0xe0: {  	[tilespmem:v16+s7+$0x0] =	vst.idx.add.f32.msk $0xffff, v11  }
0xe1: {  	v16 =	vadd.f32 v31, v27;
	v27 =	vld.idx.msk [tilespmem:v8+s26+$0x0], $0xffff  }
0xe2: {  	v62 =	vunpack.i.u.bf16.f32 v24;
	v24 =	vunpack.i.l.bf16.f32 v24;
	v31 =	vld.idx.msk [tilespmem:v9+s2+$0x0], $0xffff  }
0xe3: {  	v24 =	vmul.f32 v24, v20;
	v61 =	vmul.f32 $2.000000030e-01, v16;
	v33 =	vld.idx.msk [tilespmem:v7+s26+$0x0], $0xffff;
	_ =	sdelay $0x1  }
0xe4: {  	[tilespmem:v17+s6+$0x0] =	vst.idx.add.f32.msk $0xffff, v24;
	v32 =	vmax.f32 v16, v61  }
0xe5: {  	v35 =	vld.idx.msk [tilespmem:v14+s2+$0x0], $0xffff;
	v11 =	vpop (erf);
	v26 =	vadd.f32 v27, v26;
	v27 =	vunpack.i.u.bf16.f32 v30;
	v30 =	vunpack.i.l.bf16.f32 v30  }
0xe6: {  	v34 =	vld.idx.msk [tilespmem:v10+s26+$0x0], $0xffff;
	v32 =	vsub.f32 v32, v1;
	v16 =	vpop (erf);
	v30 =	vmul.f32 v29, v30  }
0xe7: {  	v27 =	vmul.f32 v29, v27;
	[tilespmem:v5+s21+$0x0] =	vst.idx.add.f32.msk $0xffff, v16;
	v31 =	vadd.f32 v33, v31  }
0xe8: {  	v32 =	vmul.f32 $1.442695020e+00, v32;
	v37 =	vmul.f32 $2.000000030e-01, v26;
	v36 =	vld.idx.msk [tilespmem:v22+s29+$0x0], $0xffff  }
0xe9: {  	v63 =	vunpack.i.l.bf16.f32 v28;
	[tilespmem:v3+s28+$0x0] =	vst.idx.add.f32.msk $0xffff, v30;
	v30 =	vmul.f32 $2.000000030e-01, v31  }
0xea: {  	(erf) = vpow2.f32 v32;
	v26 =	vmax.f32 v26, v37;
	[tilespmem:v3+s5+$0x0] =	vst.idx.add.f32.msk $0xffff, v27;
	v27 =	vunpack.i.u.bf16.f32 v28  }
0xeb: {  	v28 =	vmul.f32 v63, v25;
	v26 =	vsub.f32 v26, v1;
	v30 =	vmax.f32 v31, v30  }
0xec: {  	v25 =	vmul.f32 v27, v25;
	v27 =	vsub.f32 v30, v1;
	v30 =	vadd.f32 v34, v35  }
0xed: {  	v20 =	vmul.f32 v62, v20;
	[tilespmem:v18+s6+$0x0] =	vst.idx.add.f32.msk $0xffff, v28;
	v26 =	vmul.f32 $1.442695020e+00, v26  }
0xee: {  	[tilespmem:v18+s7+$0x0] =	vst.idx.add.f32.msk $0xffff, v25;
	v18 =	vmul.f32 $1.442695020e+00, v27;
	v25 =	vmul.f32 $2.000000030e-01, v30  }
0xef: {  	[tilespmem:v17+s7+$0x0] =	vst.idx.add.f32.msk $0xffff, v20;
	v28 =	vunpack.i.l.bf16.f32 v36;
	v17 =	vunpack.i.u.bf16.f32 v36;
	(erf) = vpow2.f32 v26  }
0xf0: {  	[tilespmem:v4+s21+$0x0] =	vst.idx.add.f32.msk $0xffff, v11;
	v24 =	vmul.f32 v16, v28;
	(erf) = vpow2.f32 v18;
	v18 =	vmax.f32 v30, v25  }
0xf1: {  	v38 =	vld.idx.msk [tilespmem:v6+s29+$0x0], $0xffff;
	v17 =	vmul.f32 v16, v17;
	v18 =	vsub.f32 v18, v1  }
0xf2: {  	[tilespmem:v5+s28+$0x0] =	vst.idx.add.f32.msk $0xffff, v24  }
0xf3: {  	[tilespmem:v5+s5+$0x0] =	vst.idx.add.f32.msk $0xffff, v17;
	v17 =	vmul.f32 $1.442695020e+00, v18  }
0xf4: {  	v23 =	vld.idx.msk [tilespmem:v23+s30+$0x0], $0xffff  }
0xf5: {  	v19 =	vld.idx.msk [tilespmem:v19+s30+$0x0], $0xffff;
	v26 =	vpop (erf);
	(erf) = vpow2.f32 v17  }
0xf6: {  	v20 =	vunpack.i.l.bf16.f32 v38  }
0xf7: {  	v20 =	vmul.f32 v11, v20;
	[tilespmem:v13+s21+$0x0] =	vst.idx.add.f32.msk $0xffff, v26  }
0xf8: {  	v24 =	vunpack.i.u.bf16.f32 v38;
	v28 =	vld.idx.msk [tilespmem:v15+s29+$0x0], $0xffff  }
0xf9: {  	[tilespmem:v4+s28+$0x0] =	vst.idx.add.f32.msk $0xffff, v20;
	v20 =	vunpack.i.l.bf16.f32 v23;
	v24 =	vmul.f32 v11, v24  }
0xfa: {  	v27 =	vld.idx.msk [tilespmem:v22+s30+$0x0], $0xffff;
	v18 =	vunpack.i.u.bf16.f32 v23;
	v23 =	vunpack.i.u.bf16.f32 v19;
	v19 =	vunpack.i.l.bf16.f32 v19  }
0xfb: {  	[tilespmem:v4+s5+$0x0] =	vst.idx.add.f32.msk $0xffff, v24;
	v24 =	vmul.f32 v20, v29;
	v25 =	vmul.f32 v18, v29;
	v17 =	vpop (erf)  }
0xfc: {  	v20 =	vmov v7;
	v22 =	vmul.f32 v19, v21;
	v21 =	vmul.f32 v23, v21;
	[tilespmem:v8+s21+$0x0] =	vst.idx.add.f32.msk $0xffff, v17  }
0xfd: {  	s16 =	simm.s32 $0x8;
	s17 =	simm.s32 $0x16860;
	v23 =	vmov v10;
	v19 =	vmov v7;
	v29 =	vld.idx.msk [tilespmem:v12+s29+$0x0], $0xffff;
	v30 =	vunpack.i.l.bf16.f32 v28;
	v18 =	vpop (erf)  }
.LBB2_22:
0xfe: {  	v31 =	vld [tilespmem:s17+$0x10];
	v28 =	vunpack.i.u.bf16.f32 v28;
	v30 =	vmul.f32 v26, v30;
	s15 =	sadd.s32 $0x40, s15;
	v32 =	vpop (erf)  }
0xff: {  	v33 =	vld [tilespmem:s15+$0x10];
	v28 =	vmul.f32 v26, v28  }
0x100: {  	[tilespmem:v13+s28+$0x0] =	vst.idx.add.f32.msk $0xffff, v30  }
0x101: {  	[tilespmem:v13+s5+$0x0] =	vst.idx.add.f32.msk $0xffff, v28;
	v28 =	vunpack.i.u.bf16.f32 v27;
	v27 =	vunpack.i.l.bf16.f32 v27  }
0x102: {  	v30 =	vld.idx.msk [tilespmem:v15+s30+$0x0], $0xffff;
	v27 =	vmul.f32 v27, v16;
	v28 =	vmul.f32 v28, v16;
	v16 =	vmov v32  }
0x103: {  	s16 =	sadd.s32 $0x4, s16;
	v34 =	vunpack.i.u.bf16.f32 v29;
	v29 =	vunpack.i.l.bf16.f32 v29;
	v32 =	vld [tilespmem:s15+$0xFFFFFFE0];
	v15 =	vmov v31  }
0x104: {  	p0 =	slt.u32 s16, $0xFC;
	v29 =	vmul.f32 v17, v29;
	v34 =	vmul.f32 v17, v34;
	v31 =	vld [tilespmem:s17+$0xFFFFFFF0]  }
0x105: {  	v35 =	vld [tilespmem:s15+$0xFFFFFFF0]  }
0x106: {  	v36 =	vld [tilespmem:s17+$0x0]  }
0x107: {  	v37 =	vld [tilespmem:s15+$0x0]  }
0x108: {  	v39 =	vunpack.i.l.bf16.f32 v30;
	v38 =	vld.idx.msk [tilespmem:v15+s2+$0x0], $0xffff  }
0x109: {  	v30 =	vunpack.i.u.bf16.f32 v30;
	v39 =	vmul.f32 v39, v26;
	v40 =	vld.idx.msk [tilespmem:v33+s26+$0x0], $0xffff  }
0x10a: {  	v26 =	vmul.f32 v30, v26;
	v41 =	vld [tilespmem:s17+$0xFFFFFFE0]  }
0x10b: {  	[tilespmem:v13+s6+$0x0] =	vst.idx.add.f32.msk $0xffff, v39  }
0x10c: {  	[tilespmem:v13+s7+$0x0] =	vst.idx.add.f32.msk $0xffff, v26;
	v13 =	vmov v33  }
0x10d: {  	v26 =	vld.idx.msk [tilespmem:v32+s26+$0x0], $0xffff  }
0x10e: {  	v30 =	vld.idx.msk [tilespmem:v31+s2+$0x0], $0xffff  }
0x10f: {  	v38 =	vadd.f32 v40, v38;
	v33 =	vld.idx.msk [tilespmem:v35+s26+$0x0], $0xffff  }
0x110: {  	v39 =	vld.idx.msk [tilespmem:v36+s2+$0x0], $0xffff  }
0x111: {  	v42 =	vmul.f32 $2.000000030e-01, v38;
	v40 =	vld.idx.msk [tilespmem:v37+s26+$0x0], $0xffff  }
0x112: {  	v43 =	vld.idx.msk [tilespmem:v41+s2+$0x0], $0xffff  }
0x113: {  	v38 =	vmax.f32 v38, v42;
	[tilespmem:v10+s21+$0x0] =	vst.idx.add.f32.msk $0xffff, v16  }
0x114: {  	v38 =	vsub.f32 v38, v1;
	[tilespmem:v7+s21+$0x0] =	vst.idx.add.f32.msk $0xffff, v18  }
0x115: {  	v30 =	vadd.f32 v33, v30;
	v33 =	vld.idx.msk [tilespmem:v14+s29+$0x0], $0xffff  }
0x116: {  	v38 =	vmul.f32 $1.442695020e+00, v38;
	v42 =	vld.idx.msk [tilespmem:v9+s29+$0x0], $0xffff  }
0x117: {  	v44 =	vmul.f32 $2.000000030e-01, v30;
	v39 =	vadd.f32 v40, v39;
	[tilespmem:v8+s28+$0x0] =	vst.idx.add.f32.msk $0xffff, v29  }
0x118: {  	v26 =	vadd.f32 v26, v43;
	(erf) = vpow2.f32 v38;
	[tilespmem:v8+s5+$0x0] =	vst.idx.add.f32.msk $0xffff, v34  }
0x119: {  	v29 =	vmax.f32 v30, v44;
	v30 =	vmul.f32 $2.000000030e-01, v39;
	v34 =	vld.idx.msk [tilespmem:v12+s30+$0x0], $0xffff;
	v12 =	vmov v31  }
0x11a: {  	v31 =	vmul.f32 $2.000000030e-01, v26;
	v29 =	vsub.f32 v29, v1;
	v38 =	vld.idx.msk [tilespmem:v6+s30+$0x0], $0xffff;
	v6 =	vmovc v9;
	v9 =	vmov v36  }
0x11b: {  	v30 =	vmax.f32 v39, v30;
	v36 =	vunpack.i.u.bf16.f32 v33;
	v33 =	vunpack.i.l.bf16.f32 v33;
	[tilespmem:v5+s6+$0x0] =	vst.idx.add.f32.msk $0xffff, v27  }
0x11c: {  	v26 =	vmax.f32 v26, v31;
	v27 =	vmul.f32 $1.442695020e+00, v29;
	v29 =	vsub.f32 v30, v1;
	[tilespmem:v5+s7+$0x0] =	vst.idx.add.f32.msk $0xffff, v28  }
0x11d: {  	v30 =	vunpack.i.l.bf16.f32 v42;
	v26 =	vsub.f32 v26, v1;
	v28 =	vunpack.i.u.bf16.f32 v42;
	v5 =	vmovc v10;
	[tilespmem:v3+s6+$0x0] =	vst.idx.add.f32.msk $0xffff, v24  }
0x11e: {  	v10 =	vmovc v32;
	v24 =	vmul.f32 $1.442695020e+00, v29;
	(erf) = vpow2.f32 v27;
	[tilespmem:v3+s7+$0x0] =	vst.idx.add.f32.msk $0xffff, v25;
	v3 =	vmovc v8;
	v8 =	vmov v35  }
0x11f: {  	v25 =	vmul.f32 $1.442695020e+00, v26;
	v27 =	vmul.f32 v16, v33;
	v29 =	vunpack.i.u.bf16.f32 v34;
	[tilespmem:v2+s6+$0x0] =	vst.idx.add.f32.msk $0xffff, v22  }
0x120: {  	v31 =	vmul.f32 v16, v36;
	v22 =	vunpack.i.l.bf16.f32 v34;
	(erf) = vpow2.f32 v24;
	[tilespmem:v2+s7+$0x0] =	vst.idx.add.f32.msk $0xffff, v21;
	v2 =	vmovc v4  }
0x121: {  	v21 =	vunpack.i.u.bf16.f32 v38;
	(erf) = vpow2.f32 v25;
	v26 =	vpop (erf);
	[tilespmem:v23+s28+$0x0] =	vst.idx.add.f32.msk $0xffff, v27;
	v27 =	vmul.f32 v18, v30  }
0x122: {  	v33 =	vunpack.i.l.bf16.f32 v38;
	v24 =	vmul.f32 v22, v17;
	v30 =	vmul.f32 v18, v28;
	[tilespmem:v13+s21+$0x0] =	vst.idx.add.f32.msk $0xffff, v26  }
0x123: {  	v22 =	vmul.f32 v33, v11;
	v4 =	vmovc v7;
	v25 =	vmul.f32 v29, v17;
	v23 =	vmov v32;
	v28 =	vld.idx.msk [tilespmem:v15+s29+$0x0], $0xffff  }
0x124: {  	v7 =	vmov v37;
	v21 =	vmul.f32 v21, v11;
	v11 =	vmov v18;
	[tilespmem:v5+s5+$0x0] =	vst.idx.add.f32.msk $0xffff, v31  }
.Ltmp10:
0x125: {  	[tilespmem:v19+s28+$0x0] =	vst.idx.add.f32.msk $0xffff, v27;
	v19 =	vmov v37;
	(pc) =	sbr.rel @p0 .LBB2_22-.Ltmp10, $4  }
0x126: {  	[tilespmem:v20+s5+$0x0] =	vst.idx.add.f32.msk $0xffff, v30;
	v20 =	vmov v37  }
0x127: {  	v17 =	vpop (erf);
	v27 =	vld.idx.msk [tilespmem:v14+s30+$0x0], $0xffff;
	v14 =	vmov v41  }
0x128: {  	[tilespmem:v35+s21+$0x0] =	vst.idx.add.f32.msk $0xffff, v17  }
0x129: {  	s17 =	sadd.s32 $0x40, s17;
	v30 =	vunpack.i.l.bf16.f32 v28;
	v29 =	vld.idx.msk [tilespmem:v12+s29+$0x0], $0xffff;
	v18 =	vpop (erf)  }
0x12a: {  	_ =	sdelay $0x1  }
0x12b: {  	v28 =	vunpack.i.u.bf16.f32 v28;
	v30 =	vmul.f32 v26, v30  }
0x12c: {  	v28 =	vmul.f32 v26, v28  }
0x12d: {  	[tilespmem:v13+s28+$0x0] =	vst.idx.add.f32.msk $0xffff, v30  }
0x12e: {  	[tilespmem:v13+s5+$0x0] =	vst.idx.add.f32.msk $0xffff, v28  }
0x12f: {  	v15 =	vld.idx.msk [tilespmem:v15+s30+$0x0], $0xffff;
	_ =	sdelay $0x4  }
0x130: {  	v28 =	vunpack.i.l.bf16.f32 v15;
	v15 =	vunpack.i.u.bf16.f32 v15  }
0x131: {  	[tilespmem:v7+s21+$0x0] =	vst.idx.add.f32.msk $0xffff, v18;
	v28 =	vmul.f32 v28, v26;
	v15 =	vmul.f32 v15, v26;
	v26 =	vpop (erf)  }
0x132: {  	[tilespmem:v10+s21+$0x0] =	vst.idx.add.f32.msk $0xffff, v26  }
0x133: {  	[tilespmem:v13+s6+$0x0] =	vst.idx.add.f32.msk $0xffff, v28  }
0x134: {  	v28 =	vld.idx.msk [tilespmem:v14+s29+$0x0], $0xffff  }
0x135: {  	[tilespmem:v13+s7+$0x0] =	vst.idx.add.f32.msk $0xffff, v15;
	v13 =	vunpack.i.l.bf16.f32 v29  }
0x136: {  	v6 =	vld.idx.msk [tilespmem:v6+s30+$0x0], $0xffff;
	v15 =	vunpack.i.u.bf16.f32 v29;
	v13 =	vmul.f32 v17, v13  }
0x137: {  	[tilespmem:v3+s6+$0x0] =	vst.idx.add.f32.msk $0xffff, v24;
	v15 =	vmul.f32 v17, v15  }
0x138: {  	[tilespmem:v8+s28+$0x0] =	vst.idx.add.f32.msk $0xffff, v13;
	v13 =	vunpack.i.l.bf16.f32 v27  }
0x139: {  	[tilespmem:v8+s5+$0x0] =	vst.idx.add.f32.msk $0xffff, v15;
	v15 =	vunpack.i.u.bf16.f32 v27;
	v13 =	vmul.f32 v13, v16  }
0x13a: {  	v29 =	vld.idx.msk [tilespmem:v9+s29+$0x0], $0xffff;
	v15 =	vmul.f32 v15, v16;
	v16 =	vunpack.i.l.bf16.f32 v28  }
0x13b: {  	v27 =	vunpack.i.u.bf16.f32 v28;
	[tilespmem:v5+s6+$0x0] =	vst.idx.add.f32.msk $0xffff, v13;
	v13 =	vmul.f32 v26, v16  }
0x13c: {  	[tilespmem:v5+s7+$0x0] =	vst.idx.add.f32.msk $0xffff, v15;
	v5 =	vmul.f32 v26, v27  }
0x13d: {  	[tilespmem:v23+s28+$0x0] =	vst.idx.add.f32.msk $0xffff, v13  }
0x13e: {  	[tilespmem:v10+s5+$0x0] =	vst.idx.add.f32.msk $0xffff, v5  }
0x13f: {  	v5 =	vld.idx.msk [tilespmem:v14+s30+$0x0], $0xffff  }
0x140: {  	v12 =	vld.idx.msk [tilespmem:v12+s30+$0x0], $0xffff;
	v13 =	vunpack.i.l.bf16.f32 v29  }
0x141: {  	[tilespmem:v3+s7+$0x0] =	vst.idx.add.f32.msk $0xffff, v25;
	v3 =	vmul.f32 v18, v13;
	v14 =	vunpack.i.u.bf16.f32 v29  }
0x142: {  	[tilespmem:v2+s6+$0x0] =	vst.idx.add.f32.msk $0xffff, v22;
	v13 =	vmul.f32 v18, v14  }
0x143: {  	[tilespmem:v19+s28+$0x0] =	vst.idx.add.f32.msk $0xffff, v3  }
0x144: {  	[tilespmem:v20+s5+$0x0] =	vst.idx.add.f32.msk $0xffff, v13;
	v3 =	vunpack.i.l.bf16.f32 v5  }
0x145: {  	v13 =	vunpack.i.l.bf16.f32 v12;
	v9 =	vld.idx.msk [tilespmem:v9+s30+$0x0], $0xffff;
	v5 =	vunpack.i.u.bf16.f32 v5;
	v3 =	vmul.f32 v3, v26  }
0x146: {  	[tilespmem:v2+s7+$0x0] =	vst.idx.add.f32.msk $0xffff, v21;
	v2 =	vmul.f32 v5, v26;
	v5 =	vunpack.i.u.bf16.f32 v12;
	v12 =	vmul.f32 v13, v17  }
0x147: {  	[tilespmem:v10+s6+$0x0] =	vst.idx.add.f32.msk $0xffff, v3  }
0x148: {  	v5 =	vmul.f32 v5, v17;
	v3 =	vunpack.i.l.bf16.f32 v6;
	[tilespmem:v8+s6+$0x0] =	vst.idx.add.f32.msk $0xffff, v12  }
0x149: {  	[tilespmem:v10+s7+$0x0] =	vst.idx.add.f32.msk $0xffff, v2;
	v2 =	vunpack.i.u.bf16.f32 v6;
	v3 =	vmul.f32 v3, v11  }
0x14a: {  	[tilespmem:v8+s7+$0x0] =	vst.idx.add.f32.msk $0xffff, v5;
	v5 =	vunpack.i.l.bf16.f32 v9;
	v2 =	vmul.f32 v2, v11  }
0x14b: {  	v5 =	vmul.f32 v5, v18;
	[tilespmem:v4+s6+$0x0] =	vst.idx.add.f32.msk $0xffff, v3;
	v3 =	vunpack.i.u.bf16.f32 v9  }
0x14c: {  	[tilespmem:v4+s7+$0x0] =	vst.idx.add.f32.msk $0xffff, v2;
	v2 =	vmul.f32 v3, v18  }
0x14d: {  	[tilespmem:v7+s6+$0x0] =	vst.idx.add.f32.msk $0xffff, v5  }
0x14e: {  	[tilespmem:v7+s7+$0x0] =	vst.idx.add.f32.msk $0xffff, v2  }
0x14f: {  	_ =	swait.ge [sflag:s8], $0x1000  }
0x150: {  	[sflag:s8] =	ssyncset.done $0x0  }
0x151: {  	p0 =	seq.s32 s11, $0x14;
	[sflag:s8] =	ssyncadd.s32 $0xFFFFF000  }
0x152: {  	s14 =	sadd.s32 @!p0 s14, s13;
	_ =	swait.ge [sflag:s9], $0x1000  }
0x153: {  	s16 =	simm.s32 @!p0 $0x0;
	s14 =	sshrl.u32 @!p0 s14, $0x3;
	[sflag:s9] =	ssyncset.done $0x0  }
0x154: {  	s17 =	simm.s32 @!p0 $0x16780;
	s15 =	sadd.s32 @!p0 s3, s14;
	[sflag:s9] =	ssyncadd.s32 $0xFFFFF000  }
0x155: {  	[tilespmem:s17], [sflag:$0x1] =	stream.linear.gather @!p0 [hbm4b:s15+s16], $0x1000, $0x38;
	[tilespmem:$0x1A780] =	vst v63  }
0x156: {  	s14 =	sadd.s32 @!p0 s4, s14;
	s15 =	simm.s32 @!p0 $0x18780;
	s17 =	simm.s32 $0x177A0  }
0x157: {  	[tilespmem:s15], [sflag:$0x3] =	stream.linear.gather @!p0 [hbm4b:s14+s16], $0x1000, $0x38;
	[tilespmem:$0x1A780] =	vst v63  }
0x158: {  	s16 =	simm.s32 $0x197A0;
	v4 =	vld [tilespmem:s17+$0x10]  }
0x159: {  	v7 =	vld [tilespmem:s16+$0x10];
	_ =	sdelay $0x4  }
0x15a: {  	v8 =	vld [tilespmem:s17+$0xFFFFFFF0]  }
0x15b: {  	v17 =	vld [tilespmem:s16+$0xFFFFFFF0]  }
0x15c: {  	v2 =	vld.idx.msk [tilespmem:v4+s2+$0x0], $0xffff  }
0x15d: {  	v3 =	vld.idx.msk [tilespmem:v7+s26+$0x0], $0xffff;
	_ =	sdelay $0x4  }
0x15e: {  	v2 =	vadd.f32 v3, v2;
	_ =	sdelay $0x1  }
0x15f: {  	v6 =	vld.idx.msk [tilespmem:v17+s26+$0x0], $0xffff;
	v5 =	vmul.f32 $2.000000030e-01, v2  }
0x160: {  	v3 =	vld.idx.msk [tilespmem:v8+s2+$0x0], $0xffff  }
0x161: {  	v2 =	vmax.f32 v2, v5  }
0x162: {  	v2 =	vsub.f32 v2, v1;
	_ =	sdelay $0x1  }
0x163: {  	v2 =	vmul.f32 $1.442695020e+00, v2  }
0x164: {  	v9 =	vld [tilespmem:s17+$0xFFFFFFE0];
	v3 =	vadd.f32 v6, v3  }
0x165: {  	v18 =	vld [tilespmem:s16+$0xFFFFFFE0];
	(erf) = vpow2.f32 v2  }
0x166: {  	v19 =	vld [tilespmem:s17+$0x0];
	v2 =	vmul.f32 $2.000000030e-01, v3;
	_ =	sdelay $0x1  }
0x167: {  	v3 =	vmax.f32 v3, v2;
	v2 =	vld [tilespmem:s16+$0x0];
	_ =	sdelay $0x1  }
0x168: {  	v3 =	vsub.f32 v3, v1;
	_ =	sdelay $0x1  }
0x169: {  	v12 =	vld.idx.msk [tilespmem:v9+s2+$0x0], $0xffff;
	v3 =	vmul.f32 $1.442695020e+00, v3  }
0x16a: {  	v5 =	vld.idx.msk [tilespmem:v18+s26+$0x0], $0xffff  }
0x16b: {  	(erf) = vpow2.f32 v3;
	v3 =	vld.idx.msk [tilespmem:v19+s2+$0x0], $0xffff;
	v10 =	vpop (erf)  }
0x16c: {  	[tilespmem:v7+s21+$0x0] =	vst.idx.add.f32.msk $0xffff, v10  }
0x16d: {  	v11 =	vld.idx.msk [tilespmem:v2+s26+$0x0], $0xffff  }
0x16e: {  	s16 =	simm.s32 $0x197E0;
	v6 =	vld.idx.msk [tilespmem:v4+s29+$0x0], $0xffff  }
0x16f: {  	v16 =	vld [tilespmem:s16+$0x10]  }
0x170: {  	s17 =	simm.s32 $0x177E0  }
0x171: {  	v14 =	vld [tilespmem:s17+$0x10];
	_ =	sdelay $0x1  }
0x172: {  	v3 =	vadd.f32 v11, v3;
	v13 =	vunpack.i.l.bf16.f32 v6  }
0x173: {  	v22 =	vld [tilespmem:s17+$0xFFFFFFE0];
	v5 =	vadd.f32 v5, v12;
	v11 =	vmul.f32 v10, v13  }
0x174: {  	v23 =	vld [tilespmem:s17+$0xFFFFFFF0];
	v12 =	vmul.f32 $2.000000030e-01, v3  }
0x175: {  	[tilespmem:v7+s28+$0x0] =	vst.idx.add.f32.msk $0xffff, v11;
	v11 =	vmul.f32 $2.000000030e-01, v5  }
0x176: {  	v6 =	vunpack.i.u.bf16.f32 v6;
	v13 =	vld.idx.msk [tilespmem:v16+s26+$0x0], $0xffff;
	v12 =	vmax.f32 v3, v12  }
0x177: {  	v6 =	vmul.f32 v10, v6;
	v3 =	vld [tilespmem:s16+$0xFFFFFFF0];
	v5 =	vmax.f32 v5, v11;
	v11 =	vsub.f32 v12, v1  }
0x178: {  	v12 =	vld.idx.msk [tilespmem:v14+s2+$0x0], $0xffff;
	v5 =	vsub.f32 v5, v1  }
0x179: {  	[tilespmem:v7+s5+$0x0] =	vst.idx.add.f32.msk $0xffff, v6;
	v11 =	vmul.f32 $1.442695020e+00, v11  }
0x17a: {  	v15 =	vld.idx.msk [tilespmem:v4+s30+$0x0], $0xffff;
	v6 =	vmul.f32 $1.442695020e+00, v5  }
0x17b: {  	v26 =	vld.idx.msk [tilespmem:v22+s2+$0x0], $0xffff;
	v20 =	vpop (erf);
	(erf) = vpow2.f32 v11  }
0x17c: {  	[tilespmem:v17+s21+$0x0] =	vst.idx.add.f32.msk $0xffff, v20;
	(erf) = vpow2.f32 v6  }
0x17d: {  	v24 =	vld.idx.msk [tilespmem:v8+s29+$0x0], $0xffff;
	v12 =	vadd.f32 v13, v12  }
0x17e: {  	v11 =	vld.idx.msk [tilespmem:v23+s2+$0x0], $0xffff  }
0x17f: {  	v21 =	vunpack.i.l.bf16.f32 v15;
	v13 =	vld.idx.msk [tilespmem:v3+s26+$0x0], $0xffff;
	v25 =	vmul.f32 $2.000000030e-01, v12  }
0x180: {  	v4 =	vld [tilespmem:s16+$0x0];
	v21 =	vmul.f32 v21, v10  }
0x181: {  	v5 =	vld [tilespmem:s16+$0xFFFFFFE0];
	v15 =	vunpack.i.u.bf16.f32 v15;
	v12 =	vmax.f32 v12, v25  }
0x182: {  	v6 =	vld [tilespmem:s17+$0x0];
	v10 =	vmul.f32 v15, v10;
	v15 =	vunpack.i.l.bf16.f32 v24;
	v12 =	vsub.f32 v12, v1  }
0x183: {  	v15 =	vmul.f32 v20, v15;
	[tilespmem:v7+s6+$0x0] =	vst.idx.add.f32.msk $0xffff, v21  }
0x184: {  	v24 =	vunpack.i.u.bf16.f32 v24;
	[tilespmem:v7+s7+$0x0] =	vst.idx.add.f32.msk $0xffff, v10;
	v7 =	vadd.f32 v13, v11;
	v11 =	vmul.f32 $1.442695020e+00, v12;
	v21 =	vpop (erf)  }
0x185: {  	v24 =	vmul.f32 v20, v24;
	[tilespmem:v17+s28+$0x0] =	vst.idx.add.f32.msk $0xffff, v15;
	v25 =	vpop (erf)  }
0x186: {  	v13 =	vmul.f32 $2.000000030e-01, v7;
	(erf) = vpow2.f32 v11;
	[tilespmem:v18+s21+$0x0] =	vst.idx.add.f32.msk $0xffff, v25  }
0x187: {  	v11 =	vld.idx.msk [tilespmem:v9+s29+$0x0], $0xffff  }
0x188: {  	[tilespmem:v17+s5+$0x0] =	vst.idx.add.f32.msk $0xffff, v24;
	v7 =	vmax.f32 v7, v13  }
0x189: {  	v10 =	vld.idx.msk [tilespmem:v5+s26+$0x0], $0xffff;
	v7 =	vsub.f32 v7, v1  }
0x18a: {  	v24 =	vld.idx.msk [tilespmem:v8+s30+$0x0], $0xffff  }
0x18b: {  	[tilespmem:v2+s21+$0x0] =	vst.idx.add.f32.msk $0xffff, v21;
	v7 =	vmul.f32 $1.442695020e+00, v7  }
0x18c: {  	v27 =	vld.idx.msk [tilespmem:v19+s29+$0x0], $0xffff;
	v15 =	vunpack.i.l.bf16.f32 v11  }
0x18d: {  	v12 =	vld.idx.msk [tilespmem:v6+s2+$0x0], $0xffff;
	(erf) = vpow2.f32 v7;
	v7 =	vmul.f32 v25, v15  }
0x18e: {  	v13 =	vld.idx.msk [tilespmem:v4+s26+$0x0], $0xffff  }
0x18f: {  	v8 =	vunpack.i.u.bf16.f32 v11;
	v11 =	vpop (erf);
	[tilespmem:v18+s28+$0x0] =	vst.idx.add.f32.msk $0xffff, v7  }
0x190: {  	v8 =	vmul.f32 v25, v8;
	[tilespmem:v16+s21+$0x0] =	vst.idx.add.f32.msk $0xffff, v11  }
0x191: {  	v15 =	vunpack.i.u.bf16.f32 v27;
	v7 =	vunpack.i.l.bf16.f32 v27;
	v27 =	vld.idx.msk [tilespmem:v14+s29+$0x0], $0xffff  }
0x192: {  	[tilespmem:v18+s5+$0x0] =	vst.idx.add.f32.msk $0xffff, v8  }
0x193: {  	s14 =	simm.s32 $0x19820;
	v28 =	vld.idx.msk [tilespmem:v9+s30+$0x0], $0xffff  }
0x194: {  	s17 =	simm.s32 $0x17820;
	v7 =	vmul.f32 v21, v7;
	v9 =	vadd.f32 v13, v12;
	v13 =	vld [tilespmem:s14+$0x10]  }
0x195: {  	v15 =	vmul.f32 v21, v15;
	v12 =	vld [tilespmem:s17+$0xFFFFFFF0]  }
0x196: {  	[tilespmem:v2+s28+$0x0] =	vst.idx.add.f32.msk $0xffff, v7  }
0x197: {  	[tilespmem:v2+s5+$0x0] =	vst.idx.add.f32.msk $0xffff, v15  }
0x198: {  	v15 =	vld [tilespmem:s17+$0x10];
	v29 =	vpop (erf);
	v7 =	vunpack.i.l.bf16.f32 v27  }
0x199: {  	[tilespmem:v3+s21+$0x0] =	vst.idx.add.f32.msk $0xffff, v29;
	v8 =	vunpack.i.u.bf16.f32 v27;
	v7 =	vmul.f32 v11, v7  }
0x19a: {  	v30 =	vld.idx.msk [tilespmem:v23+s29+$0x0], $0xffff;
	v8 =	vmul.f32 v11, v8  }
0x19b: {  	v10 =	vadd.f32 v10, v26;
	[tilespmem:v16+s28+$0x0] =	vst.idx.add.f32.msk $0xffff, v7;
	v7 =	vmul.f32 $2.000000030e-01, v9  }
0x19c: {  	[tilespmem:v16+s5+$0x0] =	vst.idx.add.f32.msk $0xffff, v8  }
0x19d: {  	v8 =	vmul.f32 $2.000000030e-01, v10;
	v14 =	vld.idx.msk [tilespmem:v14+s30+$0x0], $0xffff;
	v7 =	vmax.f32 v9, v7  }
0x19e: {  	v31 =	vld.idx.msk [tilespmem:v13+s26+$0x0], $0xffff;
	v7 =	vsub.f32 v7, v1  }
0x19f: {  	v9 =	vmax.f32 v10, v8;
	v8 =	vld [tilespmem:s14+$0xFFFFFFF0]  }
0x1a0: {  	v27 =	vld.idx.msk [tilespmem:v15+s2+$0x0], $0xffff;
	v10 =	vsub.f32 v9, v1;
	v26 =	vmul.f32 $1.442695020e+00, v7  }
0x1a1: {  	v9 =	vld [tilespmem:s17+$0x0]  }
0x1a2: {  	v7 =	vld [tilespmem:s14+$0x0];
	v10 =	vmul.f32 $1.442695020e+00, v10;
	(erf) = vpow2.f32 v26;
	v26 =	vunpack.i.l.bf16.f32 v14  }
0x1a3: {  	v32 =	vunpack.i.u.bf16.f32 v14;
	v14 =	vld [tilespmem:s17+$0xFFFFFFE0];
	v26 =	vmul.f32 v26, v11  }
0x1a4: {  	(erf) = vpow2.f32 v10;
	v10 =	vld [tilespmem:s14+$0xFFFFFFE0]  }
0x1a5: {  	v11 =	vmul.f32 v32, v11;
	[tilespmem:v16+s6+$0x0] =	vst.idx.add.f32.msk $0xffff, v26  }
0x1a6: {  	v26 =	vld.idx.msk [tilespmem:v12+s2+$0x0], $0xffff  }
0x1a7: {  	[tilespmem:v16+s7+$0x0] =	vst.idx.add.f32.msk $0xffff, v11  }
0x1a8: {  	v16 =	vadd.f32 v31, v27;
	v27 =	vld.idx.msk [tilespmem:v8+s26+$0x0], $0xffff  }
0x1a9: {  	v62 =	vunpack.i.u.bf16.f32 v24;
	v24 =	vunpack.i.l.bf16.f32 v24;
	v31 =	vld.idx.msk [tilespmem:v9+s2+$0x0], $0xffff  }
0x1aa: {  	v24 =	vmul.f32 v24, v20;
	v61 =	vmul.f32 $2.000000030e-01, v16;
	v33 =	vld.idx.msk [tilespmem:v7+s26+$0x0], $0xffff;
	_ =	sdelay $0x1  }
0x1ab: {  	[tilespmem:v17+s6+$0x0] =	vst.idx.add.f32.msk $0xffff, v24;
	v32 =	vmax.f32 v16, v61  }
0x1ac: {  	v35 =	vld.idx.msk [tilespmem:v14+s2+$0x0], $0xffff;
	v11 =	vpop (erf);
	v26 =	vadd.f32 v27, v26;
	v27 =	vunpack.i.u.bf16.f32 v30;
	v30 =	vunpack.i.l.bf16.f32 v30  }
0x1ad: {  	v34 =	vld.idx.msk [tilespmem:v10+s26+$0x0], $0xffff;
	v32 =	vsub.f32 v32, v1;
	v16 =	vpop (erf);
	v30 =	vmul.f32 v29, v30  }
0x1ae: {  	v27 =	vmul.f32 v29, v27;
	[tilespmem:v5+s21+$0x0] =	vst.idx.add.f32.msk $0xffff, v16;
	v31 =	vadd.f32 v33, v31  }
0x1af: {  	v32 =	vmul.f32 $1.442695020e+00, v32;
	v37 =	vmul.f32 $2.000000030e-01, v26;
	v36 =	vld.idx.msk [tilespmem:v22+s29+$0x0], $0xffff  }
0x1b0: {  	v63 =	vunpack.i.l.bf16.f32 v28;
	[tilespmem:v3+s28+$0x0] =	vst.idx.add.f32.msk $0xffff, v30;
	v30 =	vmul.f32 $2.000000030e-01, v31  }
0x1b1: {  	(erf) = vpow2.f32 v32;
	v26 =	vmax.f32 v26, v37;
	[tilespmem:v3+s5+$0x0] =	vst.idx.add.f32.msk $0xffff, v27;
	v27 =	vunpack.i.u.bf16.f32 v28  }
0x1b2: {  	v28 =	vmul.f32 v63, v25;
	v26 =	vsub.f32 v26, v1;
	v30 =	vmax.f32 v31, v30  }
0x1b3: {  	v25 =	vmul.f32 v27, v25;
	v27 =	vsub.f32 v30, v1;
	v30 =	vadd.f32 v34, v35  }
0x1b4: {  	v20 =	vmul.f32 v62, v20;
	[tilespmem:v18+s6+$0x0] =	vst.idx.add.f32.msk $0xffff, v28;
	v26 =	vmul.f32 $1.442695020e+00, v26  }
0x1b5: {  	[tilespmem:v18+s7+$0x0] =	vst.idx.add.f32.msk $0xffff, v25;
	v18 =	vmul.f32 $1.442695020e+00, v27;
	v25 =	vmul.f32 $2.000000030e-01, v30  }
0x1b6: {  	[tilespmem:v17+s7+$0x0] =	vst.idx.add.f32.msk $0xffff, v20;
	v28 =	vunpack.i.l.bf16.f32 v36;
	v17 =	vunpack.i.u.bf16.f32 v36;
	(erf) = vpow2.f32 v26  }
0x1b7: {  	[tilespmem:v4+s21+$0x0] =	vst.idx.add.f32.msk $0xffff, v11;
	v24 =	vmul.f32 v16, v28;
	(erf) = vpow2.f32 v18;
	v18 =	vmax.f32 v30, v25  }
0x1b8: {  	v38 =	vld.idx.msk [tilespmem:v6+s29+$0x0], $0xffff;
	v17 =	vmul.f32 v16, v17;
	v18 =	vsub.f32 v18, v1  }
0x1b9: {  	[tilespmem:v5+s28+$0x0] =	vst.idx.add.f32.msk $0xffff, v24  }
0x1ba: {  	[tilespmem:v5+s5+$0x0] =	vst.idx.add.f32.msk $0xffff, v17;
	v17 =	vmul.f32 $1.442695020e+00, v18  }
0x1bb: {  	v23 =	vld.idx.msk [tilespmem:v23+s30+$0x0], $0xffff  }
0x1bc: {  	v19 =	vld.idx.msk [tilespmem:v19+s30+$0x0], $0xffff;
	v26 =	vpop (erf);
	(erf) = vpow2.f32 v17  }
0x1bd: {  	v20 =	vunpack.i.l.bf16.f32 v38  }
0x1be: {  	v20 =	vmul.f32 v11, v20;
	[tilespmem:v13+s21+$0x0] =	vst.idx.add.f32.msk $0xffff, v26  }
0x1bf: {  	v24 =	vunpack.i.u.bf16.f32 v38;
	v28 =	vld.idx.msk [tilespmem:v15+s29+$0x0], $0xffff  }
0x1c0: {  	[tilespmem:v4+s28+$0x0] =	vst.idx.add.f32.msk $0xffff, v20;
	v20 =	vunpack.i.l.bf16.f32 v23;
	v24 =	vmul.f32 v11, v24  }
0x1c1: {  	v27 =	vld.idx.msk [tilespmem:v22+s30+$0x0], $0xffff;
	v18 =	vunpack.i.u.bf16.f32 v23;
	v23 =	vunpack.i.u.bf16.f32 v19;
	v19 =	vunpack.i.l.bf16.f32 v19  }
0x1c2: {  	[tilespmem:v4+s5+$0x0] =	vst.idx.add.f32.msk $0xffff, v24;
	v24 =	vmul.f32 v20, v29;
	v25 =	vmul.f32 v18, v29;
	v17 =	vpop (erf)  }
0x1c3: {  	v20 =	vmov v7;
	v22 =	vmul.f32 v19, v21;
	v21 =	vmul.f32 v23, v21;
	[tilespmem:v8+s21+$0x0] =	vst.idx.add.f32.msk $0xffff, v17  }
0x1c4: {  	s15 =	simm.s32 $0x8;
	s16 =	simm.s32 $0x17860;
	v23 =	vmov v10;
	v19 =	vmov v7;
	v29 =	vld.idx.msk [tilespmem:v12+s29+$0x0], $0xffff;
	v30 =	vunpack.i.l.bf16.f32 v28;
	v18 =	vpop (erf)  }
.LBB2_24:
0x1c5: {  	v31 =	vld [tilespmem:s16+$0x10];
	v28 =	vunpack.i.u.bf16.f32 v28;
	v30 =	vmul.f32 v26, v30;
	s14 =	sadd.s32 $0x40, s14;
	v32 =	vpop (erf)  }
0x1c6: {  	v33 =	vld [tilespmem:s14+$0x10];
	v28 =	vmul.f32 v26, v28  }
0x1c7: {  	[tilespmem:v13+s28+$0x0] =	vst.idx.add.f32.msk $0xffff, v30  }
0x1c8: {  	[tilespmem:v13+s5+$0x0] =	vst.idx.add.f32.msk $0xffff, v28;
	v28 =	vunpack.i.u.bf16.f32 v27;
	v27 =	vunpack.i.l.bf16.f32 v27  }
0x1c9: {  	v30 =	vld.idx.msk [tilespmem:v15+s30+$0x0], $0xffff;
	v27 =	vmul.f32 v27, v16;
	v28 =	vmul.f32 v28, v16;
	v16 =	vmov v32  }
0x1ca: {  	s15 =	sadd.s32 $0x4, s15;
	v34 =	vunpack.i.u.bf16.f32 v29;
	v29 =	vunpack.i.l.bf16.f32 v29;
	v32 =	vld [tilespmem:s14+$0xFFFFFFE0];
	v15 =	vmov v31  }
0x1cb: {  	p0 =	slt.u32 s15, $0xFC;
	v29 =	vmul.f32 v17, v29;
	v34 =	vmul.f32 v17, v34;
	v31 =	vld [tilespmem:s16+$0xFFFFFFF0]  }
0x1cc: {  	v35 =	vld [tilespmem:s14+$0xFFFFFFF0]  }
0x1cd: {  	v36 =	vld [tilespmem:s16+$0x0]  }
0x1ce: {  	v37 =	vld [tilespmem:s14+$0x0]  }
0x1cf: {  	v39 =	vunpack.i.l.bf16.f32 v30;
	v38 =	vld.idx.msk [tilespmem:v15+s2+$0x0], $0xffff  }
0x1d0: {  	v30 =	vunpack.i.u.bf16.f32 v30;
	v39 =	vmul.f32 v39, v26;
	v40 =	vld.idx.msk [tilespmem:v33+s26+$0x0], $0xffff  }
0x1d1: {  	v26 =	vmul.f32 v30, v26;
	v41 =	vld [tilespmem:s16+$0xFFFFFFE0]  }
0x1d2: {  	[tilespmem:v13+s6+$0x0] =	vst.idx.add.f32.msk $0xffff, v39  }
0x1d3: {  	[tilespmem:v13+s7+$0x0] =	vst.idx.add.f32.msk $0xffff, v26;
	v13 =	vmov v33  }
0x1d4: {  	v26 =	vld.idx.msk [tilespmem:v32+s26+$0x0], $0xffff  }
0x1d5: {  	v30 =	vld.idx.msk [tilespmem:v31+s2+$0x0], $0xffff  }
0x1d6: {  	v38 =	vadd.f32 v40, v38;
	v33 =	vld.idx.msk [tilespmem:v35+s26+$0x0], $0xffff  }
0x1d7: {  	v39 =	vld.idx.msk [tilespmem:v36+s2+$0x0], $0xffff  }
0x1d8: {  	v42 =	vmul.f32 $2.000000030e-01, v38;
	v40 =	vld.idx.msk [tilespmem:v37+s26+$0x0], $0xffff  }
0x1d9: {  	v43 =	vld.idx.msk [tilespmem:v41+s2+$0x0], $0xffff  }
0x1da: {  	v38 =	vmax.f32 v38, v42;
	[tilespmem:v10+s21+$0x0] =	vst.idx.add.f32.msk $0xffff, v16  }
0x1db: {  	v38 =	vsub.f32 v38, v1;
	[tilespmem:v7+s21+$0x0] =	vst.idx.add.f32.msk $0xffff, v18  }
0x1dc: {  	v30 =	vadd.f32 v33, v30;
	v33 =	vld.idx.msk [tilespmem:v14+s29+$0x0], $0xffff  }
0x1dd: {  	v38 =	vmul.f32 $1.442695020e+00, v38;
	v42 =	vld.idx.msk [tilespmem:v9+s29+$0x0], $0xffff  }
0x1de: {  	v44 =	vmul.f32 $2.000000030e-01, v30;
	v39 =	vadd.f32 v40, v39;
	[tilespmem:v8+s28+$0x0] =	vst.idx.add.f32.msk $0xffff, v29  }
0x1df: {  	v26 =	vadd.f32 v26, v43;
	(erf) = vpow2.f32 v38;
	[tilespmem:v8+s5+$0x0] =	vst.idx.add.f32.msk $0xffff, v34  }
0x1e0: {  	v29 =	vmax.f32 v30, v44;
	v30 =	vmul.f32 $2.000000030e-01, v39;
	v34 =	vld.idx.msk [tilespmem:v12+s30+$0x0], $0xffff;
	v12 =	vmov v31  }
0x1e1: {  	v31 =	vmul.f32 $2.000000030e-01, v26;
	v29 =	vsub.f32 v29, v1;
	v38 =	vld.idx.msk [tilespmem:v6+s30+$0x0], $0xffff;
	v6 =	vmovc v9;
	v9 =	vmov v36  }
0x1e2: {  	v30 =	vmax.f32 v39, v30;
	v36 =	vunpack.i.u.bf16.f32 v33;
	v33 =	vunpack.i.l.bf16.f32 v33;
	[tilespmem:v5+s6+$0x0] =	vst.idx.add.f32.msk $0xffff, v27  }
0x1e3: {  	v26 =	vmax.f32 v26, v31;
	v27 =	vmul.f32 $1.442695020e+00, v29;
	v29 =	vsub.f32 v30, v1;
	[tilespmem:v5+s7+$0x0] =	vst.idx.add.f32.msk $0xffff, v28  }
0x1e4: {  	v30 =	vunpack.i.l.bf16.f32 v42;
	v26 =	vsub.f32 v26, v1;
	v28 =	vunpack.i.u.bf16.f32 v42;
	v5 =	vmovc v10;
	[tilespmem:v3+s6+$0x0] =	vst.idx.add.f32.msk $0xffff, v24  }
0x1e5: {  	v10 =	vmovc v32;
	v24 =	vmul.f32 $1.442695020e+00, v29;
	(erf) = vpow2.f32 v27;
	[tilespmem:v3+s7+$0x0] =	vst.idx.add.f32.msk $0xffff, v25;
	v3 =	vmovc v8;
	v8 =	vmov v35  }
0x1e6: {  	v25 =	vmul.f32 $1.442695020e+00, v26;
	v27 =	vmul.f32 v16, v33;
	v29 =	vunpack.i.u.bf16.f32 v34;
	[tilespmem:v2+s6+$0x0] =	vst.idx.add.f32.msk $0xffff, v22  }
0x1e7: {  	v31 =	vmul.f32 v16, v36;
	v22 =	vunpack.i.l.bf16.f32 v34;
	(erf) = vpow2.f32 v24;
	[tilespmem:v2+s7+$0x0] =	vst.idx.add.f32.msk $0xffff, v21;
	v2 =	vmovc v4  }
0x1e8: {  	v21 =	vunpack.i.u.bf16.f32 v38;
	(erf) = vpow2.f32 v25;
	v26 =	vpop (erf);
	[tilespmem:v23+s28+$0x0] =	vst.idx.add.f32.msk $0xffff, v27;
	v27 =	vmul.f32 v18, v30  }
0x1e9: {  	v33 =	vunpack.i.l.bf16.f32 v38;
	v24 =	vmul.f32 v22, v17;
	v30 =	vmul.f32 v18, v28;
	[tilespmem:v13+s21+$0x0] =	vst.idx.add.f32.msk $0xffff, v26  }
0x1ea: {  	v22 =	vmul.f32 v33, v11;
	v4 =	vmovc v7;
	v25 =	vmul.f32 v29, v17;
	v23 =	vmov v32;
	v28 =	vld.idx.msk [tilespmem:v15+s29+$0x0], $0xffff  }
0x1eb: {  	v7 =	vmov v37;
	v21 =	vmul.f32 v21, v11;
	v11 =	vmov v18;
	[tilespmem:v5+s5+$0x0] =	vst.idx.add.f32.msk $0xffff, v31  }
.Ltmp11:
0x1ec: {  	[tilespmem:v19+s28+$0x0] =	vst.idx.add.f32.msk $0xffff, v27;
	v19 =	vmov v37;
	(pc) =	sbr.rel @p0 .LBB2_24-.Ltmp11, $4  }
0x1ed: {  	[tilespmem:v20+s5+$0x0] =	vst.idx.add.f32.msk $0xffff, v30;
	v20 =	vmov v37  }
0x1ee: {  	v17 =	vpop (erf);
	v27 =	vld.idx.msk [tilespmem:v14+s30+$0x0], $0xffff;
	v14 =	vmov v41  }
0x1ef: {  	[tilespmem:v35+s21+$0x0] =	vst.idx.add.f32.msk $0xffff, v17  }
0x1f0: {  	s16 =	sadd.s32 $0x40, s16;
	v30 =	vunpack.i.l.bf16.f32 v28;
	v29 =	vld.idx.msk [tilespmem:v12+s29+$0x0], $0xffff;
	v18 =	vpop (erf)  }
0x1f1: {  	_ =	sdelay $0x2  }
0x1f2: {  	v30 =	vmul.f32 v26, v30;
	v45 =	vpop (erf)  }
0x1f3: {  	v28 =	vunpack.i.u.bf16.f32 v28;
	[tilespmem:v10+s21+$0x0] =	vst.idx.add.f32.msk $0xffff, v45  }
0x1f4: {  	v28 =	vmul.f32 v26, v28;
	[tilespmem:v13+s28+$0x0] =	vst.idx.add.f32.msk $0xffff, v30  }
0x1f5: {  	v48 =	vld.idx.msk [tilespmem:v14+s29+$0x0], $0xffff  }
0x1f6: {  	[tilespmem:v13+s5+$0x0] =	vst.idx.add.f32.msk $0xffff, v28  }
0x1f7: {  	v15 =	vld.idx.msk [tilespmem:v15+s30+$0x0], $0xffff;
	_ =	sdelay $0x2  }
0x1f8: {  	[tilespmem:v7+s21+$0x0] =	vst.idx.add.f32.msk $0xffff, v18  }
0x1f9: {  	v6 =	vld.idx.msk [tilespmem:v6+s30+$0x0], $0xffff;
	v52 =	vunpack.i.l.bf16.f32 v48  }
0x1fa: {  	[tilespmem:v3+s6+$0x0] =	vst.idx.add.f32.msk $0xffff, v24;
	v54 =	vmul.f32 v45, v52;
	v44 =	vunpack.i.l.bf16.f32 v15  }
0x1fb: {  	v49 =	vld.idx.msk [tilespmem:v9+s29+$0x0], $0xffff;
	v15 =	vunpack.i.u.bf16.f32 v15;
	v28 =	vmul.f32 v44, v26  }
0x1fc: {  	v53 =	vunpack.i.u.bf16.f32 v48;
	v15 =	vmul.f32 v15, v26;
	[tilespmem:v23+s28+$0x0] =	vst.idx.add.f32.msk $0xffff, v54  }
0x1fd: {  	v46 =	vunpack.i.l.bf16.f32 v29;
	v55 =	vmul.f32 v45, v53;
	[tilespmem:v13+s6+$0x0] =	vst.idx.add.f32.msk $0xffff, v28  }
0x1fe: {  	v47 =	vunpack.i.u.bf16.f32 v29;
	[tilespmem:v13+s7+$0x0] =	vst.idx.add.f32.msk $0xffff, v15;
	v13 =	vmul.f32 v17, v46  }
0x1ff: {  	[tilespmem:v10+s5+$0x0] =	vst.idx.add.f32.msk $0xffff, v55;
	v15 =	vmul.f32 v17, v47  }
0x200: {  	v50 =	vunpack.i.l.bf16.f32 v27;
	[tilespmem:v8+s28+$0x0] =	vst.idx.add.f32.msk $0xffff, v13  }
0x201: {  	v51 =	vunpack.i.u.bf16.f32 v27;
	v13 =	vmul.f32 v50, v16;
	[tilespmem:v8+s5+$0x0] =	vst.idx.add.f32.msk $0xffff, v15  }
0x202: {  	v15 =	vmul.f32 v51, v16;
	v12 =	vld.idx.msk [tilespmem:v12+s30+$0x0], $0xffff  }
0x203: {  	[tilespmem:v5+s6+$0x0] =	vst.idx.add.f32.msk $0xffff, v13  }
0x204: {  	[tilespmem:v5+s7+$0x0] =	vst.idx.add.f32.msk $0xffff, v15  }
0x205: {  	v56 =	vunpack.i.l.bf16.f32 v49;
	v5 =	vld.idx.msk [tilespmem:v14+s30+$0x0], $0xffff  }
0x206: {  	[tilespmem:v3+s7+$0x0] =	vst.idx.add.f32.msk $0xffff, v25;
	v57 =	vunpack.i.u.bf16.f32 v49;
	v3 =	vmul.f32 v18, v56  }
0x207: {  	[tilespmem:v2+s6+$0x0] =	vst.idx.add.f32.msk $0xffff, v22;
	v58 =	vmul.f32 v18, v57  }
0x208: {  	[tilespmem:v19+s28+$0x0] =	vst.idx.add.f32.msk $0xffff, v3  }
0x209: {  	[tilespmem:v20+s5+$0x0] =	vst.idx.add.f32.msk $0xffff, v58;
	v60 =	vunpack.i.l.bf16.f32 v12  }
0x20a: {  	v59 =	vld.idx.msk [tilespmem:v9+s30+$0x0], $0xffff;
	v3 =	vunpack.i.l.bf16.f32 v5;
	v62 =	vmul.f32 v60, v17  }
0x20b: {  	[tilespmem:v2+s7+$0x0] =	vst.idx.add.f32.msk $0xffff, v21;
	v5 =	vunpack.i.u.bf16.f32 v5;
	v3 =	vmul.f32 v3, v45  }
0x20c: {  	v61 =	vunpack.i.u.bf16.f32 v12;
	v2 =	vmul.f32 v5, v45;
	[tilespmem:v8+s6+$0x0] =	vst.idx.add.f32.msk $0xffff, v62  }
0x20d: {  	s11 =	sadd.s32 $0x1, s11;
	v5 =	vmul.f32 v61, v17;
	[tilespmem:v10+s6+$0x0] =	vst.idx.add.f32.msk $0xffff, v3;
	v3 =	vunpack.i.l.bf16.f32 v6  }
0x20e: {  	p0 =	sne.s32 s11, $0x15;
	[tilespmem:v10+s7+$0x0] =	vst.idx.add.f32.msk $0xffff, v2;
	v2 =	vunpack.i.u.bf16.f32 v6;
	v3 =	vmul.f32 v3, v11  }
.Ltmp12:
0x20f: {  	v63 =	vunpack.i.l.bf16.f32 v59;
	[tilespmem:v8+s7+$0x0] =	vst.idx.add.f32.msk $0xffff, v5;
	v2 =	vmul.f32 v2, v11;
	(pc) =	sbr.rel @p0 .LBB2_21-.Ltmp12, $4  }
0x210: {  	v5 =	vmul.f32 v63, v18;
	[tilespmem:v4+s6+$0x0] =	vst.idx.add.f32.msk $0xffff, v3;
	v3 =	vunpack.i.u.bf16.f32 v59  }
0x211: {  	[tilespmem:v4+s7+$0x0] =	vst.idx.add.f32.msk $0xffff, v2;
	v2 =	vmul.f32 v3, v18  }
0x212: {  	[tilespmem:v7+s6+$0x0] =	vst.idx.add.f32.msk $0xffff, v5  }
0x213: {  	[tilespmem:v7+s7+$0x0] =	vst.idx.add.f32.msk $0xffff, v2  }
0x214: {  	s11 =	rddreg [dreg:$0xa]  }
0x215: {  	[hbm4b:s11+s22] =	stream.strided.scatter [tilespmem:s28], [sflag:$0x5], $0x2780, s23, s22, $0x38;
	[tilespmem:$0x1A780] =	vst v63  }
0x216: {  	_ =	swait.ge [sflag:s24], $0x2780  }
0x217: {  	[sflag:s24] =	ssyncset.done $0x0  }
0x218: {  	s14 =	rddreg [dreg:$0xb];
	[sflag:s24] =	ssyncadd.s32 $0xFFFFD880  }
0x219: {  	[hbm4b:s14+s22] =	stream.strided.scatter [tilespmem:s5], [sflag:$0x5], $0x2780, s23, s22, $0x38;
	[tilespmem:$0x1A780] =	vst v63  }
0x21a: {  	_ =	swait.ge [sflag:s24], $0x2780  }
0x21b: {  	[sflag:s24] =	ssyncset.done $0x0  }
0x21c: {  	s15 =	rddreg [dreg:$0xc];
	[sflag:s24] =	ssyncadd.s32 $0xFFFFD880  }
0x21d: {  	[hbm4b:s15+s22] =	stream.strided.scatter [tilespmem:s6], [sflag:$0x5], $0x2780, s23, s22, $0x38;
	[tilespmem:$0x1A780] =	vst v63  }
0x21e: {  	_ =	swait.ge [sflag:s24], $0x2780  }
0x21f: {  	[sflag:s24] =	ssyncset.done $0x0  }
0x220: {  	s16 =	rddreg [dreg:$0xd];
	[sflag:s24] =	ssyncadd.s32 $0xFFFFD880  }
0x221: {  	[hbm4b:s16+s22] =	stream.strided.scatter [tilespmem:s7], [sflag:$0x5], $0x2780, s23, s22, $0x38;
	[tilespmem:$0x1A780] =	vst v63  }
0x222: {  	s10 =	sadd.s32 $0x1, s10;
	_ =	swait.ge [sflag:s24], $0x2780  }
0x223: {  	p0 =	sne.s32 s10, s19;
	[sflag:s24] =	ssyncset.done $0x0  }
.Ltmp13:
0x224: {  	s17 =	simm.s32 $0x200;
	[sflag:s24] =	ssyncadd.s32 $0xFFFFD880;
	(pc) =	sbr.rel @p0 .LBB2_1-.Ltmp13, $4  }
0x225: {  	[hbm4b:s18+s22] =	stream.strided.scatter [tilespmem:s21], [sflag:$0x5], $0x2780, s17, s22, $0x38;
	[tilespmem:$0x1A780] =	vst v63  }
0x226: {  	_ =	swait.ge [sflag:s24], $0x2780  }
0x227: {  	[sflag:s24] =	ssyncset.done $0x0  }
0x228: {  	[sflag:s24] =	ssyncadd.s32 $0xFFFFD880  }
0x229: {  	_ =	sfence.sel $0x180000  }
0x22a: {  	[bflag:$0x0] =	sbarrier.arrive $0xFFFF  }
0x22b: {  	_ =	strace $0x90000047  }
0x22c: {  	s0 =	stileid.u32;
	[bflag:$0x2] =	sbarrier.arrive $0xFFFF  }
0x22d: {  	p0 =	sne.s32 s0, $0x0;
	s0 =	rddreg [dreg:$0x2]  }
0x22e: {  	s0 =	sadd.s32 @!p0 $0x100000, s0  }
0x22f: {  	[sflag:s0] =	ssyncadd.tile.s32 @!p0 $0x1;
	_ =	shalt  }
.Lfunc_end2:
_tile_overlayer_lowered:
.L_overlay_start_2:
0x230: {  	(tag) =	ssettag $0x2  }
0x231: {  	s0 =	rddreg [dreg:$0x0];
	s2 =	stileid.u32  }
0x232: {  	s1 =	rddreg [dreg:$0x1];
	p0 =	sne.s32 s2, $0x0  }
0x233: {  	s3 =	rddreg [dreg:$0x2];
	[bflag:$0x3] =	sbarrier.arrive $0xFFFF;
	s2 =	simm.s32 @!p0 $0x1C05  }
0x234: {  	[timem:s3], [sflag:s2] =	dma.local @!p0 [hbm:s0], s1  }
0x235: {  	s0 =	simm.s32 @!p0 $0x5  }
0x236: {  	_ =	swait.ge @!p0 [sflag:s0], s1  }
0x237: {  	s1 =	ssub.s32 @!p0 $0x0, s1;
	[sflag:s0] =	ssyncset.done @!p0 $0x0  }
0x238: {  	[sflag:s0] =	ssyncadd.s32 @!p0 s1  }
0x239: {  	[bflag:$0x3] =	sbarrier.arrive $0xFFFF  }
0x23a: {  	_ =	shalt  }

</sc_bundles>
